<compile_context>
chip_gen: v7x
topology: tpu7x:2x2x1
jax: 0.10.2.dev20260603
libtpu: 0.0.44.dev20260713+nightly
codegen_flags: <defaults>
</compile_context>

<pallas_src>
import jax
import jax.numpy as jnp
from jax import lax
from jax.experimental import pallas as pl
from jax.experimental.pallas import tpu as pltpu
from jax.experimental.pallas import tpu_sc as plsc

VOCAB = 50265
HIDDEN = 1024
PROMPT_LENGTH = 10
BATCH = 4
SEQ = 2048

NC, NS = 2, 16
NW = NC * NS
ROWS = BATCH * SEQ
RPW = ROWS // NW
CH = 32
NCH = RPW // CH


PROMPT_PAD = 16
NBUF = 3


def _body(tok_hbm, table_hbm, prompts_hbm, out_hbm,
          idx_v, buf0, buf1, buf2, pbuf, g0, g1, g2, s0, s1, s2):
    wid = lax.axis_index("s") * NC + lax.axis_index("c")
    base = wid * RPW
    pltpu.sync_copy(tok_hbm.at[pl.ds(base, RPW)], idx_v)

    bufs = (buf0, buf1, buf2)
    gsem = (g0, g1, g2)
    ssem = (s0, s1, s2)

    def gather(c):
        return pltpu.make_async_copy(
            table_hbm.at[idx_v.at[pl.ds(c * CH, CH)]],
            bufs[c % NBUF], gsem[c % NBUF])

    def scatter(c):
        return pltpu.make_async_copy(
            bufs[c % NBUF], out_hbm.at[pl.ds(base + c * CH, CH)],
            ssem[c % NBUF])

    gather(0).start()
    gather(1).start()
    for c in range(NCH):
        gather(c).wait()
        if c == 0:
            @pl.when(wid % (NW // BATCH) == 0)
            def _():
                pltpu.sync_copy(prompts_hbm.at[pl.ds(0, 8)],
                                bufs[0].at[pl.ds(0, 8)])
                pltpu.sync_copy(prompts_hbm, pbuf)
                for r in range(8, PROMPT_LENGTH):
                    for k in range(HIDDEN // 16):
                        bufs[0][r, pl.ds(k * 16, 16)] = \
                            pbuf[r, pl.ds(k * 16, 16)]
        scatter(c).start()
        if c + 2 < NCH:
            if c >= 1:
                scatter(c - 1).wait()
            gather(c + 2).start()
    for c in range(max(0, NCH - 3), NCH):
        scatter(c).wait()


def kernel(tokens, wte_weight, prompts):
    tok_flat = tokens.reshape(ROWS)
    prompts_pad = jnp.concatenate(
        [prompts, jnp.zeros((PROMPT_PAD - PROMPT_LENGTH, HIDDEN),
                            prompts.dtype)], axis=0)
    run = pl.kernel(
        _body,
        out_type=jax.ShapeDtypeStruct((ROWS, HIDDEN), jnp.float32),
        mesh=plsc.VectorSubcoreMesh(core_axis_name="c", subcore_axis_name="s"),
        scratch_types=[
            pltpu.VMEM((RPW,), jnp.int32),
            pltpu.VMEM((CH, HIDDEN), jnp.float32),
            pltpu.VMEM((CH, HIDDEN), jnp.float32),
            pltpu.VMEM((CH, HIDDEN), jnp.float32),
            pltpu.VMEM((PROMPT_PAD, HIDDEN), jnp.float32),
            pltpu.SemaphoreType.DMA,
            pltpu.SemaphoreType.DMA,
            pltpu.SemaphoreType.DMA,
            pltpu.SemaphoreType.DMA,
            pltpu.SemaphoreType.DMA,
            pltpu.SemaphoreType.DMA,
        ],
    )
    out = run(tok_flat, wte_weight, prompts_pad)
    return out.reshape(BATCH, SEQ, HIDDEN)

# --- scband reference (transcript-rebuilt; emitter-appended) ---
"""Pipeline reference for scband-soft-prompt-1047972020565 (READ-ONLY COPY).

The authoritative reference and input builder live on the scoring server;
editing this copy changes nothing except your own understanding.
"""

import jax, jax.numpy as jnp
import numpy as np

VOCAB = 50265
HIDDEN = 1024
PROMPT_LENGTH = 10
BATCH = 4
SEQ = 2048


def setup_inputs(seed: int = 0) -> dict:
    key = jax.random.key(seed)
    k1, k2 = jax.random.split(key)
    tokens = jax.random.randint(k1, (BATCH, SEQ), 0, VOCAB, dtype=jnp.int32)
    wte_weight = jax.random.normal(k2, (VOCAB, HIDDEN), dtype=jnp.float32) * 0.02
    # mode='fixed': prompts initialized from wte.weight[50261] expanded; it is a
    # detached, independent learned parameter after init.
    prompts = jnp.tile(wte_weight[50261][None, :], (PROMPT_LENGTH, 1))
    return {"tokens": tokens, "wte_weight": wte_weight, "prompts": prompts}


def reference(tokens, wte_weight, prompts):
    # input_embedding = self.wte(tokens[:, prompt_length:])
    input_embedding = jnp.take(wte_weight, tokens[:, PROMPT_LENGTH:], axis=0)
    # prompts.unsqueeze(0).repeat(B, 1, 1)
    b = tokens.shape[0]
    p = jnp.broadcast_to(prompts[None, :, :], (b, prompts.shape[0], prompts.shape[1]))
    return jnp.concatenate([p, input_embedding], axis=1)

if __name__ == "__main__":
    import jax
    _d = setup_inputs()
    print(jax.jit(kernel)(*tuple(_d.values())))

</pallas_src>

<mosaic_0001>
#map = affine_map<(d0, d1) -> (0)>
#map1 = affine_map<(d0, d1) -> (0, 0)>
module attributes {stable_mosaic.version = 14 : i64} {
  func.func @_body(%arg0: i32, %arg1: i32, %arg2: memref<8192xi32, #tpu.memory_space<hbm>>, %arg3: memref<50265x1024xf32, #tpu.memory_space<hbm>>, %arg4: memref<16x1024xf32, #tpu.memory_space<hbm>>, %arg5: memref<8192x1024xf32, #tpu.memory_space<hbm>>, %arg6: memref<256xi32, #tpu.memory_space<vmem>>, %arg7: memref<32x1024xf32, #tpu.memory_space<vmem>>, %arg8: memref<32x1024xf32, #tpu.memory_space<vmem>>, %arg9: memref<32x1024xf32, #tpu.memory_space<vmem>>, %arg10: memref<16x1024xf32, #tpu.memory_space<vmem>>, %arg11: memref<!tpu.dma_semaphore, #tpu.memory_space<semaphore_mem>>, %arg12: memref<!tpu.dma_semaphore, #tpu.memory_space<semaphore_mem>>, %arg13: memref<!tpu.dma_semaphore, #tpu.memory_space<semaphore_mem>>, %arg14: memref<!tpu.dma_semaphore, #tpu.memory_space<semaphore_mem>>, %arg15: memref<!tpu.dma_semaphore, #tpu.memory_space<semaphore_mem>>, %arg16: memref<!tpu.dma_semaphore, #tpu.memory_space<semaphore_mem>>) attributes {dimension_semantics = [#tpu.dimension_semantics<core_parallel>, #tpu.dimension_semantics<subcore_parallel>], iteration_bounds = array<i64: 2, 16>, scalar_prefetch = 0 : i64, scratch_operands = 11 : i64, tpu.core_type = #tpu.core_type<sc_vector_subcore>, window_params = [{transform_indices = #map}, {transform_indices = #map1}, {transform_indices = #map1}, {transform_indices = #map1}]} {
    %mul3A = arith.constant 2 : i32
    %mul3A_0 = arith.muli %arg1, %mul3A : i32
    %add3A = arith.addi %mul3A_0, %arg0 : i32
    %mul3A_1 = arith.constant 256 : i32
    %mul3A_2 = arith.muli %add3A, %mul3A_1 : i32
    "tpu.region"() ({
      %run_scoped3A = tpu.sem_alloc : memref<!tpu.dma_semaphore, #tpu.memory_space<semaphore_mem>>
      %dma_start3A_189 = tpu.memref_slice %arg2[%mul3A_2] : memref<8192xi32, #tpu.memory_space<hbm>> -> memref<256xi32, #tpu.memory_space<hbm>>
      %dma_start3A_190 = tpu.memref_slice %arg2[%mul3A_2] : memref<8192xi32, #tpu.memory_space<hbm>> -> memref<256xi32, #tpu.memory_space<hbm>>
      tpu.enqueue_dma source(%dma_start3A_190 : memref<256xi32, #tpu.memory_space<hbm>>) target(%arg6 : memref<256xi32, #tpu.memory_space<vmem>>) target_semaphore(%run_scoped3A : memref<!tpu.dma_semaphore, #tpu.memory_space<semaphore_mem>>)
      %dma_wait3A_191 = tpu.memref_slice %arg2[%mul3A_2] : memref<8192xi32, #tpu.memory_space<hbm>> -> memref<256xi32, #tpu.memory_space<hbm>>
      %dma_wait3A_192 = tpu.memref_slice %arg2[%mul3A_2] : memref<8192xi32, #tpu.memory_space<hbm>> -> memref<256xi32, #tpu.memory_space<hbm>>
      tpu.wait_dma2 semaphore(%run_scoped3A : memref<!tpu.dma_semaphore, #tpu.memory_space<semaphore_mem>>) src(%dma_wait3A_192 : memref<256xi32, #tpu.memory_space<hbm>>) dst(%arg6 : memref<256xi32, #tpu.memory_space<vmem>>)
      tpu.yield
    }) : () -> ()
    %dma_start3A = arith.constant 0 : i32
    %dma_start3A_3 = tpu.memref_slice %arg6[%dma_start3A] : memref<256xi32, #tpu.memory_space<vmem>> -> memref<32xi32, #tpu.memory_space<vmem>>
    %dma_start3A_4 = arith.constant 0 : i32
    %dma_start3A_5 = arith.constant 0 : i32
    %dma_start3A_6 = tpu.memref_slice %arg3[%dma_start3A_4, %dma_start3A_5] : memref<50265x1024xf32, #tpu.memory_space<hbm>> -> memref<50265x1024xf32, #tpu.memory_space<hbm>>
    tpu.enqueue_indirect_dma source(%dma_start3A_6 : memref<50265x1024xf32, #tpu.memory_space<hbm>>) target(%arg7 : memref<32x1024xf32, #tpu.memory_space<vmem>>) offsets(%dma_start3A_3 : memref<32xi32, #tpu.memory_space<vmem>>) semaphore(%arg11 : memref<!tpu.dma_semaphore, #tpu.memory_space<semaphore_mem>>)
    %dma_start3A_7 = arith.constant 32 : i32
    %dma_start3A_8 = tpu.memref_slice %arg6[%dma_start3A_7] : memref<256xi32, #tpu.memory_space<vmem>> -> memref<32xi32, #tpu.memory_space<vmem>>
    %dma_start3A_9 = arith.constant 0 : i32
    %dma_start3A_10 = arith.constant 0 : i32
    %dma_start3A_11 = tpu.memref_slice %arg3[%dma_start3A_9, %dma_start3A_10] : memref<50265x1024xf32, #tpu.memory_space<hbm>> -> memref<50265x1024xf32, #tpu.memory_space<hbm>>
    tpu.enqueue_indirect_dma source(%dma_start3A_11 : memref<50265x1024xf32, #tpu.memory_space<hbm>>) target(%arg8 : memref<32x1024xf32, #tpu.memory_space<vmem>>) offsets(%dma_start3A_8 : memref<32xi32, #tpu.memory_space<vmem>>) semaphore(%arg12 : memref<!tpu.dma_semaphore, #tpu.memory_space<semaphore_mem>>)
    %dma_wait3A = arith.constant 0 : i32
    %dma_wait3A_12 = tpu.memref_slice %arg6[%dma_wait3A] : memref<256xi32, #tpu.memory_space<vmem>> -> memref<32xi32, #tpu.memory_space<vmem>>
    %dma_wait3A_13 = arith.constant 0 : i32
    %dma_wait3A_14 = arith.constant 0 : i32
    %dma_wait3A_15 = tpu.memref_slice %arg3[%dma_wait3A_13, %dma_wait3A_14] : memref<50265x1024xf32, #tpu.memory_space<hbm>> -> memref<50265x1024xf32, #tpu.memory_space<hbm>>
    tpu.wait_indirect_dma semaphore(%arg11 : memref<!tpu.dma_semaphore, #tpu.memory_space<semaphore_mem>>) src(%dma_wait3A_15 : memref<50265x1024xf32, #tpu.memory_space<hbm>>) dst(%arg7 : memref<32x1024xf32, #tpu.memory_space<vmem>>)
    %jit3A = arith.constant 8 : i32
    %eq3A = arith.constant 0 : i32
    %eq3A_16 = arith.cmpi eq, %jit3A, %eq3A : i32
    %jit3A_17 = arith.constant 1 : i32
    %select_n3A = arith.select %eq3A_16, %jit3A_17, %jit3A : i32
    %rem3A = arith.remsi %add3A, %select_n3A : i32
    %ne3A = arith.constant 0 : i32
    %ne3A_18 = arith.cmpi ne, %rem3A, %ne3A : i32
    %lt3A = arith.constant 0 : i32
    %lt3A_19 = arith.cmpi slt, %rem3A, %lt3A : i32
    %lt3A_20 = arith.constant 0 : i32
    %lt3A_21 = arith.cmpi slt, %select_n3A, %lt3A_20 : i32
    %ne3A_22 = arith.xori %lt3A_19, %lt3A_21 : i1
    %and3A = arith.andi %ne3A_22, %ne3A_18 : i1
    %add3A_23 = arith.addi %rem3A, %select_n3A : i32
    %select_n3A_24 = arith.select %and3A, %add3A_23, %rem3A : i32
    %eq3A_25 = arith.constant 0 : i32
    %eq3A_26 = arith.cmpi eq, %select_n3A_24, %eq3A_25 : i32
    %convert_element_type3A = arith.extui %eq3A_26 : i1 to i32
    %cond3A = arith.constant 0 : i32
    %cond3A_27 = arith.cmpi ne, %convert_element_type3A, %cond3A : i32
    scf.if %cond3A_27 {
      "tpu.region"() ({
        %run_scoped3A = tpu.sem_alloc : memref<!tpu.dma_semaphore, #tpu.memory_space<semaphore_mem>>
        %dma_start3A_1595 = arith.constant 0 : i32
        %dma_start3A_1596 = arith.constant 0 : i32
        %dma_start3A_1597 = tpu.memref_slice %arg7[%dma_start3A_1595, %dma_start3A_1596] : memref<32x1024xf32, #tpu.memory_space<vmem>> -> memref<8x1024xf32, #tpu.memory_space<vmem>>
        %dma_start3A_1598 = arith.constant 0 : i32
        %dma_start3A_1599 = arith.constant 0 : i32
        %dma_start3A_1600 = tpu.memref_slice %arg4[%dma_start3A_1598, %dma_start3A_1599] : memref<16x1024xf32, #tpu.memory_space<hbm>> -> memref<8x1024xf32, #tpu.memory_space<hbm>>
        %dma_start3A_1601 = arith.constant 0 : i32
        %dma_start3A_1602 = arith.constant 0 : i32
        %dma_start3A_1603 = tpu.memref_slice %arg7[%dma_start3A_1601, %dma_start3A_1602] : memref<32x1024xf32, #tpu.memory_space<vmem>> -> memref<8x1024xf32, #tpu.memory_space<vmem>>
        %dma_start3A_1604 = arith.constant 0 : i32
        %dma_start3A_1605 = arith.constant 0 : i32
        %dma_start3A_1606 = tpu.memref_slice %arg4[%dma_start3A_1604, %dma_start3A_1605] : memref<16x1024xf32, #tpu.memory_space<hbm>> -> memref<8x1024xf32, #tpu.memory_space<hbm>>
        tpu.enqueue_dma source(%dma_start3A_1606 : memref<8x1024xf32, #tpu.memory_space<hbm>>) target(%dma_start3A_1603 : memref<8x1024xf32, #tpu.memory_space<vmem>>) target_semaphore(%run_scoped3A : memref<!tpu.dma_semaphore, #tpu.memory_space<semaphore_mem>>)
        %dma_wait3A_1607 = arith.constant 0 : i32
        %dma_wait3A_1608 = arith.constant 0 : i32
        %dma_wait3A_1609 = tpu.memref_slice %arg7[%dma_wait3A_1607, %dma_wait3A_1608] : memref<32x1024xf32, #tpu.memory_space<vmem>> -> memref<8x1024xf32, #tpu.memory_space<vmem>>
        %dma_wait3A_1610 = arith.constant 0 : i32
        %dma_wait3A_1611 = arith.constant 0 : i32
        %dma_wait3A_1612 = tpu.memref_slice %arg4[%dma_wait3A_1610, %dma_wait3A_1611] : memref<16x1024xf32, #tpu.memory_space<hbm>> -> memref<8x1024xf32, #tpu.memory_space<hbm>>
        %dma_wait3A_1613 = arith.constant 0 : i32
        %dma_wait3A_1614 = arith.constant 0 : i32
        %dma_wait3A_1615 = tpu.memref_slice %arg7[%dma_wait3A_1613, %dma_wait3A_1614] : memref<32x1024xf32, #tpu.memory_space<vmem>> -> memref<8x1024xf32, #tpu.memory_space<vmem>>
        %dma_wait3A_1616 = arith.constant 0 : i32
        %dma_wait3A_1617 = arith.constant 0 : i32
        %dma_wait3A_1618 = tpu.memref_slice %arg4[%dma_wait3A_1616, %dma_wait3A_1617] : memref<16x1024xf32, #tpu.memory_space<hbm>> -> memref<8x1024xf32, #tpu.memory_space<hbm>>
        tpu.wait_dma2 semaphore(%run_scoped3A : memref<!tpu.dma_semaphore, #tpu.memory_space<semaphore_mem>>) src(%dma_wait3A_1618 : memref<8x1024xf32, #tpu.memory_space<hbm>>) dst(%dma_wait3A_1615 : memref<8x1024xf32, #tpu.memory_space<vmem>>)
        tpu.yield
      }) : () -> ()
      "tpu.region"() ({
        %run_scoped3A = tpu.sem_alloc : memref<!tpu.dma_semaphore, #tpu.memory_space<semaphore_mem>>
        tpu.enqueue_dma source(%arg4 : memref<16x1024xf32, #tpu.memory_space<hbm>>) target(%arg10 : memref<16x1024xf32, #tpu.memory_space<vmem>>) target_semaphore(%run_scoped3A : memref<!tpu.dma_semaphore, #tpu.memory_space<semaphore_mem>>)
        tpu.wait_dma2 semaphore(%run_scoped3A : memref<!tpu.dma_semaphore, #tpu.memory_space<semaphore_mem>>) src(%arg4 : memref<16x1024xf32, #tpu.memory_space<hbm>>) dst(%arg10 : memref<16x1024xf32, #tpu.memory_space<vmem>>)
        tpu.yield
      }) : () -> ()
      %get3A = arith.constant 8 : i32
      %get3A_189 = arith.index_cast %get3A : i32 to index
      %get3A_190 = arith.constant 0 : index
      %get3A_191 = tpu.vector_load %arg10[%get3A_189, %get3A_190] {strides = array<i32>} : memref<16x1024xf32, #tpu.memory_space<vmem>>, vector<1x16xf32>,
      %get3A_192 = vector.shape_cast %get3A_191 : vector<1x16xf32> to vector<16xf32>
      %swap3A = arith.constant 8 : i32
      %swap3A_193 = arith.index_cast %swap3A : i32 to index
      %swap3A_194 = arith.constant 0 : index
      %swap3A_195 = tpu.vector_load %arg7[%swap3A_193, %swap3A_194] {strides = array<i32>} : memref<32x1024xf32, #tpu.memory_space<vmem>>, vector<1x16xf32>,
      %swap3A_196 = vector.shape_cast %swap3A_195 : vector<1x16xf32> to vector<16xf32>
      %swap3A_197 = vector.shape_cast %get3A_192 : vector<16xf32> to vector<1x16xf32>
      tpu.vector_store %arg7[%swap3A_193, %swap3A_194], %swap3A_197 {strides = array<i32>} : memref<32x1024xf32, #tpu.memory_space<vmem>>, vector<1x16xf32>,
      %get3A_198 = arith.constant 8 : i32
      %get3A_199 = arith.index_cast %get3A_198 : i32 to index
      %get3A_200 = arith.constant 16 : index
      %get3A_201 = tpu.vector_load %arg10[%get3A_199, %get3A_200] {strides = array<i32>} : memref<16x1024xf32, #tpu.memory_space<vmem>>, vector<1x16xf32>,
      %get3A_202 = vector.shape_cast %get3A_201 : vector<1x16xf32> to vector<16xf32>
      %swap3A_203 = arith.constant 8 : i32
      %swap3A_204 = arith.index_cast %swap3A_203 : i32 to index
      %swap3A_205 = arith.constant 16 : index
      %swap3A_206 = tpu.vector_load %arg7[%swap3A_204, %swap3A_205] {strides = array<i32>} : memref<32x1024xf32, #tpu.memory_space<vmem>>, vector<1x16xf32>,
      %swap3A_207 = vector.shape_cast %swap3A_206 : vector<1x16xf32> to vector<16xf32>
      %swap3A_208 = vector.shape_cast %get3A_202 : vector<16xf32> to vector<1x16xf32>
      tpu.vector_store %arg7[%swap3A_204, %swap3A_205], %swap3A_208 {strides = array<i32>} : memref<32x1024xf32, #tpu.memory_space<vmem>>, vector<1x16xf32>,
      %get3A_209 = arith.constant 8 : i32
      %get3A_210 = arith.index_cast %get3A_209 : i32 to index
      %get3A_211 = arith.constant 32 : index
      %get3A_212 = tpu.vector_load %arg10[%get3A_210, %get3A_211] {strides = array<i32>} : memref<16x1024xf32, #tpu.memory_space<vmem>>, vector<1x16xf32>,
      %get3A_213 = vector.shape_cast %get3A_212 : vector<1x16xf32> to vector<16xf32>
      %swap3A_214 = arith.constant 8 : i32
      %swap3A_215 = arith.index_cast %swap3A_214 : i32 to index
      %swap3A_216 = arith.constant 32 : index
      %swap3A_217 = tpu.vector_load %arg7[%swap3A_215, %swap3A_216] {strides = array<i32>} : memref<32x1024xf32, #tpu.memory_space<vmem>>, vector<1x16xf32>,
      %swap3A_218 = vector.shape_cast %swap3A_217 : vector<1x16xf32> to vector<16xf32>
      %swap3A_219 = vector.shape_cast %get3A_213 : vector<16xf32> to vector<1x16xf32>
      tpu.vector_store %arg7[%swap3A_215, %swap3A_216], %swap3A_219 {strides = array<i32>} : memref<32x1024xf32, #tpu.memory_space<vmem>>, vector<1x16xf32>,
      %get3A_220 = arith.constant 8 : i32
      %get3A_221 = arith.index_cast %get3A_220 : i32 to index
      %get3A_222 = arith.constant 48 : index
      %get3A_223 = tpu.vector_load %arg10[%get3A_221, %get3A_222] {strides = array<i32>} : memref<16x1024xf32, #tpu.memory_space<vmem>>, vector<1x16xf32>,
      %get3A_224 = vector.shape_cast %get3A_223 : vector<1x16xf32> to vector<16xf32>
      %swap3A_225 = arith.constant 8 : i32
      %swap3A_226 = arith.index_cast %swap3A_225 : i32 to index
      %swap3A_227 = arith.constant 48 : index
      %swap3A_228 = tpu.vector_load %arg7[%swap3A_226, %swap3A_227] {strides = array<i32>} : memref<32x1024xf32, #tpu.memory_space<vmem>>, vector<1x16xf32>,
      %swap3A_229 = vector.shape_cast %swap3A_228 : vector<1x16xf32> to vector<16xf32>
      %swap3A_230 = vector.shape_cast %get3A_224 : vector<16xf32> to vector<1x16xf32>
      tpu.vector_store %arg7[%swap3A_226, %swap3A_227], %swap3A_230 {strides = array<i32>} : memref<32x1024xf32, #tpu.memory_space<vmem>>, vector<1x16xf32>,
      %get3A_231 = arith.constant 8 : i32
      %get3A_232 = arith.index_cast %get3A_231 : i32 to index
      %get3A_233 = arith.constant 64 : index
      %get3A_234 = tpu.vector_load %arg10[%get3A_232, %get3A_233] {strides = array<i32>} : memref<16x1024xf32, #tpu.memory_space<vmem>>, vector<1x16xf32>,
      %get3A_235 = vector.shape_cast %get3A_234 : vector<1x16xf32> to vector<16xf32>
      %swap3A_236 = arith.constant 8 : i32
      %swap3A_237 = arith.index_cast %swap3A_236 : i32 to index
      %swap3A_238 = arith.constant 64 : index
      %swap3A_239 = tpu.vector_load %arg7[%swap3A_237, %swap3A_238] {strides = array<i32>} : memref<32x1024xf32, #tpu.memory_space<vmem>>, vector<1x16xf32>,
      %swap3A_240 = vector.shape_cast %swap3A_239 : vector<1x16xf32> to vector<16xf32>
      %swap3A_241 = vector.shape_cast %get3A_235 : vector<16xf32> to vector<1x16xf32>
      tpu.vector_store %arg7[%swap3A_237, %swap3A_238], %swap3A_241 {strides = array<i32>} : memref<32x1024xf32, #tpu.memory_space<vmem>>, vector<1x16xf32>,
      %get3A_242 = arith.constant 8 : i32
      %get3A_243 = arith.index_cast %get3A_242 : i32 to index
      %get3A_244 = arith.constant 80 : index
      %get3A_245 = tpu.vector_load %arg10[%get3A_243, %get3A_244] {strides = array<i32>} : memref<16x1024xf32, #tpu.memory_space<vmem>>, vector<1x16xf32>,
      %get3A_246 = vector.shape_cast %get3A_245 : vector<1x16xf32> to vector<16xf32>
      %swap3A_247 = arith.constant 8 : i32
      %swap3A_248 = arith.index_cast %swap3A_247 : i32 to index
      %swap3A_249 = arith.constant 80 : index
      %swap3A_250 = tpu.vector_load %arg7[%swap3A_248, %swap3A_249] {strides = array<i32>} : memref<32x1024xf32, #tpu.memory_space<vmem>>, vector<1x16xf32>,
      %swap3A_251 = vector.shape_cast %swap3A_250 : vector<1x16xf32> to vector<16xf32>
      %swap3A_252 = vector.shape_cast %get3A_246 : vector<16xf32> to vector<1x16xf32>
      tpu.vector_store %arg7[%swap3A_248, %swap3A_249], %swap3A_252 {strides = array<i32>} : memref<32x1024xf32, #tpu.memory_space<vmem>>, vector<1x16xf32>,
      %get3A_253 = arith.constant 8 : i32
      %get3A_254 = arith.index_cast %get3A_253 : i32 to index
      %get3A_255 = arith.constant 96 : index
      %get3A_256 = tpu.vector_load %arg10[%get3A_254, %get3A_255] {strides = array<i32>} : memref<16x1024xf32, #tpu.memory_space<vmem>>, vector<1x16xf32>,
      %get3A_257 = vector.shape_cast %get3A_256 : vector<1x16xf32> to vector<16xf32>
      %swap3A_258 = arith.constant 8 : i32
      %swap3A_259 = arith.index_cast %swap3A_258 : i32 to index
      %swap3A_260 = arith.constant 96 : index
      %swap3A_261 = tpu.vector_load %arg7[%swap3A_259, %swap3A_260] {strides = array<i32>} : memref<32x1024xf32, #tpu.memory_space<vmem>>, vector<1x16xf32>,
      %swap3A_262 = vector.shape_cast %swap3A_261 : vector<1x16xf32> to vector<16xf32>
      %swap3A_263 = vector.shape_cast %get3A_257 : vector<16xf32> to vector<1x16xf32>
      tpu.vector_store %arg7[%swap3A_259, %swap3A_260], %swap3A_263 {strides = array<i32>} : memref<32x1024xf32, #tpu.memory_space<vmem>>, vector<1x16xf32>,
      %get3A_264 = arith.constant 8 : i32
      %get3A_265 = arith.index_cast %get3A_264 : i32 to index
      %get3A_266 = arith.constant 112 : index
      %get3A_267 = tpu.vector_load %arg10[%get3A_265, %get3A_266] {strides = array<i32>} : memref<16x1024xf32, #tpu.memory_space<vmem>>, vector<1x16xf32>,
      %get3A_268 = vector.shape_cast %get3A_267 : vector<1x16xf32> to vector<16xf32>
      %swap3A_269 = arith.constant 8 : i32
      %swap3A_270 = arith.index_cast %swap3A_269 : i32 to index
      %swap3A_271 = arith.constant 112 : index
      %swap3A_272 = tpu.vector_load %arg7[%swap3A_270, %swap3A_271] {strides = array<i32>} : memref<32x1024xf32, #tpu.memory_space<vmem>>, vector<1x16xf32>,
      %swap3A_273 = vector.shape_cast %swap3A_272 : vector<1x16xf32> to vector<16xf32>
      %swap3A_274 = vector.shape_cast %get3A_268 : vector<16xf32> to vector<1x16xf32>
      tpu.vector_store %arg7[%swap3A_270, %swap3A_271], %swap3A_274 {strides = array<i32>} : memref<32x1024xf32, #tpu.memory_space<vmem>>, vector<1x16xf32>,
      %get3A_275 = arith.constant 8 : i32
      %get3A_276 = arith.index_cast %get3A_275 : i32 to index
      %get3A_277 = arith.constant 128 : index
      %get3A_278 = tpu.vector_load %arg10[%get3A_276, %get3A_277] {strides = array<i32>} : memref<16x1024xf32, #tpu.memory_space<vmem>>, vector<1x16xf32>,
      %get3A_279 = vector.shape_cast %get3A_278 : vector<1x16xf32> to vector<16xf32>
      %swap3A_280 = arith.constant 8 : i32
      %swap3A_281 = arith.index_cast %swap3A_280 : i32 to index
      %swap3A_282 = arith.constant 128 : index
      %swap3A_283 = tpu.vector_load %arg7[%swap3A_281, %swap3A_282] {strides = array<i32>} : memref<32x1024xf32, #tpu.memory_space<vmem>>, vector<1x16xf32>,
      %swap3A_284 = vector.shape_cast %swap3A_283 : vector<1x16xf32> to vector<16xf32>
      %swap3A_285 = vector.shape_cast %get3A_279 : vector<16xf32> to vector<1x16xf32>
      tpu.vector_store %arg7[%swap3A_281, %swap3A_282], %swap3A_285 {strides = array<i32>} : memref<32x1024xf32, #tpu.memory_space<vmem>>, vector<1x16xf32>,
      %get3A_286 = arith.constant 8 : i32
      %get3A_287 = arith.index_cast %get3A_286 : i32 to index
      %get3A_288 = arith.constant 144 : index
      %get3A_289 = tpu.vector_load %arg10[%get3A_287, %get3A_288] {strides = array<i32>} : memref<16x1024xf32, #tpu.memory_space<vmem>>, vector<1x16xf32>,
      %get3A_290 = vector.shape_cast %get3A_289 : vector<1x16xf32> to vector<16xf32>
      %swap3A_291 = arith.constant 8 : i32
      %swap3A_292 = arith.index_cast %swap3A_291 : i32 to index
      %swap3A_293 = arith.constant 144 : index
      %swap3A_294 = tpu.vector_load %arg7[%swap3A_292, %swap3A_293] {strides = array<i32>} : memref<32x1024xf32, #tpu.memory_space<vmem>>, vector<1x16xf32>,
      %swap3A_295 = vector.shape_cast %swap3A_294 : vector<1x16xf32> to vector<16xf32>
      %swap3A_296 = vector.shape_cast %get3A_290 : vector<16xf32> to vector<1x16xf32>
      tpu.vector_store %arg7[%swap3A_292, %swap3A_293], %swap3A_296 {strides = array<i32>} : memref<32x1024xf32, #tpu.memory_space<vmem>>, vector<1x16xf32>,
      %get3A_297 = arith.constant 8 : i32
      %get3A_298 = arith.index_cast %get3A_297 : i32 to index
      %get3A_299 = arith.constant 160 : index
      %get3A_300 = tpu.vector_load %arg10[%get3A_298, %get3A_299] {strides = array<i32>} : memref<16x1024xf32, #tpu.memory_space<vmem>>, vector<1x16xf32>,
      %get3A_301 = vector.shape_cast %get3A_300 : vector<1x16xf32> to vector<16xf32>
      %swap3A_302 = arith.constant 8 : i32
      %swap3A_303 = arith.index_cast %swap3A_302 : i32 to index
      %swap3A_304 = arith.constant 160 : index
      %swap3A_305 = tpu.vector_load %arg7[%swap3A_303, %swap3A_304] {strides = array<i32>} : memref<32x1024xf32, #tpu.memory_space<vmem>>, vector<1x16xf32>,
      %swap3A_306 = vector.shape_cast %swap3A_305 : vector<1x16xf32> to vector<16xf32>
      %swap3A_307 = vector.shape_cast %get3A_301 : vector<16xf32> to vector<1x16xf32>
      tpu.vector_store %arg7[%swap3A_303, %swap3A_304], %swap3A_307 {strides = array<i32>} : memref<32x1024xf32, #tpu.memory_space<vmem>>, vector<1x16xf32>,
      %get3A_308 = arith.constant 8 : i32
      %get3A_309 = arith.index_cast %get3A_308 : i32 to index
      %get3A_310 = arith.constant 176 : index
      %get3A_311 = tpu.vector_load %arg10[%get3A_309, %get3A_310] {strides = array<i32>} : memref<16x1024xf32, #tpu.memory_space<vmem>>, vector<1x16xf32>,
      %get3A_312 = vector.shape_cast %get3A_311 : vector<1x16xf32> to vector<16xf32>
      %swap3A_313 = arith.constant 8 : i32
      %swap3A_314 = arith.index_cast %swap3A_313 : i32 to index
      %swap3A_315 = arith.constant 176 : index
      %swap3A_316 = tpu.vector_load %arg7[%swap3A_314, %swap3A_315] {strides = array<i32>} : memref<32x1024xf32, #tpu.memory_space<vmem>>, vector<1x16xf32>,
      %swap3A_317 = vector.shape_cast %swap3A_316 : vector<1x16xf32> to vector<16xf32>
      %swap3A_318 = vector.shape_cast %get3A_312 : vector<16xf32> to vector<1x16xf32>
      tpu.vector_store %arg7[%swap3A_314, %swap3A_315], %swap3A_318 {strides = array<i32>} : memref<32x1024xf32, #tpu.memory_space<vmem>>, vector<1x16xf32>,
      %get3A_319 = arith.constant 8 : i32
      %get3A_320 = arith.index_cast %get3A_319 : i32 to index
      %get3A_321 = arith.constant 192 : index
      %get3A_322 = tpu.vector_load %arg10[%get3A_320, %get3A_321] {strides = array<i32>} : memref<16x1024xf32, #tpu.memory_space<vmem>>, vector<1x16xf32>,
      %get3A_323 = vector.shape_cast %get3A_322 : vector<1x16xf32> to vector<16xf32>
      %swap3A_324 = arith.constant 8 : i32
      %swap3A_325 = arith.index_cast %swap3A_324 : i32 to index
      %swap3A_326 = arith.constant 192 : index
      %swap3A_327 = tpu.vector_load %arg7[%swap3A_325, %swap3A_326] {strides = array<i32>} : memref<32x1024xf32, #tpu.memory_space<vmem>>, vector<1x16xf32>,
      %swap3A_328 = vector.shape_cast %swap3A_327 : vector<1x16xf32> to vector<16xf32>
      %swap3A_329 = vector.shape_cast %get3A_323 : vector<16xf32> to vector<1x16xf32>
      tpu.vector_store %arg7[%swap3A_325, %swap3A_326], %swap3A_329 {strides = array<i32>} : memref<32x1024xf32, #tpu.memory_space<vmem>>, vector<1x16xf32>,
      %get3A_330 = arith.constant 8 : i32
      %get3A_331 = arith.index_cast %get3A_330 : i32 to index
      %get3A_332 = arith.constant 208 : index
      %get3A_333 = tpu.vector_load %arg10[%get3A_331, %get3A_332] {strides = array<i32>} : memref<16x1024xf32, #tpu.memory_space<vmem>>, vector<1x16xf32>,
      %get3A_334 = vector.shape_cast %get3A_333 : vector<1x16xf32> to vector<16xf32>
      %swap3A_335 = arith.constant 8 : i32
      %swap3A_336 = arith.index_cast %swap3A_335 : i32 to index
      %swap3A_337 = arith.constant 208 : index
      %swap3A_338 = tpu.vector_load %arg7[%swap3A_336, %swap3A_337] {strides = array<i32>} : memref<32x1024xf32, #tpu.memory_space<vmem>>, vector<1x16xf32>,
      %swap3A_339 = vector.shape_cast %swap3A_338 : vector<1x16xf32> to vector<16xf32>
      %swap3A_340 = vector.shape_cast %get3A_334 : vector<16xf32> to vector<1x16xf32>
      tpu.vector_store %arg7[%swap3A_336, %swap3A_337], %swap3A_340 {strides = array<i32>} : memref<32x1024xf32, #tpu.memory_space<vmem>>, vector<1x16xf32>,
      %get3A_341 = arith.constant 8 : i32
      %get3A_342 = arith.index_cast %get3A_341 : i32 to index
      %get3A_343 = arith.constant 224 : index
      %get3A_344 = tpu.vector_load %arg10[%get3A_342, %get3A_343] {strides = array<i32>} : memref<16x1024xf32, #tpu.memory_space<vmem>>, vector<1x16xf32>,
      %get3A_345 = vector.shape_cast %get3A_344 : vector<1x16xf32> to vector<16xf32>
      %swap3A_346 = arith.constant 8 : i32
      %swap3A_347 = arith.index_cast %swap3A_346 : i32 to index
      %swap3A_348 = arith.constant 224 : index
      %swap3A_349 = tpu.vector_load %arg7[%swap3A_347, %swap3A_348] {strides = array<i32>} : memref<32x1024xf32, #tpu.memory_space<vmem>>, vector<1x16xf32>,
      %swap3A_350 = vector.shape_cast %swap3A_349 : vector<1x16xf32> to vector<16xf32>
      %swap3A_351 = vector.shape_cast %get3A_345 : vector<16xf32> to vector<1x16xf32>
      tpu.vector_store %arg7[%swap3A_347, %swap3A_348], %swap3A_351 {strides = array<i32>} : memref<32x1024xf32, #tpu.memory_space<vmem>>, vector<1x16xf32>,
      %get3A_352 = arith.constant 8 : i32
      %get3A_353 = arith.index_cast %get3A_352 : i32 to index
      %get3A_354 = arith.constant 240 : index
      %get3A_355 = tpu.vector_load %arg10[%get3A_353, %get3A_354] {strides = array<i32>} : memref<16x1024xf32, #tpu.memory_space<vmem>>, vector<1x16xf32>,
      %get3A_356 = vector.shape_cast %get3A_355 : vector<1x16xf32> to vector<16xf32>
      %swap3A_357 = arith.constant 8 : i32
      %swap3A_358 = arith.index_cast %swap3A_357 : i32 to index
      %swap3A_359 = arith.constant 240 : index
      %swap3A_360 = tpu.vector_load %arg7[%swap3A_358, %swap3A_359] {strides = array<i32>} : memref<32x1024xf32, #tpu.memory_space<vmem>>, vector<1x16xf32>,
      %swap3A_361 = vector.shape_cast %swap3A_360 : vector<1x16xf32> to vector<16xf32>
      %swap3A_362 = vector.shape_cast %get3A_356 : vector<16xf32> to vector<1x16xf32>
      tpu.vector_store %arg7[%swap3A_358, %swap3A_359], %swap3A_362 {strides = array<i32>} : memref<32x1024xf32, #tpu.memory_space<vmem>>, vector<1x16xf32>,
      %get3A_363 = arith.constant 8 : i32
      %get3A_364 = arith.index_cast %get3A_363 : i32 to index
      %get3A_365 = arith.constant 256 : index
      %get3A_366 = tpu.vector_load %arg10[%get3A_364, %get3A_365] {strides = array<i32>} : memref<16x1024xf32, #tpu.memory_space<vmem>>, vector<1x16xf32>,
      %get3A_367 = vector.shape_cast %get3A_366 : vector<1x16xf32> to vector<16xf32>
      %swap3A_368 = arith.constant 8 : i32
      %swap3A_369 = arith.index_cast %swap3A_368 : i32 to index
      %swap3A_370 = arith.constant 256 : index
      %swap3A_371 = tpu.vector_load %arg7[%swap3A_369, %swap3A_370] {strides = array<i32>} : memref<32x1024xf32, #tpu.memory_space<vmem>>, vector<1x16xf32>,
      %swap3A_372 = vector.shape_cast %swap3A_371 : vector<1x16xf32> to vector<16xf32>
      %swap3A_373 = vector.shape_cast %get3A_367 : vector<16xf32> to vector<1x16xf32>
      tpu.vector_store %arg7[%swap3A_369, %swap3A_370], %swap3A_373 {strides = array<i32>} : memref<32x1024xf32, #tpu.memory_space<vmem>>, vector<1x16xf32>,
      %get3A_374 = arith.constant 8 : i32
      %get3A_375 = arith.index_cast %get3A_374 : i32 to index
      %get3A_376 = arith.constant 272 : index
      %get3A_377 = tpu.vector_load %arg10[%get3A_375, %get3A_376] {strides = array<i32>} : memref<16x1024xf32, #tpu.memory_space<vmem>>, vector<1x16xf32>,
      %get3A_378 = vector.shape_cast %get3A_377 : vector<1x16xf32> to vector<16xf32>
      %swap3A_379 = arith.constant 8 : i32
      %swap3A_380 = arith.index_cast %swap3A_379 : i32 to index
      %swap3A_381 = arith.constant 272 : index
      %swap3A_382 = tpu.vector_load %arg7[%swap3A_380, %swap3A_381] {strides = array<i32>} : memref<32x1024xf32, #tpu.memory_space<vmem>>, vector<1x16xf32>,
      %swap3A_383 = vector.shape_cast %swap3A_382 : vector<1x16xf32> to vector<16xf32>
      %swap3A_384 = vector.shape_cast %get3A_378 : vector<16xf32> to vector<1x16xf32>
      tpu.vector_store %arg7[%swap3A_380, %swap3A_381], %swap3A_384 {strides = array<i32>} : memref<32x1024xf32, #tpu.memory_space<vmem>>, vector<1x16xf32>,
      %get3A_385 = arith.constant 8 : i32
      %get3A_386 = arith.index_cast %get3A_385 : i32 to index
      %get3A_387 = arith.constant 288 : index
      %get3A_388 = tpu.vector_load %arg10[%get3A_386, %get3A_387] {strides = array<i32>} : memref<16x1024xf32, #tpu.memory_space<vmem>>, vector<1x16xf32>,
      %get3A_389 = vector.shape_cast %get3A_388 : vector<1x16xf32> to vector<16xf32>
      %swap3A_390 = arith.constant 8 : i32
      %swap3A_391 = arith.index_cast %swap3A_390 : i32 to index
      %swap3A_392 = arith.constant 288 : index
      %swap3A_393 = tpu.vector_load %arg7[%swap3A_391, %swap3A_392] {strides = array<i32>} : memref<32x1024xf32, #tpu.memory_space<vmem>>, vector<1x16xf32>,
      %swap3A_394 = vector.shape_cast %swap3A_393 : vector<1x16xf32> to vector<16xf32>
      %swap3A_395 = vector.shape_cast %get3A_389 : vector<16xf32> to vector<1x16xf32>
      tpu.vector_store %arg7[%swap3A_391, %swap3A_392], %swap3A_395 {strides = array<i32>} : memref<32x1024xf32, #tpu.memory_space<vmem>>, vector<1x16xf32>,
      %get3A_396 = arith.constant 8 : i32
      %get3A_397 = arith.index_cast %get3A_396 : i32 to index
      %get3A_398 = arith.constant 304 : index
      %get3A_399 = tpu.vector_load %arg10[%get3A_397, %get3A_398] {strides = array<i32>} : memref<16x1024xf32, #tpu.memory_space<vmem>>, vector<1x16xf32>,
      %get3A_400 = vector.shape_cast %get3A_399 : vector<1x16xf32> to vector<16xf32>
      %swap3A_401 = arith.constant 8 : i32
      %swap3A_402 = arith.index_cast %swap3A_401 : i32 to index
      %swap3A_403 = arith.constant 304 : index
      %swap3A_404 = tpu.vector_load %arg7[%swap3A_402, %swap3A_403] {strides = array<i32>} : memref<32x1024xf32, #tpu.memory_space<vmem>>, vector<1x16xf32>,
      %swap3A_405 = vector.shape_cast %swap3A_404 : vector<1x16xf32> to vector<16xf32>
      %swap3A_406 = vector.shape_cast %get3A_400 : vector<16xf32> to vector<1x16xf32>
      tpu.vector_store %arg7[%swap3A_402, %swap3A_403], %swap3A_406 {strides = array<i32>} : memref<32x1024xf32, #tpu.memory_space<vmem>>, vector<1x16xf32>,
      %get3A_407 = arith.constant 8 : i32
      %get3A_408 = arith.index_cast %get3A_407 : i32 to index
      %get3A_409 = arith.constant 320 : index
      %get3A_410 = tpu.vector_load %arg10[%get3A_408, %get3A_409] {strides = array<i32>} : memref<16x1024xf32, #tpu.memory_space<vmem>>, vector<1x16xf32>,
      %get3A_411 = vector.shape_cast %get3A_410 : vector<1x16xf32> to vector<16xf32>
      %swap3A_412 = arith.constant 8 : i32
      %swap3A_413 = arith.index_cast %swap3A_412 : i32 to index
      %swap3A_414 = arith.constant 320 : index
      %swap3A_415 = tpu.vector_load %arg7[%swap3A_413, %swap3A_414] {strides = array<i32>} : memref<32x1024xf32, #tpu.memory_space<vmem>>, vector<1x16xf32>,
      %swap3A_416 = vector.shape_cast %swap3A_415 : vector<1x16xf32> to vector<16xf32>
      %swap3A_417 = vector.shape_cast %get3A_411 : vector<16xf32> to vector<1x16xf32>
      tpu.vector_store %arg7[%swap3A_413, %swap3A_414], %swap3A_417 {strides = array<i32>} : memref<32x1024xf32, #tpu.memory_space<vmem>>, vector<1x16xf32>,
      %get3A_418 = arith.constant 8 : i32
      %get3A_419 = arith.index_cast %get3A_418 : i32 to index
      %get3A_420 = arith.constant 336 : index
      %get3A_421 = tpu.vector_load %arg10[%get3A_419, %get3A_420] {strides = array<i32>} : memref<16x1024xf32, #tpu.memory_space<vmem>>, vector<1x16xf32>,
      %get3A_422 = vector.shape_cast %get3A_421 : vector<1x16xf32> to vector<16xf32>
      %swap3A_423 = arith.constant 8 : i32
      %swap3A_424 = arith.index_cast %swap3A_423 : i32 to index
      %swap3A_425 = arith.constant 336 : index
      %swap3A_426 = tpu.vector_load %arg7[%swap3A_424, %swap3A_425] {strides = array<i32>} : memref<32x1024xf32, #tpu.memory_space<vmem>>, vector<1x16xf32>,
      %swap3A_427 = vector.shape_cast %swap3A_426 : vector<1x16xf32> to vector<16xf32>
      %swap3A_428 = vector.shape_cast %get3A_422 : vector<16xf32> to vector<1x16xf32>
      tpu.vector_store %arg7[%swap3A_424, %swap3A_425], %swap3A_428 {strides = array<i32>} : memref<32x1024xf32, #tpu.memory_space<vmem>>, vector<1x16xf32>,
      %get3A_429 = arith.constant 8 : i32
      %get3A_430 = arith.index_cast %get3A_429 : i32 to index
      %get3A_431 = arith.constant 352 : index
      %get3A_432 = tpu.vector_load %arg10[%get3A_430, %get3A_431] {strides = array<i32>} : memref<16x1024xf32, #tpu.memory_space<vmem>>, vector<1x16xf32>,
      %get3A_433 = vector.shape_cast %get3A_432 : vector<1x16xf32> to vector<16xf32>
      %swap3A_434 = arith.constant 8 : i32
      %swap3A_435 = arith.index_cast %swap3A_434 : i32 to index
      %swap3A_436 = arith.constant 352 : index
      %swap3A_437 = tpu.vector_load %arg7[%swap3A_435, %swap3A_436] {strides = array<i32>} : memref<32x1024xf32, #tpu.memory_space<vmem>>, vector<1x16xf32>,
      %swap3A_438 = vector.shape_cast %swap3A_437 : vector<1x16xf32> to vector<16xf32>
      %swap3A_439 = vector.shape_cast %get3A_433 : vector<16xf32> to vector<1x16xf32>
      tpu.vector_store %arg7[%swap3A_435, %swap3A_436], %swap3A_439 {strides = array<i32>} : memref<32x1024xf32, #tpu.memory_space<vmem>>, vector<1x16xf32>,
      %get3A_440 = arith.constant 8 : i32
      %get3A_441 = arith.index_cast %get3A_440 : i32 to index
      %get3A_442 = arith.constant 368 : index
      %get3A_443 = tpu.vector_load %arg10[%get3A_441, %get3A_442] {strides = array<i32>} : memref<16x1024xf32, #tpu.memory_space<vmem>>, vector<1x16xf32>,
      %get3A_444 = vector.shape_cast %get3A_443 : vector<1x16xf32> to vector<16xf32>
      %swap3A_445 = arith.constant 8 : i32
      %swap3A_446 = arith.index_cast %swap3A_445 : i32 to index
      %swap3A_447 = arith.constant 368 : index
      %swap3A_448 = tpu.vector_load %arg7[%swap3A_446, %swap3A_447] {strides = array<i32>} : memref<32x1024xf32, #tpu.memory_space<vmem>>, vector<1x16xf32>,
      %swap3A_449 = vector.shape_cast %swap3A_448 : vector<1x16xf32> to vector<16xf32>
      %swap3A_450 = vector.shape_cast %get3A_444 : vector<16xf32> to vector<1x16xf32>
      tpu.vector_store %arg7[%swap3A_446, %swap3A_447], %swap3A_450 {strides = array<i32>} : memref<32x1024xf32, #tpu.memory_space<vmem>>, vector<1x16xf32>,
      %get3A_451 = arith.constant 8 : i32
      %get3A_452 = arith.index_cast %get3A_451 : i32 to index
      %get3A_453 = arith.constant 384 : index
      %get3A_454 = tpu.vector_load %arg10[%get3A_452, %get3A_453] {strides = array<i32>} : memref<16x1024xf32, #tpu.memory_space<vmem>>, vector<1x16xf32>,
      %get3A_455 = vector.shape_cast %get3A_454 : vector<1x16xf32> to vector<16xf32>
      %swap3A_456 = arith.constant 8 : i32
      %swap3A_457 = arith.index_cast %swap3A_456 : i32 to index
      %swap3A_458 = arith.constant 384 : index
      %swap3A_459 = tpu.vector_load %arg7[%swap3A_457, %swap3A_458] {strides = array<i32>} : memref<32x1024xf32, #tpu.memory_space<vmem>>, vector<1x16xf32>,
      %swap3A_460 = vector.shape_cast %swap3A_459 : vector<1x16xf32> to vector<16xf32>
      %swap3A_461 = vector.shape_cast %get3A_455 : vector<16xf32> to vector<1x16xf32>
      tpu.vector_store %arg7[%swap3A_457, %swap3A_458], %swap3A_461 {strides = array<i32>} : memref<32x1024xf32, #tpu.memory_space<vmem>>, vector<1x16xf32>,
      %get3A_462 = arith.constant 8 : i32
      %get3A_463 = arith.index_cast %get3A_462 : i32 to index
      %get3A_464 = arith.constant 400 : index
      %get3A_465 = tpu.vector_load %arg10[%get3A_463, %get3A_464] {strides = array<i32>} : memref<16x1024xf32, #tpu.memory_space<vmem>>, vector<1x16xf32>,
      %get3A_466 = vector.shape_cast %get3A_465 : vector<1x16xf32> to vector<16xf32>
      %swap3A_467 = arith.constant 8 : i32
      %swap3A_468 = arith.index_cast %swap3A_467 : i32 to index
      %swap3A_469 = arith.constant 400 : index
      %swap3A_470 = tpu.vector_load %arg7[%swap3A_468, %swap3A_469] {strides = array<i32>} : memref<32x1024xf32, #tpu.memory_space<vmem>>, vector<1x16xf32>,
      %swap3A_471 = vector.shape_cast %swap3A_470 : vector<1x16xf32> to vector<16xf32>
      %swap3A_472 = vector.shape_cast %get3A_466 : vector<16xf32> to vector<1x16xf32>
      tpu.vector_store %arg7[%swap3A_468, %swap3A_469], %swap3A_472 {strides = array<i32>} : memref<32x1024xf32, #tpu.memory_space<vmem>>, vector<1x16xf32>,
      %get3A_473 = arith.constant 8 : i32
      %get3A_474 = arith.index_cast %get3A_473 : i32 to index
      %get3A_475 = arith.constant 416 : index
      %get3A_476 = tpu.vector_load %arg10[%get3A_474, %get3A_475] {strides = array<i32>} : memref<16x1024xf32, #tpu.memory_space<vmem>>, vector<1x16xf32>,
      %get3A_477 = vector.shape_cast %get3A_476 : vector<1x16xf32> to vector<16xf32>
      %swap3A_478 = arith.constant 8 : i32
      %swap3A_479 = arith.index_cast %swap3A_478 : i32 to index
      %swap3A_480 = arith.constant 416 : index
      %swap3A_481 = tpu.vector_load %arg7[%swap3A_479, %swap3A_480] {strides = array<i32>} : memref<32x1024xf32, #tpu.memory_space<vmem>>, vector<1x16xf32>,
      %swap3A_482 = vector.shape_cast %swap3A_481 : vector<1x16xf32> to vector<16xf32>
      %swap3A_483 = vector.shape_cast %get3A_477 : vector<16xf32> to vector<1x16xf32>
      tpu.vector_store %arg7[%swap3A_479, %swap3A_480], %swap3A_483 {strides = array<i32>} : memref<32x1024xf32, #tpu.memory_space<vmem>>, vector<1x16xf32>,
      %get3A_484 = arith.constant 8 : i32
      %get3A_485 = arith.index_cast %get3A_484 : i32 to index
      %get3A_486 = arith.constant 432 : index
      %get3A_487 = tpu.vector_load %arg10[%get3A_485, %get3A_486] {strides = array<i32>} : memref<16x1024xf32, #tpu.memory_space<vmem>>, vector<1x16xf32>,
      %get3A_488 = vector.shape_cast %get3A_487 : vector<1x16xf32> to vector<16xf32>
      %swap3A_489 = arith.constant 8 : i32
      %swap3A_490 = arith.index_cast %swap3A_489 : i32 to index
      %swap3A_491 = arith.constant 432 : index
      %swap3A_492 = tpu.vector_load %arg7[%swap3A_490, %swap3A_491] {strides = array<i32>} : memref<32x1024xf32, #tpu.memory_space<vmem>>, vector<1x16xf32>,
      %swap3A_493 = vector.shape_cast %swap3A_492 : vector<1x16xf32> to vector<16xf32>
      %swap3A_494 = vector.shape_cast %get3A_488 : vector<16xf32> to vector<1x16xf32>
      tpu.vector_store %arg7[%swap3A_490, %swap3A_491], %swap3A_494 {strides = array<i32>} : memref<32x1024xf32, #tpu.memory_space<vmem>>, vector<1x16xf32>,
      %get3A_495 = arith.constant 8 : i32
      %get3A_496 = arith.index_cast %get3A_495 : i32 to index
      %get3A_497 = arith.constant 448 : index
      %get3A_498 = tpu.vector_load %arg10[%get3A_496, %get3A_497] {strides = array<i32>} : memref<16x1024xf32, #tpu.memory_space<vmem>>, vector<1x16xf32>,
      %get3A_499 = vector.shape_cast %get3A_498 : vector<1x16xf32> to vector<16xf32>
      %swap3A_500 = arith.constant 8 : i32
      %swap3A_501 = arith.index_cast %swap3A_500 : i32 to index
      %swap3A_502 = arith.constant 448 : index
      %swap3A_503 = tpu.vector_load %arg7[%swap3A_501, %swap3A_502] {strides = array<i32>} : memref<32x1024xf32, #tpu.memory_space<vmem>>, vector<1x16xf32>,
      %swap3A_504 = vector.shape_cast %swap3A_503 : vector<1x16xf32> to vector<16xf32>
      %swap3A_505 = vector.shape_cast %get3A_499 : vector<16xf32> to vector<1x16xf32>
      tpu.vector_store %arg7[%swap3A_501, %swap3A_502], %swap3A_505 {strides = array<i32>} : memref<32x1024xf32, #tpu.memory_space<vmem>>, vector<1x16xf32>,
      %get3A_506 = arith.constant 8 : i32
      %get3A_507 = arith.index_cast %get3A_506 : i32 to index
      %get3A_508 = arith.constant 464 : index
      %get3A_509 = tpu.vector_load %arg10[%get3A_507, %get3A_508] {strides = array<i32>} : memref<16x1024xf32, #tpu.memory_space<vmem>>, vector<1x16xf32>,
      %get3A_510 = vector.shape_cast %get3A_509 : vector<1x16xf32> to vector<16xf32>
      %swap3A_511 = arith.constant 8 : i32
      %swap3A_512 = arith.index_cast %swap3A_511 : i32 to index
      %swap3A_513 = arith.constant 464 : index
      %swap3A_514 = tpu.vector_load %arg7[%swap3A_512, %swap3A_513] {strides = array<i32>} : memref<32x1024xf32, #tpu.memory_space<vmem>>, vector<1x16xf32>,
      %swap3A_515 = vector.shape_cast %swap3A_514 : vector<1x16xf32> to vector<16xf32>
      %swap3A_516 = vector.shape_cast %get3A_510 : vector<16xf32> to vector<1x16xf32>
      tpu.vector_store %arg7[%swap3A_512, %swap3A_513], %swap3A_516 {strides = array<i32>} : memref<32x1024xf32, #tpu.memory_space<vmem>>, vector<1x16xf32>,
      %get3A_517 = arith.constant 8 : i32
      %get3A_518 = arith.index_cast %get3A_517 : i32 to index
      %get3A_519 = arith.constant 480 : index
      %get3A_520 = tpu.vector_load %arg10[%get3A_518, %get3A_519] {strides = array<i32>} : memref<16x1024xf32, #tpu.memory_space<vmem>>, vector<1x16xf32>,
      %get3A_521 = vector.shape_cast %get3A_520 : vector<1x16xf32> to vector<16xf32>
      %swap3A_522 = arith.constant 8 : i32
      %swap3A_523 = arith.index_cast %swap3A_522 : i32 to index
      %swap3A_524 = arith.constant 480 : index
      %swap3A_525 = tpu.vector_load %arg7[%swap3A_523, %swap3A_524] {strides = array<i32>} : memref<32x1024xf32, #tpu.memory_space<vmem>>, vector<1x16xf32>,
      %swap3A_526 = vector.shape_cast %swap3A_525 : vector<1x16xf32> to vector<16xf32>
      %swap3A_527 = vector.shape_cast %get3A_521 : vector<16xf32> to vector<1x16xf32>
      tpu.vector_store %arg7[%swap3A_523, %swap3A_524], %swap3A_527 {strides = array<i32>} : memref<32x1024xf32, #tpu.memory_space<vmem>>, vector<1x16xf32>,
      %get3A_528 = arith.constant 8 : i32
      %get3A_529 = arith.index_cast %get3A_528 : i32 to index
      %get3A_530 = arith.constant 496 : index
      %get3A_531 = tpu.vector_load %arg10[%get3A_529, %get3A_530] {strides = array<i32>} : memref<16x1024xf32, #tpu.memory_space<vmem>>, vector<1x16xf32>,
      %get3A_532 = vector.shape_cast %get3A_531 : vector<1x16xf32> to vector<16xf32>
      %swap3A_533 = arith.constant 8 : i32
      %swap3A_534 = arith.index_cast %swap3A_533 : i32 to index
      %swap3A_535 = arith.constant 496 : index
      %swap3A_536 = tpu.vector_load %arg7[%swap3A_534, %swap3A_535] {strides = array<i32>} : memref<32x1024xf32, #tpu.memory_space<vmem>>, vector<1x16xf32>,
      %swap3A_537 = vector.shape_cast %swap3A_536 : vector<1x16xf32> to vector<16xf32>
      %swap3A_538 = vector.shape_cast %get3A_532 : vector<16xf32> to vector<1x16xf32>
      tpu.vector_store %arg7[%swap3A_534, %swap3A_535], %swap3A_538 {strides = array<i32>} : memref<32x1024xf32, #tpu.memory_space<vmem>>, vector<1x16xf32>,
      %get3A_539 = arith.constant 8 : i32
      %get3A_540 = arith.index_cast %get3A_539 : i32 to index
      %get3A_541 = arith.constant 512 : index
      %get3A_542 = tpu.vector_load %arg10[%get3A_540, %get3A_541] {strides = array<i32>} : memref<16x1024xf32, #tpu.memory_space<vmem>>, vector<1x16xf32>,
      %get3A_543 = vector.shape_cast %get3A_542 : vector<1x16xf32> to vector<16xf32>
      %swap3A_544 = arith.constant 8 : i32
      %swap3A_545 = arith.index_cast %swap3A_544 : i32 to index
      %swap3A_546 = arith.constant 512 : index
      %swap3A_547 = tpu.vector_load %arg7[%swap3A_545, %swap3A_546] {strides = array<i32>} : memref<32x1024xf32, #tpu.memory_space<vmem>>, vector<1x16xf32>,
      %swap3A_548 = vector.shape_cast %swap3A_547 : vector<1x16xf32> to vector<16xf32>
      %swap3A_549 = vector.shape_cast %get3A_543 : vector<16xf32> to vector<1x16xf32>
      tpu.vector_store %arg7[%swap3A_545, %swap3A_546], %swap3A_549 {strides = array<i32>} : memref<32x1024xf32, #tpu.memory_space<vmem>>, vector<1x16xf32>,
      %get3A_550 = arith.constant 8 : i32
      %get3A_551 = arith.index_cast %get3A_550 : i32 to index
      %get3A_552 = arith.constant 528 : index
      %get3A_553 = tpu.vector_load %arg10[%get3A_551, %get3A_552] {strides = array<i32>} : memref<16x1024xf32, #tpu.memory_space<vmem>>, vector<1x16xf32>,
      %get3A_554 = vector.shape_cast %get3A_553 : vector<1x16xf32> to vector<16xf32>
      %swap3A_555 = arith.constant 8 : i32
      %swap3A_556 = arith.index_cast %swap3A_555 : i32 to index
      %swap3A_557 = arith.constant 528 : index
      %swap3A_558 = tpu.vector_load %arg7[%swap3A_556, %swap3A_557] {strides = array<i32>} : memref<32x1024xf32, #tpu.memory_space<vmem>>, vector<1x16xf32>,
      %swap3A_559 = vector.shape_cast %swap3A_558 : vector<1x16xf32> to vector<16xf32>
      %swap3A_560 = vector.shape_cast %get3A_554 : vector<16xf32> to vector<1x16xf32>
      tpu.vector_store %arg7[%swap3A_556, %swap3A_557], %swap3A_560 {strides = array<i32>} : memref<32x1024xf32, #tpu.memory_space<vmem>>, vector<1x16xf32>,
      %get3A_561 = arith.constant 8 : i32
      %get3A_562 = arith.index_cast %get3A_561 : i32 to index
      %get3A_563 = arith.constant 544 : index
      %get3A_564 = tpu.vector_load %arg10[%get3A_562, %get3A_563] {strides = array<i32>} : memref<16x1024xf32, #tpu.memory_space<vmem>>, vector<1x16xf32>,
      %get3A_565 = vector.shape_cast %get3A_564 : vector<1x16xf32> to vector<16xf32>
      %swap3A_566 = arith.constant 8 : i32
      %swap3A_567 = arith.index_cast %swap3A_566 : i32 to index
      %swap3A_568 = arith.constant 544 : index
      %swap3A_569 = tpu.vector_load %arg7[%swap3A_567, %swap3A_568] {strides = array<i32>} : memref<32x1024xf32, #tpu.memory_space<vmem>>, vector<1x16xf32>,
      %swap3A_570 = vector.shape_cast %swap3A_569 : vector<1x16xf32> to vector<16xf32>
      %swap3A_571 = vector.shape_cast %get3A_565 : vector<16xf32> to vector<1x16xf32>
      tpu.vector_store %arg7[%swap3A_567, %swap3A_568], %swap3A_571 {strides = array<i32>} : memref<32x1024xf32, #tpu.memory_space<vmem>>, vector<1x16xf32>,
      %get3A_572 = arith.constant 8 : i32
      %get3A_573 = arith.index_cast %get3A_572 : i32 to index
      %get3A_574 = arith.constant 560 : index
      %get3A_575 = tpu.vector_load %arg10[%get3A_573, %get3A_574] {strides = array<i32>} : memref<16x1024xf32, #tpu.memory_space<vmem>>, vector<1x16xf32>,
      %get3A_576 = vector.shape_cast %get3A_575 : vector<1x16xf32> to vector<16xf32>
      %swap3A_577 = arith.constant 8 : i32
      %swap3A_578 = arith.index_cast %swap3A_577 : i32 to index
      %swap3A_579 = arith.constant 560 : index
      %swap3A_580 = tpu.vector_load %arg7[%swap3A_578, %swap3A_579] {strides = array<i32>} : memref<32x1024xf32, #tpu.memory_space<vmem>>, vector<1x16xf32>,
      %swap3A_581 = vector.shape_cast %swap3A_580 : vector<1x16xf32> to vector<16xf32>
      %swap3A_582 = vector.shape_cast %get3A_576 : vector<16xf32> to vector<1x16xf32>
      tpu.vector_store %arg7[%swap3A_578, %swap3A_579], %swap3A_582 {strides = array<i32>} : memref<32x1024xf32, #tpu.memory_space<vmem>>, vector<1x16xf32>,
      %get3A_583 = arith.constant 8 : i32
      %get3A_584 = arith.index_cast %get3A_583 : i32 to index
      %get3A_585 = arith.constant 576 : index
      %get3A_586 = tpu.vector_load %arg10[%get3A_584, %get3A_585] {strides = array<i32>} : memref<16x1024xf32, #tpu.memory_space<vmem>>, vector<1x16xf32>,
      %get3A_587 = vector.shape_cast %get3A_586 : vector<1x16xf32> to vector<16xf32>
      %swap3A_588 = arith.constant 8 : i32
      %swap3A_589 = arith.index_cast %swap3A_588 : i32 to index
      %swap3A_590 = arith.constant 576 : index
      %swap3A_591 = tpu.vector_load %arg7[%swap3A_589, %swap3A_590] {strides = array<i32>} : memref<32x1024xf32, #tpu.memory_space<vmem>>, vector<1x16xf32>,
      %swap3A_592 = vector.shape_cast %swap3A_591 : vector<1x16xf32> to vector<16xf32>
      %swap3A_593 = vector.shape_cast %get3A_587 : vector<16xf32> to vector<1x16xf32>
      tpu.vector_store %arg7[%swap3A_589, %swap3A_590], %swap3A_593 {strides = array<i32>} : memref<32x1024xf32, #tpu.memory_space<vmem>>, vector<1x16xf32>,
      %get3A_594 = arith.constant 8 : i32
      %get3A_595 = arith.index_cast %get3A_594 : i32 to index
      %get3A_596 = arith.constant 592 : index
      %get3A_597 = tpu.vector_load %arg10[%get3A_595, %get3A_596] {strides = array<i32>} : memref<16x1024xf32, #tpu.memory_space<vmem>>, vector<1x16xf32>,
      %get3A_598 = vector.shape_cast %get3A_597 : vector<1x16xf32> to vector<16xf32>
      %swap3A_599 = arith.constant 8 : i32
      %swap3A_600 = arith.index_cast %swap3A_599 : i32 to index
      %swap3A_601 = arith.constant 592 : index
      %swap3A_602 = tpu.vector_load %arg7[%swap3A_600, %swap3A_601] {strides = array<i32>} : memref<32x1024xf32, #tpu.memory_space<vmem>>, vector<1x16xf32>,
      %swap3A_603 = vector.shape_cast %swap3A_602 : vector<1x16xf32> to vector<16xf32>
      %swap3A_604 = vector.shape_cast %get3A_598 : vector<16xf32> to vector<1x16xf32>
      tpu.vector_store %arg7[%swap3A_600, %swap3A_601], %swap3A_604 {strides = array<i32>} : memref<32x1024xf32, #tpu.memory_space<vmem>>, vector<1x16xf32>,
      %get3A_605 = arith.constant 8 : i32
      %get3A_606 = arith.index_cast %get3A_605 : i32 to index
      %get3A_607 = arith.constant 608 : index
      %get3A_608 = tpu.vector_load %arg10[%get3A_606, %get3A_607] {strides = array<i32>} : memref<16x1024xf32, #tpu.memory_space<vmem>>, vector<1x16xf32>,
      %get3A_609 = vector.shape_cast %get3A_608 : vector<1x16xf32> to vector<16xf32>
      %swap3A_610 = arith.constant 8 : i32
      %swap3A_611 = arith.index_cast %swap3A_610 : i32 to index
      %swap3A_612 = arith.constant 608 : index
      %swap3A_613 = tpu.vector_load %arg7[%swap3A_611, %swap3A_612] {strides = array<i32>} : memref<32x1024xf32, #tpu.memory_space<vmem>>, vector<1x16xf32>,
      %swap3A_614 = vector.shape_cast %swap3A_613 : vector<1x16xf32> to vector<16xf32>
      %swap3A_615 = vector.shape_cast %get3A_609 : vector<16xf32> to vector<1x16xf32>
      tpu.vector_store %arg7[%swap3A_611, %swap3A_612], %swap3A_615 {strides = array<i32>} : memref<32x1024xf32, #tpu.memory_space<vmem>>, vector<1x16xf32>,
      %get3A_616 = arith.constant 8 : i32
      %get3A_617 = arith.index_cast %get3A_616 : i32 to index
      %get3A_618 = arith.constant 624 : index
      %get3A_619 = tpu.vector_load %arg10[%get3A_617, %get3A_618] {strides = array<i32>} : memref<16x1024xf32, #tpu.memory_space<vmem>>, vector<1x16xf32>,
      %get3A_620 = vector.shape_cast %get3A_619 : vector<1x16xf32> to vector<16xf32>
      %swap3A_621 = arith.constant 8 : i32
      %swap3A_622 = arith.index_cast %swap3A_621 : i32 to index
      %swap3A_623 = arith.constant 624 : index
      %swap3A_624 = tpu.vector_load %arg7[%swap3A_622, %swap3A_623] {strides = array<i32>} : memref<32x1024xf32, #tpu.memory_space<vmem>>, vector<1x16xf32>,
      %swap3A_625 = vector.shape_cast %swap3A_624 : vector<1x16xf32> to vector<16xf32>
      %swap3A_626 = vector.shape_cast %get3A_620 : vector<16xf32> to vector<1x16xf32>
      tpu.vector_store %arg7[%swap3A_622, %swap3A_623], %swap3A_626 {strides = array<i32>} : memref<32x1024xf32, #tpu.memory_space<vmem>>, vector<1x16xf32>,
      %get3A_627 = arith.constant 8 : i32
      %get3A_628 = arith.index_cast %get3A_627 : i32 to index
      %get3A_629 = arith.constant 640 : index
      %get3A_630 = tpu.vector_load %arg10[%get3A_628, %get3A_629] {strides = array<i32>} : memref<16x1024xf32, #tpu.memory_space<vmem>>, vector<1x16xf32>,
      %get3A_631 = vector.shape_cast %get3A_630 : vector<1x16xf32> to vector<16xf32>
      %swap3A_632 = arith.constant 8 : i32
      %swap3A_633 = arith.index_cast %swap3A_632 : i32 to index
      %swap3A_634 = arith.constant 640 : index
      %swap3A_635 = tpu.vector_load %arg7[%swap3A_633, %swap3A_634] {strides = array<i32>} : memref<32x1024xf32, #tpu.memory_space<vmem>>, vector<1x16xf32>,
      %swap3A_636 = vector.shape_cast %swap3A_635 : vector<1x16xf32> to vector<16xf32>
      %swap3A_637 = vector.shape_cast %get3A_631 : vector<16xf32> to vector<1x16xf32>
      tpu.vector_store %arg7[%swap3A_633, %swap3A_634], %swap3A_637 {strides = array<i32>} : memref<32x1024xf32, #tpu.memory_space<vmem>>, vector<1x16xf32>,
      %get3A_638 = arith.constant 8 : i32
      %get3A_639 = arith.index_cast %get3A_638 : i32 to index
      %get3A_640 = arith.constant 656 : index
      %get3A_641 = tpu.vector_load %arg10[%get3A_639, %get3A_640] {strides = array<i32>} : memref<16x1024xf32, #tpu.memory_space<vmem>>, vector<1x16xf32>,
      %get3A_642 = vector.shape_cast %get3A_641 : vector<1x16xf32> to vector<16xf32>
      %swap3A_643 = arith.constant 8 : i32
      %swap3A_644 = arith.index_cast %swap3A_643 : i32 to index
      %swap3A_645 = arith.constant 656 : index
      %swap3A_646 = tpu.vector_load %arg7[%swap3A_644, %swap3A_645] {strides = array<i32>} : memref<32x1024xf32, #tpu.memory_space<vmem>>, vector<1x16xf32>,
      %swap3A_647 = vector.shape_cast %swap3A_646 : vector<1x16xf32> to vector<16xf32>
      %swap3A_648 = vector.shape_cast %get3A_642 : vector<16xf32> to vector<1x16xf32>
      tpu.vector_store %arg7[%swap3A_644, %swap3A_645], %swap3A_648 {strides = array<i32>} : memref<32x1024xf32, #tpu.memory_space<vmem>>, vector<1x16xf32>,
      %get3A_649 = arith.constant 8 : i32
      %get3A_650 = arith.index_cast %get3A_649 : i32 to index
      %get3A_651 = arith.constant 672 : index
      %get3A_652 = tpu.vector_load %arg10[%get3A_650, %get3A_651] {strides = array<i32>} : memref<16x1024xf32, #tpu.memory_space<vmem>>, vector<1x16xf32>,
      %get3A_653 = vector.shape_cast %get3A_652 : vector<1x16xf32> to vector<16xf32>
      %swap3A_654 = arith.constant 8 : i32
      %swap3A_655 = arith.index_cast %swap3A_654 : i32 to index
      %swap3A_656 = arith.constant 672 : index
      %swap3A_657 = tpu.vector_load %arg7[%swap3A_655, %swap3A_656] {strides = array<i32>} : memref<32x1024xf32, #tpu.memory_space<vmem>>, vector<1x16xf32>,
      %swap3A_658 = vector.shape_cast %swap3A_657 : vector<1x16xf32> to vector<16xf32>
      %swap3A_659 = vector.shape_cast %get3A_653 : vector<16xf32> to vector<1x16xf32>
      tpu.vector_store %arg7[%swap3A_655, %swap3A_656], %swap3A_659 {strides = array<i32>} : memref<32x1024xf32, #tpu.memory_space<vmem>>, vector<1x16xf32>,
      %get3A_660 = arith.constant 8 : i32
      %get3A_661 = arith.index_cast %get3A_660 : i32 to index
      %get3A_662 = arith.constant 688 : index
      %get3A_663 = tpu.vector_load %arg10[%get3A_661, %get3A_662] {strides = array<i32>} : memref<16x1024xf32, #tpu.memory_space<vmem>>, vector<1x16xf32>,
      %get3A_664 = vector.shape_cast %get3A_663 : vector<1x16xf32> to vector<16xf32>
      %swap3A_665 = arith.constant 8 : i32
      %swap3A_666 = arith.index_cast %swap3A_665 : i32 to index
      %swap3A_667 = arith.constant 688 : index
      %swap3A_668 = tpu.vector_load %arg7[%swap3A_666, %swap3A_667] {strides = array<i32>} : memref<32x1024xf32, #tpu.memory_space<vmem>>, vector<1x16xf32>,
      %swap3A_669 = vector.shape_cast %swap3A_668 : vector<1x16xf32> to vector<16xf32>
      %swap3A_670 = vector.shape_cast %get3A_664 : vector<16xf32> to vector<1x16xf32>
      tpu.vector_store %arg7[%swap3A_666, %swap3A_667], %swap3A_670 {strides = array<i32>} : memref<32x1024xf32, #tpu.memory_space<vmem>>, vector<1x16xf32>,
      %get3A_671 = arith.constant 8 : i32
      %get3A_672 = arith.index_cast %get3A_671 : i32 to index
      %get3A_673 = arith.constant 704 : index
      %get3A_674 = tpu.vector_load %arg10[%get3A_672, %get3A_673] {strides = array<i32>} : memref<16x1024xf32, #tpu.memory_space<vmem>>, vector<1x16xf32>,
      %get3A_675 = vector.shape_cast %get3A_674 : vector<1x16xf32> to vector<16xf32>
      %swap3A_676 = arith.constant 8 : i32
      %swap3A_677 = arith.index_cast %swap3A_676 : i32 to index
      %swap3A_678 = arith.constant 704 : index
      %swap3A_679 = tpu.vector_load %arg7[%swap3A_677, %swap3A_678] {strides = array<i32>} : memref<32x1024xf32, #tpu.memory_space<vmem>>, vector<1x16xf32>,
      %swap3A_680 = vector.shape_cast %swap3A_679 : vector<1x16xf32> to vector<16xf32>
      %swap3A_681 = vector.shape_cast %get3A_675 : vector<16xf32> to vector<1x16xf32>
      tpu.vector_store %arg7[%swap3A_677, %swap3A_678], %swap3A_681 {strides = array<i32>} : memref<32x1024xf32, #tpu.memory_space<vmem>>, vector<1x16xf32>,
      %get3A_682 = arith.constant 8 : i32
      %get3A_683 = arith.index_cast %get3A_682 : i32 to index
      %get3A_684 = arith.constant 720 : index
      %get3A_685 = tpu.vector_load %arg10[%get3A_683, %get3A_684] {strides = array<i32>} : memref<16x1024xf32, #tpu.memory_space<vmem>>, vector<1x16xf32>,
      %get3A_686 = vector.shape_cast %get3A_685 : vector<1x16xf32> to vector<16xf32>
      %swap3A_687 = arith.constant 8 : i32
      %swap3A_688 = arith.index_cast %swap3A_687 : i32 to index
      %swap3A_689 = arith.constant 720 : index
      %swap3A_690 = tpu.vector_load %arg7[%swap3A_688, %swap3A_689] {strides = array<i32>} : memref<32x1024xf32, #tpu.memory_space<vmem>>, vector<1x16xf32>,
      %swap3A_691 = vector.shape_cast %swap3A_690 : vector<1x16xf32> to vector<16xf32>
      %swap3A_692 = vector.shape_cast %get3A_686 : vector<16xf32> to vector<1x16xf32>
      tpu.vector_store %arg7[%swap3A_688, %swap3A_689], %swap3A_692 {strides = array<i32>} : memref<32x1024xf32, #tpu.memory_space<vmem>>, vector<1x16xf32>,
      %get3A_693 = arith.constant 8 : i32
      %get3A_694 = arith.index_cast %get3A_693 : i32 to index
      %get3A_695 = arith.constant 736 : index
      %get3A_696 = tpu.vector_load %arg10[%get3A_694, %get3A_695] {strides = array<i32>} : memref<16x1024xf32, #tpu.memory_space<vmem>>, vector<1x16xf32>,
      %get3A_697 = vector.shape_cast %get3A_696 : vector<1x16xf32> to vector<16xf32>
      %swap3A_698 = arith.constant 8 : i32
      %swap3A_699 = arith.index_cast %swap3A_698 : i32 to index
      %swap3A_700 = arith.constant 736 : index
      %swap3A_701 = tpu.vector_load %arg7[%swap3A_699, %swap3A_700] {strides = array<i32>} : memref<32x1024xf32, #tpu.memory_space<vmem>>, vector<1x16xf32>,
      %swap3A_702 = vector.shape_cast %swap3A_701 : vector<1x16xf32> to vector<16xf32>
      %swap3A_703 = vector.shape_cast %get3A_697 : vector<16xf32> to vector<1x16xf32>
      tpu.vector_store %arg7[%swap3A_699, %swap3A_700], %swap3A_703 {strides = array<i32>} : memref<32x1024xf32, #tpu.memory_space<vmem>>, vector<1x16xf32>,
      %get3A_704 = arith.constant 8 : i32
      %get3A_705 = arith.index_cast %get3A_704 : i32 to index
      %get3A_706 = arith.constant 752 : index
      %get3A_707 = tpu.vector_load %arg10[%get3A_705, %get3A_706] {strides = array<i32>} : memref<16x1024xf32, #tpu.memory_space<vmem>>, vector<1x16xf32>,
      %get3A_708 = vector.shape_cast %get3A_707 : vector<1x16xf32> to vector<16xf32>
      %swap3A_709 = arith.constant 8 : i32
      %swap3A_710 = arith.index_cast %swap3A_709 : i32 to index
      %swap3A_711 = arith.constant 752 : index
      %swap3A_712 = tpu.vector_load %arg7[%swap3A_710, %swap3A_711] {strides = array<i32>} : memref<32x1024xf32, #tpu.memory_space<vmem>>, vector<1x16xf32>,
      %swap3A_713 = vector.shape_cast %swap3A_712 : vector<1x16xf32> to vector<16xf32>
      %swap3A_714 = vector.shape_cast %get3A_708 : vector<16xf32> to vector<1x16xf32>
      tpu.vector_store %arg7[%swap3A_710, %swap3A_711], %swap3A_714 {strides = array<i32>} : memref<32x1024xf32, #tpu.memory_space<vmem>>, vector<1x16xf32>,
      %get3A_715 = arith.constant 8 : i32
      %get3A_716 = arith.index_cast %get3A_715 : i32 to index
      %get3A_717 = arith.constant 768 : index
      %get3A_718 = tpu.vector_load %arg10[%get3A_716, %get3A_717] {strides = array<i32>} : memref<16x1024xf32, #tpu.memory_space<vmem>>, vector<1x16xf32>,
      %get3A_719 = vector.shape_cast %get3A_718 : vector<1x16xf32> to vector<16xf32>
      %swap3A_720 = arith.constant 8 : i32
      %swap3A_721 = arith.index_cast %swap3A_720 : i32 to index
      %swap3A_722 = arith.constant 768 : index
      %swap3A_723 = tpu.vector_load %arg7[%swap3A_721, %swap3A_722] {strides = array<i32>} : memref<32x1024xf32, #tpu.memory_space<vmem>>, vector<1x16xf32>,
      %swap3A_724 = vector.shape_cast %swap3A_723 : vector<1x16xf32> to vector<16xf32>
      %swap3A_725 = vector.shape_cast %get3A_719 : vector<16xf32> to vector<1x16xf32>
      tpu.vector_store %arg7[%swap3A_721, %swap3A_722], %swap3A_725 {strides = array<i32>} : memref<32x1024xf32, #tpu.memory_space<vmem>>, vector<1x16xf32>,
      %get3A_726 = arith.constant 8 : i32
      %get3A_727 = arith.index_cast %get3A_726 : i32 to index
      %get3A_728 = arith.constant 784 : index
      %get3A_729 = tpu.vector_load %arg10[%get3A_727, %get3A_728] {strides = array<i32>} : memref<16x1024xf32, #tpu.memory_space<vmem>>, vector<1x16xf32>,
      %get3A_730 = vector.shape_cast %get3A_729 : vector<1x16xf32> to vector<16xf32>
      %swap3A_731 = arith.constant 8 : i32
      %swap3A_732 = arith.index_cast %swap3A_731 : i32 to index
      %swap3A_733 = arith.constant 784 : index
      %swap3A_734 = tpu.vector_load %arg7[%swap3A_732, %swap3A_733] {strides = array<i32>} : memref<32x1024xf32, #tpu.memory_space<vmem>>, vector<1x16xf32>,
      %swap3A_735 = vector.shape_cast %swap3A_734 : vector<1x16xf32> to vector<16xf32>
      %swap3A_736 = vector.shape_cast %get3A_730 : vector<16xf32> to vector<1x16xf32>
      tpu.vector_store %arg7[%swap3A_732, %swap3A_733], %swap3A_736 {strides = array<i32>} : memref<32x1024xf32, #tpu.memory_space<vmem>>, vector<1x16xf32>,
      %get3A_737 = arith.constant 8 : i32
      %get3A_738 = arith.index_cast %get3A_737 : i32 to index
      %get3A_739 = arith.constant 800 : index
      %get3A_740 = tpu.vector_load %arg10[%get3A_738, %get3A_739] {strides = array<i32>} : memref<16x1024xf32, #tpu.memory_space<vmem>>, vector<1x16xf32>,
      %get3A_741 = vector.shape_cast %get3A_740 : vector<1x16xf32> to vector<16xf32>
      %swap3A_742 = arith.constant 8 : i32
      %swap3A_743 = arith.index_cast %swap3A_742 : i32 to index
      %swap3A_744 = arith.constant 800 : index
      %swap3A_745 = tpu.vector_load %arg7[%swap3A_743, %swap3A_744] {strides = array<i32>} : memref<32x1024xf32, #tpu.memory_space<vmem>>, vector<1x16xf32>,
      %swap3A_746 = vector.shape_cast %swap3A_745 : vector<1x16xf32> to vector<16xf32>
      %swap3A_747 = vector.shape_cast %get3A_741 : vector<16xf32> to vector<1x16xf32>
      tpu.vector_store %arg7[%swap3A_743, %swap3A_744], %swap3A_747 {strides = array<i32>} : memref<32x1024xf32, #tpu.memory_space<vmem>>, vector<1x16xf32>,
      %get3A_748 = arith.constant 8 : i32
      %get3A_749 = arith.index_cast %get3A_748 : i32 to index
      %get3A_750 = arith.constant 816 : index
      %get3A_751 = tpu.vector_load %arg10[%get3A_749, %get3A_750] {strides = array<i32>} : memref<16x1024xf32, #tpu.memory_space<vmem>>, vector<1x16xf32>,
      %get3A_752 = vector.shape_cast %get3A_751 : vector<1x16xf32> to vector<16xf32>
      %swap3A_753 = arith.constant 8 : i32
      %swap3A_754 = arith.index_cast %swap3A_753 : i32 to index
      %swap3A_755 = arith.constant 816 : index
      %swap3A_756 = tpu.vector_load %arg7[%swap3A_754, %swap3A_755] {strides = array<i32>} : memref<32x1024xf32, #tpu.memory_space<vmem>>, vector<1x16xf32>,
      %swap3A_757 = vector.shape_cast %swap3A_756 : vector<1x16xf32> to vector<16xf32>
      %swap3A_758 = vector.shape_cast %get3A_752 : vector<16xf32> to vector<1x16xf32>
      tpu.vector_store %arg7[%swap3A_754, %swap3A_755], %swap3A_758 {strides = array<i32>} : memref<32x1024xf32, #tpu.memory_space<vmem>>, vector<1x16xf32>,
      %get3A_759 = arith.constant 8 : i32
      %get3A_760 = arith.index_cast %get3A_759 : i32 to index
      %get3A_761 = arith.constant 832 : index
      %get3A_762 = tpu.vector_load %arg10[%get3A_760, %get3A_761] {strides = array<i32>} : memref<16x1024xf32, #tpu.memory_space<vmem>>, vector<1x16xf32>,
      %get3A_763 = vector.shape_cast %get3A_762 : vector<1x16xf32> to vector<16xf32>
      %swap3A_764 = arith.constant 8 : i32
      %swap3A_765 = arith.index_cast %swap3A_764 : i32 to index
      %swap3A_766 = arith.constant 832 : index
      %swap3A_767 = tpu.vector_load %arg7[%swap3A_765, %swap3A_766] {strides = array<i32>} : memref<32x1024xf32, #tpu.memory_space<vmem>>, vector<1x16xf32>,
      %swap3A_768 = vector.shape_cast %swap3A_767 : vector<1x16xf32> to vector<16xf32>
      %swap3A_769 = vector.shape_cast %get3A_763 : vector<16xf32> to vector<1x16xf32>
      tpu.vector_store %arg7[%swap3A_765, %swap3A_766], %swap3A_769 {strides = array<i32>} : memref<32x1024xf32, #tpu.memory_space<vmem>>, vector<1x16xf32>,
      %get3A_770 = arith.constant 8 : i32
      %get3A_771 = arith.index_cast %get3A_770 : i32 to index
      %get3A_772 = arith.constant 848 : index
      %get3A_773 = tpu.vector_load %arg10[%get3A_771, %get3A_772] {strides = array<i32>} : memref<16x1024xf32, #tpu.memory_space<vmem>>, vector<1x16xf32>,
      %get3A_774 = vector.shape_cast %get3A_773 : vector<1x16xf32> to vector<16xf32>
      %swap3A_775 = arith.constant 8 : i32
      %swap3A_776 = arith.index_cast %swap3A_775 : i32 to index
      %swap3A_777 = arith.constant 848 : index
      %swap3A_778 = tpu.vector_load %arg7[%swap3A_776, %swap3A_777] {strides = array<i32>} : memref<32x1024xf32, #tpu.memory_space<vmem>>, vector<1x16xf32>,
      %swap3A_779 = vector.shape_cast %swap3A_778 : vector<1x16xf32> to vector<16xf32>
      %swap3A_780 = vector.shape_cast %get3A_774 : vector<16xf32> to vector<1x16xf32>
      tpu.vector_store %arg7[%swap3A_776, %swap3A_777], %swap3A_780 {strides = array<i32>} : memref<32x1024xf32, #tpu.memory_space<vmem>>, vector<1x16xf32>,
      %get3A_781 = arith.constant 8 : i32
      %get3A_782 = arith.index_cast %get3A_781 : i32 to index
      %get3A_783 = arith.constant 864 : index
      %get3A_784 = tpu.vector_load %arg10[%get3A_782, %get3A_783] {strides = array<i32>} : memref<16x1024xf32, #tpu.memory_space<vmem>>, vector<1x16xf32>,
      %get3A_785 = vector.shape_cast %get3A_784 : vector<1x16xf32> to vector<16xf32>
      %swap3A_786 = arith.constant 8 : i32
      %swap3A_787 = arith.index_cast %swap3A_786 : i32 to index
      %swap3A_788 = arith.constant 864 : index
      %swap3A_789 = tpu.vector_load %arg7[%swap3A_787, %swap3A_788] {strides = array<i32>} : memref<32x1024xf32, #tpu.memory_space<vmem>>, vector<1x16xf32>,
      %swap3A_790 = vector.shape_cast %swap3A_789 : vector<1x16xf32> to vector<16xf32>
      %swap3A_791 = vector.shape_cast %get3A_785 : vector<16xf32> to vector<1x16xf32>
      tpu.vector_store %arg7[%swap3A_787, %swap3A_788], %swap3A_791 {strides = array<i32>} : memref<32x1024xf32, #tpu.memory_space<vmem>>, vector<1x16xf32>,
      %get3A_792 = arith.constant 8 : i32
      %get3A_793 = arith.index_cast %get3A_792 : i32 to index
      %get3A_794 = arith.constant 880 : index
      %get3A_795 = tpu.vector_load %arg10[%get3A_793, %get3A_794] {strides = array<i32>} : memref<16x1024xf32, #tpu.memory_space<vmem>>, vector<1x16xf32>,
      %get3A_796 = vector.shape_cast %get3A_795 : vector<1x16xf32> to vector<16xf32>
      %swap3A_797 = arith.constant 8 : i32
      %swap3A_798 = arith.index_cast %swap3A_797 : i32 to index
      %swap3A_799 = arith.constant 880 : index
      %swap3A_800 = tpu.vector_load %arg7[%swap3A_798, %swap3A_799] {strides = array<i32>} : memref<32x1024xf32, #tpu.memory_space<vmem>>, vector<1x16xf32>,
      %swap3A_801 = vector.shape_cast %swap3A_800 : vector<1x16xf32> to vector<16xf32>
      %swap3A_802 = vector.shape_cast %get3A_796 : vector<16xf32> to vector<1x16xf32>
      tpu.vector_store %arg7[%swap3A_798, %swap3A_799], %swap3A_802 {strides = array<i32>} : memref<32x1024xf32, #tpu.memory_space<vmem>>, vector<1x16xf32>,
      %get3A_803 = arith.constant 8 : i32
      %get3A_804 = arith.index_cast %get3A_803 : i32 to index
      %get3A_805 = arith.constant 896 : index
      %get3A_806 = tpu.vector_load %arg10[%get3A_804, %get3A_805] {strides = array<i32>} : memref<16x1024xf32, #tpu.memory_space<vmem>>, vector<1x16xf32>,
      %get3A_807 = vector.shape_cast %get3A_806 : vector<1x16xf32> to vector<16xf32>
      %swap3A_808 = arith.constant 8 : i32
      %swap3A_809 = arith.index_cast %swap3A_808 : i32 to index
      %swap3A_810 = arith.constant 896 : index
      %swap3A_811 = tpu.vector_load %arg7[%swap3A_809, %swap3A_810] {strides = array<i32>} : memref<32x1024xf32, #tpu.memory_space<vmem>>, vector<1x16xf32>,
      %swap3A_812 = vector.shape_cast %swap3A_811 : vector<1x16xf32> to vector<16xf32>
      %swap3A_813 = vector.shape_cast %get3A_807 : vector<16xf32> to vector<1x16xf32>
      tpu.vector_store %arg7[%swap3A_809, %swap3A_810], %swap3A_813 {strides = array<i32>} : memref<32x1024xf32, #tpu.memory_space<vmem>>, vector<1x16xf32>,
      %get3A_814 = arith.constant 8 : i32
      %get3A_815 = arith.index_cast %get3A_814 : i32 to index
      %get3A_816 = arith.constant 912 : index
      %get3A_817 = tpu.vector_load %arg10[%get3A_815, %get3A_816] {strides = array<i32>} : memref<16x1024xf32, #tpu.memory_space<vmem>>, vector<1x16xf32>,
      %get3A_818 = vector.shape_cast %get3A_817 : vector<1x16xf32> to vector<16xf32>
      %swap3A_819 = arith.constant 8 : i32
      %swap3A_820 = arith.index_cast %swap3A_819 : i32 to index
      %swap3A_821 = arith.constant 912 : index
      %swap3A_822 = tpu.vector_load %arg7[%swap3A_820, %swap3A_821] {strides = array<i32>} : memref<32x1024xf32, #tpu.memory_space<vmem>>, vector<1x16xf32>,
      %swap3A_823 = vector.shape_cast %swap3A_822 : vector<1x16xf32> to vector<16xf32>
      %swap3A_824 = vector.shape_cast %get3A_818 : vector<16xf32> to vector<1x16xf32>
      tpu.vector_store %arg7[%swap3A_820, %swap3A_821], %swap3A_824 {strides = array<i32>} : memref<32x1024xf32, #tpu.memory_space<vmem>>, vector<1x16xf32>,
      %get3A_825 = arith.constant 8 : i32
      %get3A_826 = arith.index_cast %get3A_825 : i32 to index
      %get3A_827 = arith.constant 928 : index
      %get3A_828 = tpu.vector_load %arg10[%get3A_826, %get3A_827] {strides = array<i32>} : memref<16x1024xf32, #tpu.memory_space<vmem>>, vector<1x16xf32>,
      %get3A_829 = vector.shape_cast %get3A_828 : vector<1x16xf32> to vector<16xf32>
      %swap3A_830 = arith.constant 8 : i32
      %swap3A_831 = arith.index_cast %swap3A_830 : i32 to index
      %swap3A_832 = arith.constant 928 : index
      %swap3A_833 = tpu.vector_load %arg7[%swap3A_831, %swap3A_832] {strides = array<i32>} : memref<32x1024xf32, #tpu.memory_space<vmem>>, vector<1x16xf32>,
      %swap3A_834 = vector.shape_cast %swap3A_833 : vector<1x16xf32> to vector<16xf32>
      %swap3A_835 = vector.shape_cast %get3A_829 : vector<16xf32> to vector<1x16xf32>
      tpu.vector_store %arg7[%swap3A_831, %swap3A_832], %swap3A_835 {strides = array<i32>} : memref<32x1024xf32, #tpu.memory_space<vmem>>, vector<1x16xf32>,
      %get3A_836 = arith.constant 8 : i32
      %get3A_837 = arith.index_cast %get3A_836 : i32 to index
      %get3A_838 = arith.constant 944 : index
      %get3A_839 = tpu.vector_load %arg10[%get3A_837, %get3A_838] {strides = array<i32>} : memref<16x1024xf32, #tpu.memory_space<vmem>>, vector<1x16xf32>,
      %get3A_840 = vector.shape_cast %get3A_839 : vector<1x16xf32> to vector<16xf32>
      %swap3A_841 = arith.constant 8 : i32
      %swap3A_842 = arith.index_cast %swap3A_841 : i32 to index
      %swap3A_843 = arith.constant 944 : index
      %swap3A_844 = tpu.vector_load %arg7[%swap3A_842, %swap3A_843] {strides = array<i32>} : memref<32x1024xf32, #tpu.memory_space<vmem>>, vector<1x16xf32>,
      %swap3A_845 = vector.shape_cast %swap3A_844 : vector<1x16xf32> to vector<16xf32>
      %swap3A_846 = vector.shape_cast %get3A_840 : vector<16xf32> to vector<1x16xf32>
      tpu.vector_store %arg7[%swap3A_842, %swap3A_843], %swap3A_846 {strides = array<i32>} : memref<32x1024xf32, #tpu.memory_space<vmem>>, vector<1x16xf32>,
      %get3A_847 = arith.constant 8 : i32
      %get3A_848 = arith.index_cast %get3A_847 : i32 to index
      %get3A_849 = arith.constant 960 : index
      %get3A_850 = tpu.vector_load %arg10[%get3A_848, %get3A_849] {strides = array<i32>} : memref<16x1024xf32, #tpu.memory_space<vmem>>, vector<1x16xf32>,
      %get3A_851 = vector.shape_cast %get3A_850 : vector<1x16xf32> to vector<16xf32>
      %swap3A_852 = arith.constant 8 : i32
      %swap3A_853 = arith.index_cast %swap3A_852 : i32 to index
      %swap3A_854 = arith.constant 960 : index
      %swap3A_855 = tpu.vector_load %arg7[%swap3A_853, %swap3A_854] {strides = array<i32>} : memref<32x1024xf32, #tpu.memory_space<vmem>>, vector<1x16xf32>,
      %swap3A_856 = vector.shape_cast %swap3A_855 : vector<1x16xf32> to vector<16xf32>
      %swap3A_857 = vector.shape_cast %get3A_851 : vector<16xf32> to vector<1x16xf32>
      tpu.vector_store %arg7[%swap3A_853, %swap3A_854], %swap3A_857 {strides = array<i32>} : memref<32x1024xf32, #tpu.memory_space<vmem>>, vector<1x16xf32>,
      %get3A_858 = arith.constant 8 : i32
      %get3A_859 = arith.index_cast %get3A_858 : i32 to index
      %get3A_860 = arith.constant 976 : index
      %get3A_861 = tpu.vector_load %arg10[%get3A_859, %get3A_860] {strides = array<i32>} : memref<16x1024xf32, #tpu.memory_space<vmem>>, vector<1x16xf32>,
      %get3A_862 = vector.shape_cast %get3A_861 : vector<1x16xf32> to vector<16xf32>
      %swap3A_863 = arith.constant 8 : i32
      %swap3A_864 = arith.index_cast %swap3A_863 : i32 to index
      %swap3A_865 = arith.constant 976 : index
      %swap3A_866 = tpu.vector_load %arg7[%swap3A_864, %swap3A_865] {strides = array<i32>} : memref<32x1024xf32, #tpu.memory_space<vmem>>, vector<1x16xf32>,
      %swap3A_867 = vector.shape_cast %swap3A_866 : vector<1x16xf32> to vector<16xf32>
      %swap3A_868 = vector.shape_cast %get3A_862 : vector<16xf32> to vector<1x16xf32>
      tpu.vector_store %arg7[%swap3A_864, %swap3A_865], %swap3A_868 {strides = array<i32>} : memref<32x1024xf32, #tpu.memory_space<vmem>>, vector<1x16xf32>,
      %get3A_869 = arith.constant 8 : i32
      %get3A_870 = arith.index_cast %get3A_869 : i32 to index
      %get3A_871 = arith.constant 992 : index
      %get3A_872 = tpu.vector_load %arg10[%get3A_870, %get3A_871] {strides = array<i32>} : memref<16x1024xf32, #tpu.memory_space<vmem>>, vector<1x16xf32>,
      %get3A_873 = vector.shape_cast %get3A_872 : vector<1x16xf32> to vector<16xf32>
      %swap3A_874 = arith.constant 8 : i32
      %swap3A_875 = arith.index_cast %swap3A_874 : i32 to index
      %swap3A_876 = arith.constant 992 : index
      %swap3A_877 = tpu.vector_load %arg7[%swap3A_875, %swap3A_876] {strides = array<i32>} : memref<32x1024xf32, #tpu.memory_space<vmem>>, vector<1x16xf32>,
      %swap3A_878 = vector.shape_cast %swap3A_877 : vector<1x16xf32> to vector<16xf32>
      %swap3A_879 = vector.shape_cast %get3A_873 : vector<16xf32> to vector<1x16xf32>
      tpu.vector_store %arg7[%swap3A_875, %swap3A_876], %swap3A_879 {strides = array<i32>} : memref<32x1024xf32, #tpu.memory_space<vmem>>, vector<1x16xf32>,
      %get3A_880 = arith.constant 8 : i32
      %get3A_881 = arith.index_cast %get3A_880 : i32 to index
      %get3A_882 = arith.constant 1008 : index
      %get3A_883 = tpu.vector_load %arg10[%get3A_881, %get3A_882] {strides = array<i32>} : memref<16x1024xf32, #tpu.memory_space<vmem>>, vector<1x16xf32>,
      %get3A_884 = vector.shape_cast %get3A_883 : vector<1x16xf32> to vector<16xf32>
      %swap3A_885 = arith.constant 8 : i32
      %swap3A_886 = arith.index_cast %swap3A_885 : i32 to index
      %swap3A_887 = arith.constant 1008 : index
      %swap3A_888 = tpu.vector_load %arg7[%swap3A_886, %swap3A_887] {strides = array<i32>} : memref<32x1024xf32, #tpu.memory_space<vmem>>, vector<1x16xf32>,
      %swap3A_889 = vector.shape_cast %swap3A_888 : vector<1x16xf32> to vector<16xf32>
      %swap3A_890 = vector.shape_cast %get3A_884 : vector<16xf32> to vector<1x16xf32>
      tpu.vector_store %arg7[%swap3A_886, %swap3A_887], %swap3A_890 {strides = array<i32>} : memref<32x1024xf32, #tpu.memory_space<vmem>>, vector<1x16xf32>,
      %get3A_891 = arith.constant 9 : i32
      %get3A_892 = arith.index_cast %get3A_891 : i32 to index
      %get3A_893 = arith.constant 0 : index
      %get3A_894 = tpu.vector_load %arg10[%get3A_892, %get3A_893] {strides = array<i32>} : memref<16x1024xf32, #tpu.memory_space<vmem>>, vector<1x16xf32>,
      %get3A_895 = vector.shape_cast %get3A_894 : vector<1x16xf32> to vector<16xf32>
      %swap3A_896 = arith.constant 9 : i32
      %swap3A_897 = arith.index_cast %swap3A_896 : i32 to index
      %swap3A_898 = arith.constant 0 : index
      %swap3A_899 = tpu.vector_load %arg7[%swap3A_897, %swap3A_898] {strides = array<i32>} : memref<32x1024xf32, #tpu.memory_space<vmem>>, vector<1x16xf32>,
      %swap3A_900 = vector.shape_cast %swap3A_899 : vector<1x16xf32> to vector<16xf32>
      %swap3A_901 = vector.shape_cast %get3A_895 : vector<16xf32> to vector<1x16xf32>
      tpu.vector_store %arg7[%swap3A_897, %swap3A_898], %swap3A_901 {strides = array<i32>} : memref<32x1024xf32, #tpu.memory_space<vmem>>, vector<1x16xf32>,
      %get3A_902 = arith.constant 9 : i32
      %get3A_903 = arith.index_cast %get3A_902 : i32 to index
      %get3A_904 = arith.constant 16 : index
      %get3A_905 = tpu.vector_load %arg10[%get3A_903, %get3A_904] {strides = array<i32>} : memref<16x1024xf32, #tpu.memory_space<vmem>>, vector<1x16xf32>,
      %get3A_906 = vector.shape_cast %get3A_905 : vector<1x16xf32> to vector<16xf32>
      %swap3A_907 = arith.constant 9 : i32
      %swap3A_908 = arith.index_cast %swap3A_907 : i32 to index
      %swap3A_909 = arith.constant 16 : index
      %swap3A_910 = tpu.vector_load %arg7[%swap3A_908, %swap3A_909] {strides = array<i32>} : memref<32x1024xf32, #tpu.memory_space<vmem>>, vector<1x16xf32>,
      %swap3A_911 = vector.shape_cast %swap3A_910 : vector<1x16xf32> to vector<16xf32>
      %swap3A_912 = vector.shape_cast %get3A_906 : vector<16xf32> to vector<1x16xf32>
      tpu.vector_store %arg7[%swap3A_908, %swap3A_909], %swap3A_912 {strides = array<i32>} : memref<32x1024xf32, #tpu.memory_space<vmem>>, vector<1x16xf32>,
      %get3A_913 = arith.constant 9 : i32
      %get3A_914 = arith.index_cast %get3A_913 : i32 to index
      %get3A_915 = arith.constant 32 : index
      %get3A_916 = tpu.vector_load %arg10[%get3A_914, %get3A_915] {strides = array<i32>} : memref<16x1024xf32, #tpu.memory_space<vmem>>, vector<1x16xf32>,
      %get3A_917 = vector.shape_cast %get3A_916 : vector<1x16xf32> to vector<16xf32>
      %swap3A_918 = arith.constant 9 : i32
      %swap3A_919 = arith.index_cast %swap3A_918 : i32 to index
      %swap3A_920 = arith.constant 32 : index
      %swap3A_921 = tpu.vector_load %arg7[%swap3A_919, %swap3A_920] {strides = array<i32>} : memref<32x1024xf32, #tpu.memory_space<vmem>>, vector<1x16xf32>,
      %swap3A_922 = vector.shape_cast %swap3A_921 : vector<1x16xf32> to vector<16xf32>
      %swap3A_923 = vector.shape_cast %get3A_917 : vector<16xf32> to vector<1x16xf32>
      tpu.vector_store %arg7[%swap3A_919, %swap3A_920], %swap3A_923 {strides = array<i32>} : memref<32x1024xf32, #tpu.memory_space<vmem>>, vector<1x16xf32>,
      %get3A_924 = arith.constant 9 : i32
      %get3A_925 = arith.index_cast %get3A_924 : i32 to index
      %get3A_926 = arith.constant 48 : index
      %get3A_927 = tpu.vector_load %arg10[%get3A_925, %get3A_926] {strides = array<i32>} : memref<16x1024xf32, #tpu.memory_space<vmem>>, vector<1x16xf32>,
      %get3A_928 = vector.shape_cast %get3A_927 : vector<1x16xf32> to vector<16xf32>
      %swap3A_929 = arith.constant 9 : i32
      %swap3A_930 = arith.index_cast %swap3A_929 : i32 to index
      %swap3A_931 = arith.constant 48 : index
      %swap3A_932 = tpu.vector_load %arg7[%swap3A_930, %swap3A_931] {strides = array<i32>} : memref<32x1024xf32, #tpu.memory_space<vmem>>, vector<1x16xf32>,
      %swap3A_933 = vector.shape_cast %swap3A_932 : vector<1x16xf32> to vector<16xf32>
      %swap3A_934 = vector.shape_cast %get3A_928 : vector<16xf32> to vector<1x16xf32>
      tpu.vector_store %arg7[%swap3A_930, %swap3A_931], %swap3A_934 {strides = array<i32>} : memref<32x1024xf32, #tpu.memory_space<vmem>>, vector<1x16xf32>,
      %get3A_935 = arith.constant 9 : i32
      %get3A_936 = arith.index_cast %get3A_935 : i32 to index
      %get3A_937 = arith.constant 64 : index
      %get3A_938 = tpu.vector_load %arg10[%get3A_936, %get3A_937] {strides = array<i32>} : memref<16x1024xf32, #tpu.memory_space<vmem>>, vector<1x16xf32>,
      %get3A_939 = vector.shape_cast %get3A_938 : vector<1x16xf32> to vector<16xf32>
      %swap3A_940 = arith.constant 9 : i32
      %swap3A_941 = arith.index_cast %swap3A_940 : i32 to index
      %swap3A_942 = arith.constant 64 : index
      %swap3A_943 = tpu.vector_load %arg7[%swap3A_941, %swap3A_942] {strides = array<i32>} : memref<32x1024xf32, #tpu.memory_space<vmem>>, vector<1x16xf32>,
      %swap3A_944 = vector.shape_cast %swap3A_943 : vector<1x16xf32> to vector<16xf32>
      %swap3A_945 = vector.shape_cast %get3A_939 : vector<16xf32> to vector<1x16xf32>
      tpu.vector_store %arg7[%swap3A_941, %swap3A_942], %swap3A_945 {strides = array<i32>} : memref<32x1024xf32, #tpu.memory_space<vmem>>, vector<1x16xf32>,
      %get3A_946 = arith.constant 9 : i32
      %get3A_947 = arith.index_cast %get3A_946 : i32 to index
      %get3A_948 = arith.constant 80 : index
      %get3A_949 = tpu.vector_load %arg10[%get3A_947, %get3A_948] {strides = array<i32>} : memref<16x1024xf32, #tpu.memory_space<vmem>>, vector<1x16xf32>,
      %get3A_950 = vector.shape_cast %get3A_949 : vector<1x16xf32> to vector<16xf32>
      %swap3A_951 = arith.constant 9 : i32
      %swap3A_952 = arith.index_cast %swap3A_951 : i32 to index
      %swap3A_953 = arith.constant 80 : index
      %swap3A_954 = tpu.vector_load %arg7[%swap3A_952, %swap3A_953] {strides = array<i32>} : memref<32x1024xf32, #tpu.memory_space<vmem>>, vector<1x16xf32>,
      %swap3A_955 = vector.shape_cast %swap3A_954 : vector<1x16xf32> to vector<16xf32>
      %swap3A_956 = vector.shape_cast %get3A_950 : vector<16xf32> to vector<1x16xf32>
      tpu.vector_store %arg7[%swap3A_952, %swap3A_953], %swap3A_956 {strides = array<i32>} : memref<32x1024xf32, #tpu.memory_space<vmem>>, vector<1x16xf32>,
      %get3A_957 = arith.constant 9 : i32
      %get3A_958 = arith.index_cast %get3A_957 : i32 to index
      %get3A_959 = arith.constant 96 : index
      %get3A_960 = tpu.vector_load %arg10[%get3A_958, %get3A_959] {strides = array<i32>} : memref<16x1024xf32, #tpu.memory_space<vmem>>, vector<1x16xf32>,
      %get3A_961 = vector.shape_cast %get3A_960 : vector<1x16xf32> to vector<16xf32>
      %swap3A_962 = arith.constant 9 : i32
      %swap3A_963 = arith.index_cast %swap3A_962 : i32 to index
      %swap3A_964 = arith.constant 96 : index
      %swap3A_965 = tpu.vector_load %arg7[%swap3A_963, %swap3A_964] {strides = array<i32>} : memref<32x1024xf32, #tpu.memory_space<vmem>>, vector<1x16xf32>,
      %swap3A_966 = vector.shape_cast %swap3A_965 : vector<1x16xf32> to vector<16xf32>
      %swap3A_967 = vector.shape_cast %get3A_961 : vector<16xf32> to vector<1x16xf32>
      tpu.vector_store %arg7[%swap3A_963, %swap3A_964], %swap3A_967 {strides = array<i32>} : memref<32x1024xf32, #tpu.memory_space<vmem>>, vector<1x16xf32>,
      %get3A_968 = arith.constant 9 : i32
      %get3A_969 = arith.index_cast %get3A_968 : i32 to index
      %get3A_970 = arith.constant 112 : index
      %get3A_971 = tpu.vector_load %arg10[%get3A_969, %get3A_970] {strides = array<i32>} : memref<16x1024xf32, #tpu.memory_space<vmem>>, vector<1x16xf32>,
      %get3A_972 = vector.shape_cast %get3A_971 : vector<1x16xf32> to vector<16xf32>
      %swap3A_973 = arith.constant 9 : i32
      %swap3A_974 = arith.index_cast %swap3A_973 : i32 to index
      %swap3A_975 = arith.constant 112 : index
      %swap3A_976 = tpu.vector_load %arg7[%swap3A_974, %swap3A_975] {strides = array<i32>} : memref<32x1024xf32, #tpu.memory_space<vmem>>, vector<1x16xf32>,
      %swap3A_977 = vector.shape_cast %swap3A_976 : vector<1x16xf32> to vector<16xf32>
      %swap3A_978 = vector.shape_cast %get3A_972 : vector<16xf32> to vector<1x16xf32>
      tpu.vector_store %arg7[%swap3A_974, %swap3A_975], %swap3A_978 {strides = array<i32>} : memref<32x1024xf32, #tpu.memory_space<vmem>>, vector<1x16xf32>,
      %get3A_979 = arith.constant 9 : i32
      %get3A_980 = arith.index_cast %get3A_979 : i32 to index
      %get3A_981 = arith.constant 128 : index
      %get3A_982 = tpu.vector_load %arg10[%get3A_980, %get3A_981] {strides = array<i32>} : memref<16x1024xf32, #tpu.memory_space<vmem>>, vector<1x16xf32>,
      %get3A_983 = vector.shape_cast %get3A_982 : vector<1x16xf32> to vector<16xf32>
      %swap3A_984 = arith.constant 9 : i32
      %swap3A_985 = arith.index_cast %swap3A_984 : i32 to index
      %swap3A_986 = arith.constant 128 : index
      %swap3A_987 = tpu.vector_load %arg7[%swap3A_985, %swap3A_986] {strides = array<i32>} : memref<32x1024xf32, #tpu.memory_space<vmem>>, vector<1x16xf32>,
      %swap3A_988 = vector.shape_cast %swap3A_987 : vector<1x16xf32> to vector<16xf32>
      %swap3A_989 = vector.shape_cast %get3A_983 : vector<16xf32> to vector<1x16xf32>
      tpu.vector_store %arg7[%swap3A_985, %swap3A_986], %swap3A_989 {strides = array<i32>} : memref<32x1024xf32, #tpu.memory_space<vmem>>, vector<1x16xf32>,
      %get3A_990 = arith.constant 9 : i32
      %get3A_991 = arith.index_cast %get3A_990 : i32 to index
      %get3A_992 = arith.constant 144 : index
      %get3A_993 = tpu.vector_load %arg10[%get3A_991, %get3A_992] {strides = array<i32>} : memref<16x1024xf32, #tpu.memory_space<vmem>>, vector<1x16xf32>,
      %get3A_994 = vector.shape_cast %get3A_993 : vector<1x16xf32> to vector<16xf32>
      %swap3A_995 = arith.constant 9 : i32
      %swap3A_996 = arith.index_cast %swap3A_995 : i32 to index
      %swap3A_997 = arith.constant 144 : index
      %swap3A_998 = tpu.vector_load %arg7[%swap3A_996, %swap3A_997] {strides = array<i32>} : memref<32x1024xf32, #tpu.memory_space<vmem>>, vector<1x16xf32>,
      %swap3A_999 = vector.shape_cast %swap3A_998 : vector<1x16xf32> to vector<16xf32>
      %swap3A_1000 = vector.shape_cast %get3A_994 : vector<16xf32> to vector<1x16xf32>
      tpu.vector_store %arg7[%swap3A_996, %swap3A_997], %swap3A_1000 {strides = array<i32>} : memref<32x1024xf32, #tpu.memory_space<vmem>>, vector<1x16xf32>,
      %get3A_1001 = arith.constant 9 : i32
      %get3A_1002 = arith.index_cast %get3A_1001 : i32 to index
      %get3A_1003 = arith.constant 160 : index
      %get3A_1004 = tpu.vector_load %arg10[%get3A_1002, %get3A_1003] {strides = array<i32>} : memref<16x1024xf32, #tpu.memory_space<vmem>>, vector<1x16xf32>,
      %get3A_1005 = vector.shape_cast %get3A_1004 : vector<1x16xf32> to vector<16xf32>
      %swap3A_1006 = arith.constant 9 : i32
      %swap3A_1007 = arith.index_cast %swap3A_1006 : i32 to index
      %swap3A_1008 = arith.constant 160 : index
      %swap3A_1009 = tpu.vector_load %arg7[%swap3A_1007, %swap3A_1008] {strides = array<i32>} : memref<32x1024xf32, #tpu.memory_space<vmem>>, vector<1x16xf32>,
      %swap3A_1010 = vector.shape_cast %swap3A_1009 : vector<1x16xf32> to vector<16xf32>
      %swap3A_1011 = vector.shape_cast %get3A_1005 : vector<16xf32> to vector<1x16xf32>
      tpu.vector_store %arg7[%swap3A_1007, %swap3A_1008], %swap3A_1011 {strides = array<i32>} : memref<32x1024xf32, #tpu.memory_space<vmem>>, vector<1x16xf32>,
      %get3A_1012 = arith.constant 9 : i32
      %get3A_1013 = arith.index_cast %get3A_1012 : i32 to index
      %get3A_1014 = arith.constant 176 : index
      %get3A_1015 = tpu.vector_load %arg10[%get3A_1013, %get3A_1014] {strides = array<i32>} : memref<16x1024xf32, #tpu.memory_space<vmem>>, vector<1x16xf32>,
      %get3A_1016 = vector.shape_cast %get3A_1015 : vector<1x16xf32> to vector<16xf32>
      %swap3A_1017 = arith.constant 9 : i32
      %swap3A_1018 = arith.index_cast %swap3A_1017 : i32 to index
      %swap3A_1019 = arith.constant 176 : index
      %swap3A_1020 = tpu.vector_load %arg7[%swap3A_1018, %swap3A_1019] {strides = array<i32>} : memref<32x1024xf32, #tpu.memory_space<vmem>>, vector<1x16xf32>,
      %swap3A_1021 = vector.shape_cast %swap3A_1020 : vector<1x16xf32> to vector<16xf32>
      %swap3A_1022 = vector.shape_cast %get3A_1016 : vector<16xf32> to vector<1x16xf32>
      tpu.vector_store %arg7[%swap3A_1018, %swap3A_1019], %swap3A_1022 {strides = array<i32>} : memref<32x1024xf32, #tpu.memory_space<vmem>>, vector<1x16xf32>,
      %get3A_1023 = arith.constant 9 : i32
      %get3A_1024 = arith.index_cast %get3A_1023 : i32 to index
      %get3A_1025 = arith.constant 192 : index
      %get3A_1026 = tpu.vector_load %arg10[%get3A_1024, %get3A_1025] {strides = array<i32>} : memref<16x1024xf32, #tpu.memory_space<vmem>>, vector<1x16xf32>,
      %get3A_1027 = vector.shape_cast %get3A_1026 : vector<1x16xf32> to vector<16xf32>
      %swap3A_1028 = arith.constant 9 : i32
      %swap3A_1029 = arith.index_cast %swap3A_1028 : i32 to index
      %swap3A_1030 = arith.constant 192 : index
      %swap3A_1031 = tpu.vector_load %arg7[%swap3A_1029, %swap3A_1030] {strides = array<i32>} : memref<32x1024xf32, #tpu.memory_space<vmem>>, vector<1x16xf32>,
      %swap3A_1032 = vector.shape_cast %swap3A_1031 : vector<1x16xf32> to vector<16xf32>
      %swap3A_1033 = vector.shape_cast %get3A_1027 : vector<16xf32> to vector<1x16xf32>
      tpu.vector_store %arg7[%swap3A_1029, %swap3A_1030], %swap3A_1033 {strides = array<i32>} : memref<32x1024xf32, #tpu.memory_space<vmem>>, vector<1x16xf32>,
      %get3A_1034 = arith.constant 9 : i32
      %get3A_1035 = arith.index_cast %get3A_1034 : i32 to index
      %get3A_1036 = arith.constant 208 : index
      %get3A_1037 = tpu.vector_load %arg10[%get3A_1035, %get3A_1036] {strides = array<i32>} : memref<16x1024xf32, #tpu.memory_space<vmem>>, vector<1x16xf32>,
      %get3A_1038 = vector.shape_cast %get3A_1037 : vector<1x16xf32> to vector<16xf32>
      %swap3A_1039 = arith.constant 9 : i32
      %swap3A_1040 = arith.index_cast %swap3A_1039 : i32 to index
      %swap3A_1041 = arith.constant 208 : index
      %swap3A_1042 = tpu.vector_load %arg7[%swap3A_1040, %swap3A_1041] {strides = array<i32>} : memref<32x1024xf32, #tpu.memory_space<vmem>>, vector<1x16xf32>,
      %swap3A_1043 = vector.shape_cast %swap3A_1042 : vector<1x16xf32> to vector<16xf32>
      %swap3A_1044 = vector.shape_cast %get3A_1038 : vector<16xf32> to vector<1x16xf32>
      tpu.vector_store %arg7[%swap3A_1040, %swap3A_1041], %swap3A_1044 {strides = array<i32>} : memref<32x1024xf32, #tpu.memory_space<vmem>>, vector<1x16xf32>,
      %get3A_1045 = arith.constant 9 : i32
      %get3A_1046 = arith.index_cast %get3A_1045 : i32 to index
      %get3A_1047 = arith.constant 224 : index
      %get3A_1048 = tpu.vector_load %arg10[%get3A_1046, %get3A_1047] {strides = array<i32>} : memref<16x1024xf32, #tpu.memory_space<vmem>>, vector<1x16xf32>,
      %get3A_1049 = vector.shape_cast %get3A_1048 : vector<1x16xf32> to vector<16xf32>
      %swap3A_1050 = arith.constant 9 : i32
      %swap3A_1051 = arith.index_cast %swap3A_1050 : i32 to index
      %swap3A_1052 = arith.constant 224 : index
      %swap3A_1053 = tpu.vector_load %arg7[%swap3A_1051, %swap3A_1052] {strides = array<i32>} : memref<32x1024xf32, #tpu.memory_space<vmem>>, vector<1x16xf32>,
      %swap3A_1054 = vector.shape_cast %swap3A_1053 : vector<1x16xf32> to vector<16xf32>
      %swap3A_1055 = vector.shape_cast %get3A_1049 : vector<16xf32> to vector<1x16xf32>
      tpu.vector_store %arg7[%swap3A_1051, %swap3A_1052], %swap3A_1055 {strides = array<i32>} : memref<32x1024xf32, #tpu.memory_space<vmem>>, vector<1x16xf32>,
      %get3A_1056 = arith.constant 9 : i32
      %get3A_1057 = arith.index_cast %get3A_1056 : i32 to index
      %get3A_1058 = arith.constant 240 : index
      %get3A_1059 = tpu.vector_load %arg10[%get3A_1057, %get3A_1058] {strides = array<i32>} : memref<16x1024xf32, #tpu.memory_space<vmem>>, vector<1x16xf32>,
      %get3A_1060 = vector.shape_cast %get3A_1059 : vector<1x16xf32> to vector<16xf32>
      %swap3A_1061 = arith.constant 9 : i32
      %swap3A_1062 = arith.index_cast %swap3A_1061 : i32 to index
      %swap3A_1063 = arith.constant 240 : index
      %swap3A_1064 = tpu.vector_load %arg7[%swap3A_1062, %swap3A_1063] {strides = array<i32>} : memref<32x1024xf32, #tpu.memory_space<vmem>>, vector<1x16xf32>,
      %swap3A_1065 = vector.shape_cast %swap3A_1064 : vector<1x16xf32> to vector<16xf32>
      %swap3A_1066 = vector.shape_cast %get3A_1060 : vector<16xf32> to vector<1x16xf32>
      tpu.vector_store %arg7[%swap3A_1062, %swap3A_1063], %swap3A_1066 {strides = array<i32>} : memref<32x1024xf32, #tpu.memory_space<vmem>>, vector<1x16xf32>,
      %get3A_1067 = arith.constant 9 : i32
      %get3A_1068 = arith.index_cast %get3A_1067 : i32 to index
      %get3A_1069 = arith.constant 256 : index
      %get3A_1070 = tpu.vector_load %arg10[%get3A_1068, %get3A_1069] {strides = array<i32>} : memref<16x1024xf32, #tpu.memory_space<vmem>>, vector<1x16xf32>,
      %get3A_1071 = vector.shape_cast %get3A_1070 : vector<1x16xf32> to vector<16xf32>
      %swap3A_1072 = arith.constant 9 : i32
      %swap3A_1073 = arith.index_cast %swap3A_1072 : i32 to index
      %swap3A_1074 = arith.constant 256 : index
      %swap3A_1075 = tpu.vector_load %arg7[%swap3A_1073, %swap3A_1074] {strides = array<i32>} : memref<32x1024xf32, #tpu.memory_space<vmem>>, vector<1x16xf32>,
      %swap3A_1076 = vector.shape_cast %swap3A_1075 : vector<1x16xf32> to vector<16xf32>
      %swap3A_1077 = vector.shape_cast %get3A_1071 : vector<16xf32> to vector<1x16xf32>
      tpu.vector_store %arg7[%swap3A_1073, %swap3A_1074], %swap3A_1077 {strides = array<i32>} : memref<32x1024xf32, #tpu.memory_space<vmem>>, vector<1x16xf32>,
      %get3A_1078 = arith.constant 9 : i32
      %get3A_1079 = arith.index_cast %get3A_1078 : i32 to index
      %get3A_1080 = arith.constant 272 : index
      %get3A_1081 = tpu.vector_load %arg10[%get3A_1079, %get3A_1080] {strides = array<i32>} : memref<16x1024xf32, #tpu.memory_space<vmem>>, vector<1x16xf32>,
      %get3A_1082 = vector.shape_cast %get3A_1081 : vector<1x16xf32> to vector<16xf32>
      %swap3A_1083 = arith.constant 9 : i32
      %swap3A_1084 = arith.index_cast %swap3A_1083 : i32 to index
      %swap3A_1085 = arith.constant 272 : index
      %swap3A_1086 = tpu.vector_load %arg7[%swap3A_1084, %swap3A_1085] {strides = array<i32>} : memref<32x1024xf32, #tpu.memory_space<vmem>>, vector<1x16xf32>,
      %swap3A_1087 = vector.shape_cast %swap3A_1086 : vector<1x16xf32> to vector<16xf32>
      %swap3A_1088 = vector.shape_cast %get3A_1082 : vector<16xf32> to vector<1x16xf32>
      tpu.vector_store %arg7[%swap3A_1084, %swap3A_1085], %swap3A_1088 {strides = array<i32>} : memref<32x1024xf32, #tpu.memory_space<vmem>>, vector<1x16xf32>,
      %get3A_1089 = arith.constant 9 : i32
      %get3A_1090 = arith.index_cast %get3A_1089 : i32 to index
      %get3A_1091 = arith.constant 288 : index
      %get3A_1092 = tpu.vector_load %arg10[%get3A_1090, %get3A_1091] {strides = array<i32>} : memref<16x1024xf32, #tpu.memory_space<vmem>>, vector<1x16xf32>,
      %get3A_1093 = vector.shape_cast %get3A_1092 : vector<1x16xf32> to vector<16xf32>
      %swap3A_1094 = arith.constant 9 : i32
      %swap3A_1095 = arith.index_cast %swap3A_1094 : i32 to index
      %swap3A_1096 = arith.constant 288 : index
      %swap3A_1097 = tpu.vector_load %arg7[%swap3A_1095, %swap3A_1096] {strides = array<i32>} : memref<32x1024xf32, #tpu.memory_space<vmem>>, vector<1x16xf32>,
      %swap3A_1098 = vector.shape_cast %swap3A_1097 : vector<1x16xf32> to vector<16xf32>
      %swap3A_1099 = vector.shape_cast %get3A_1093 : vector<16xf32> to vector<1x16xf32>
      tpu.vector_store %arg7[%swap3A_1095, %swap3A_1096], %swap3A_1099 {strides = array<i32>} : memref<32x1024xf32, #tpu.memory_space<vmem>>, vector<1x16xf32>,
      %get3A_1100 = arith.constant 9 : i32
      %get3A_1101 = arith.index_cast %get3A_1100 : i32 to index
      %get3A_1102 = arith.constant 304 : index
      %get3A_1103 = tpu.vector_load %arg10[%get3A_1101, %get3A_1102] {strides = array<i32>} : memref<16x1024xf32, #tpu.memory_space<vmem>>, vector<1x16xf32>,
      %get3A_1104 = vector.shape_cast %get3A_1103 : vector<1x16xf32> to vector<16xf32>
      %swap3A_1105 = arith.constant 9 : i32
      %swap3A_1106 = arith.index_cast %swap3A_1105 : i32 to index
      %swap3A_1107 = arith.constant 304 : index
      %swap3A_1108 = tpu.vector_load %arg7[%swap3A_1106, %swap3A_1107] {strides = array<i32>} : memref<32x1024xf32, #tpu.memory_space<vmem>>, vector<1x16xf32>,
      %swap3A_1109 = vector.shape_cast %swap3A_1108 : vector<1x16xf32> to vector<16xf32>
      %swap3A_1110 = vector.shape_cast %get3A_1104 : vector<16xf32> to vector<1x16xf32>
      tpu.vector_store %arg7[%swap3A_1106, %swap3A_1107], %swap3A_1110 {strides = array<i32>} : memref<32x1024xf32, #tpu.memory_space<vmem>>, vector<1x16xf32>,
      %get3A_1111 = arith.constant 9 : i32
      %get3A_1112 = arith.index_cast %get3A_1111 : i32 to index
      %get3A_1113 = arith.constant 320 : index
      %get3A_1114 = tpu.vector_load %arg10[%get3A_1112, %get3A_1113] {strides = array<i32>} : memref<16x1024xf32, #tpu.memory_space<vmem>>, vector<1x16xf32>,
      %get3A_1115 = vector.shape_cast %get3A_1114 : vector<1x16xf32> to vector<16xf32>
      %swap3A_1116 = arith.constant 9 : i32
      %swap3A_1117 = arith.index_cast %swap3A_1116 : i32 to index
      %swap3A_1118 = arith.constant 320 : index
      %swap3A_1119 = tpu.vector_load %arg7[%swap3A_1117, %swap3A_1118] {strides = array<i32>} : memref<32x1024xf32, #tpu.memory_space<vmem>>, vector<1x16xf32>,
      %swap3A_1120 = vector.shape_cast %swap3A_1119 : vector<1x16xf32> to vector<16xf32>
      %swap3A_1121 = vector.shape_cast %get3A_1115 : vector<16xf32> to vector<1x16xf32>
      tpu.vector_store %arg7[%swap3A_1117, %swap3A_1118], %swap3A_1121 {strides = array<i32>} : memref<32x1024xf32, #tpu.memory_space<vmem>>, vector<1x16xf32>,
      %get3A_1122 = arith.constant 9 : i32
      %get3A_1123 = arith.index_cast %get3A_1122 : i32 to index
      %get3A_1124 = arith.constant 336 : index
      %get3A_1125 = tpu.vector_load %arg10[%get3A_1123, %get3A_1124] {strides = array<i32>} : memref<16x1024xf32, #tpu.memory_space<vmem>>, vector<1x16xf32>,
      %get3A_1126 = vector.shape_cast %get3A_1125 : vector<1x16xf32> to vector<16xf32>
      %swap3A_1127 = arith.constant 9 : i32
      %swap3A_1128 = arith.index_cast %swap3A_1127 : i32 to index
      %swap3A_1129 = arith.constant 336 : index
      %swap3A_1130 = tpu.vector_load %arg7[%swap3A_1128, %swap3A_1129] {strides = array<i32>} : memref<32x1024xf32, #tpu.memory_space<vmem>>, vector<1x16xf32>,
      %swap3A_1131 = vector.shape_cast %swap3A_1130 : vector<1x16xf32> to vector<16xf32>
      %swap3A_1132 = vector.shape_cast %get3A_1126 : vector<16xf32> to vector<1x16xf32>
      tpu.vector_store %arg7[%swap3A_1128, %swap3A_1129], %swap3A_1132 {strides = array<i32>} : memref<32x1024xf32, #tpu.memory_space<vmem>>, vector<1x16xf32>,
      %get3A_1133 = arith.constant 9 : i32
      %get3A_1134 = arith.index_cast %get3A_1133 : i32 to index
      %get3A_1135 = arith.constant 352 : index
      %get3A_1136 = tpu.vector_load %arg10[%get3A_1134, %get3A_1135] {strides = array<i32>} : memref<16x1024xf32, #tpu.memory_space<vmem>>, vector<1x16xf32>,
      %get3A_1137 = vector.shape_cast %get3A_1136 : vector<1x16xf32> to vector<16xf32>
      %swap3A_1138 = arith.constant 9 : i32
      %swap3A_1139 = arith.index_cast %swap3A_1138 : i32 to index
      %swap3A_1140 = arith.constant 352 : index
      %swap3A_1141 = tpu.vector_load %arg7[%swap3A_1139, %swap3A_1140] {strides = array<i32>} : memref<32x1024xf32, #tpu.memory_space<vmem>>, vector<1x16xf32>,
      %swap3A_1142 = vector.shape_cast %swap3A_1141 : vector<1x16xf32> to vector<16xf32>
      %swap3A_1143 = vector.shape_cast %get3A_1137 : vector<16xf32> to vector<1x16xf32>
      tpu.vector_store %arg7[%swap3A_1139, %swap3A_1140], %swap3A_1143 {strides = array<i32>} : memref<32x1024xf32, #tpu.memory_space<vmem>>, vector<1x16xf32>,
      %get3A_1144 = arith.constant 9 : i32
      %get3A_1145 = arith.index_cast %get3A_1144 : i32 to index
      %get3A_1146 = arith.constant 368 : index
      %get3A_1147 = tpu.vector_load %arg10[%get3A_1145, %get3A_1146] {strides = array<i32>} : memref<16x1024xf32, #tpu.memory_space<vmem>>, vector<1x16xf32>,
      %get3A_1148 = vector.shape_cast %get3A_1147 : vector<1x16xf32> to vector<16xf32>
      %swap3A_1149 = arith.constant 9 : i32
      %swap3A_1150 = arith.index_cast %swap3A_1149 : i32 to index
      %swap3A_1151 = arith.constant 368 : index
      %swap3A_1152 = tpu.vector_load %arg7[%swap3A_1150, %swap3A_1151] {strides = array<i32>} : memref<32x1024xf32, #tpu.memory_space<vmem>>, vector<1x16xf32>,
      %swap3A_1153 = vector.shape_cast %swap3A_1152 : vector<1x16xf32> to vector<16xf32>
      %swap3A_1154 = vector.shape_cast %get3A_1148 : vector<16xf32> to vector<1x16xf32>
      tpu.vector_store %arg7[%swap3A_1150, %swap3A_1151], %swap3A_1154 {strides = array<i32>} : memref<32x1024xf32, #tpu.memory_space<vmem>>, vector<1x16xf32>,
      %get3A_1155 = arith.constant 9 : i32
      %get3A_1156 = arith.index_cast %get3A_1155 : i32 to index
      %get3A_1157 = arith.constant 384 : index
      %get3A_1158 = tpu.vector_load %arg10[%get3A_1156, %get3A_1157] {strides = array<i32>} : memref<16x1024xf32, #tpu.memory_space<vmem>>, vector<1x16xf32>,
      %get3A_1159 = vector.shape_cast %get3A_1158 : vector<1x16xf32> to vector<16xf32>
      %swap3A_1160 = arith.constant 9 : i32
      %swap3A_1161 = arith.index_cast %swap3A_1160 : i32 to index
      %swap3A_1162 = arith.constant 384 : index
      %swap3A_1163 = tpu.vector_load %arg7[%swap3A_1161, %swap3A_1162] {strides = array<i32>} : memref<32x1024xf32, #tpu.memory_space<vmem>>, vector<1x16xf32>,
      %swap3A_1164 = vector.shape_cast %swap3A_1163 : vector<1x16xf32> to vector<16xf32>
      %swap3A_1165 = vector.shape_cast %get3A_1159 : vector<16xf32> to vector<1x16xf32>
      tpu.vector_store %arg7[%swap3A_1161, %swap3A_1162], %swap3A_1165 {strides = array<i32>} : memref<32x1024xf32, #tpu.memory_space<vmem>>, vector<1x16xf32>,
      %get3A_1166 = arith.constant 9 : i32
      %get3A_1167 = arith.index_cast %get3A_1166 : i32 to index
      %get3A_1168 = arith.constant 400 : index
      %get3A_1169 = tpu.vector_load %arg10[%get3A_1167, %get3A_1168] {strides = array<i32>} : memref<16x1024xf32, #tpu.memory_space<vmem>>, vector<1x16xf32>,
      %get3A_1170 = vector.shape_cast %get3A_1169 : vector<1x16xf32> to vector<16xf32>
      %swap3A_1171 = arith.constant 9 : i32
      %swap3A_1172 = arith.index_cast %swap3A_1171 : i32 to index
      %swap3A_1173 = arith.constant 400 : index
      %swap3A_1174 = tpu.vector_load %arg7[%swap3A_1172, %swap3A_1173] {strides = array<i32>} : memref<32x1024xf32, #tpu.memory_space<vmem>>, vector<1x16xf32>,
      %swap3A_1175 = vector.shape_cast %swap3A_1174 : vector<1x16xf32> to vector<16xf32>
      %swap3A_1176 = vector.shape_cast %get3A_1170 : vector<16xf32> to vector<1x16xf32>
      tpu.vector_store %arg7[%swap3A_1172, %swap3A_1173], %swap3A_1176 {strides = array<i32>} : memref<32x1024xf32, #tpu.memory_space<vmem>>, vector<1x16xf32>,
      %get3A_1177 = arith.constant 9 : i32
      %get3A_1178 = arith.index_cast %get3A_1177 : i32 to index
      %get3A_1179 = arith.constant 416 : index
      %get3A_1180 = tpu.vector_load %arg10[%get3A_1178, %get3A_1179] {strides = array<i32>} : memref<16x1024xf32, #tpu.memory_space<vmem>>, vector<1x16xf32>,
      %get3A_1181 = vector.shape_cast %get3A_1180 : vector<1x16xf32> to vector<16xf32>
      %swap3A_1182 = arith.constant 9 : i32
      %swap3A_1183 = arith.index_cast %swap3A_1182 : i32 to index
      %swap3A_1184 = arith.constant 416 : index
      %swap3A_1185 = tpu.vector_load %arg7[%swap3A_1183, %swap3A_1184] {strides = array<i32>} : memref<32x1024xf32, #tpu.memory_space<vmem>>, vector<1x16xf32>,
      %swap3A_1186 = vector.shape_cast %swap3A_1185 : vector<1x16xf32> to vector<16xf32>
      %swap3A_1187 = vector.shape_cast %get3A_1181 : vector<16xf32> to vector<1x16xf32>
      tpu.vector_store %arg7[%swap3A_1183, %swap3A_1184], %swap3A_1187 {strides = array<i32>} : memref<32x1024xf32, #tpu.memory_space<vmem>>, vector<1x16xf32>,
      %get3A_1188 = arith.constant 9 : i32
      %get3A_1189 = arith.index_cast %get3A_1188 : i32 to index
      %get3A_1190 = arith.constant 432 : index
      %get3A_1191 = tpu.vector_load %arg10[%get3A_1189, %get3A_1190] {strides = array<i32>} : memref<16x1024xf32, #tpu.memory_space<vmem>>, vector<1x16xf32>,
      %get3A_1192 = vector.shape_cast %get3A_1191 : vector<1x16xf32> to vector<16xf32>
      %swap3A_1193 = arith.constant 9 : i32
      %swap3A_1194 = arith.index_cast %swap3A_1193 : i32 to index
      %swap3A_1195 = arith.constant 432 : index
      %swap3A_1196 = tpu.vector_load %arg7[%swap3A_1194, %swap3A_1195] {strides = array<i32>} : memref<32x1024xf32, #tpu.memory_space<vmem>>, vector<1x16xf32>,
      %swap3A_1197 = vector.shape_cast %swap3A_1196 : vector<1x16xf32> to vector<16xf32>
      %swap3A_1198 = vector.shape_cast %get3A_1192 : vector<16xf32> to vector<1x16xf32>
      tpu.vector_store %arg7[%swap3A_1194, %swap3A_1195], %swap3A_1198 {strides = array<i32>} : memref<32x1024xf32, #tpu.memory_space<vmem>>, vector<1x16xf32>,
      %get3A_1199 = arith.constant 9 : i32
      %get3A_1200 = arith.index_cast %get3A_1199 : i32 to index
      %get3A_1201 = arith.constant 448 : index
      %get3A_1202 = tpu.vector_load %arg10[%get3A_1200, %get3A_1201] {strides = array<i32>} : memref<16x1024xf32, #tpu.memory_space<vmem>>, vector<1x16xf32>,
      %get3A_1203 = vector.shape_cast %get3A_1202 : vector<1x16xf32> to vector<16xf32>
      %swap3A_1204 = arith.constant 9 : i32
      %swap3A_1205 = arith.index_cast %swap3A_1204 : i32 to index
      %swap3A_1206 = arith.constant 448 : index
      %swap3A_1207 = tpu.vector_load %arg7[%swap3A_1205, %swap3A_1206] {strides = array<i32>} : memref<32x1024xf32, #tpu.memory_space<vmem>>, vector<1x16xf32>,
      %swap3A_1208 = vector.shape_cast %swap3A_1207 : vector<1x16xf32> to vector<16xf32>
      %swap3A_1209 = vector.shape_cast %get3A_1203 : vector<16xf32> to vector<1x16xf32>
      tpu.vector_store %arg7[%swap3A_1205, %swap3A_1206], %swap3A_1209 {strides = array<i32>} : memref<32x1024xf32, #tpu.memory_space<vmem>>, vector<1x16xf32>,
      %get3A_1210 = arith.constant 9 : i32
      %get3A_1211 = arith.index_cast %get3A_1210 : i32 to index
      %get3A_1212 = arith.constant 464 : index
      %get3A_1213 = tpu.vector_load %arg10[%get3A_1211, %get3A_1212] {strides = array<i32>} : memref<16x1024xf32, #tpu.memory_space<vmem>>, vector<1x16xf32>,
      %get3A_1214 = vector.shape_cast %get3A_1213 : vector<1x16xf32> to vector<16xf32>
      %swap3A_1215 = arith.constant 9 : i32
      %swap3A_1216 = arith.index_cast %swap3A_1215 : i32 to index
      %swap3A_1217 = arith.constant 464 : index
      %swap3A_1218 = tpu.vector_load %arg7[%swap3A_1216, %swap3A_1217] {strides = array<i32>} : memref<32x1024xf32, #tpu.memory_space<vmem>>, vector<1x16xf32>,
      %swap3A_1219 = vector.shape_cast %swap3A_1218 : vector<1x16xf32> to vector<16xf32>
      %swap3A_1220 = vector.shape_cast %get3A_1214 : vector<16xf32> to vector<1x16xf32>
      tpu.vector_store %arg7[%swap3A_1216, %swap3A_1217], %swap3A_1220 {strides = array<i32>} : memref<32x1024xf32, #tpu.memory_space<vmem>>, vector<1x16xf32>,
      %get3A_1221 = arith.constant 9 : i32
      %get3A_1222 = arith.index_cast %get3A_1221 : i32 to index
      %get3A_1223 = arith.constant 480 : index
      %get3A_1224 = tpu.vector_load %arg10[%get3A_1222, %get3A_1223] {strides = array<i32>} : memref<16x1024xf32, #tpu.memory_space<vmem>>, vector<1x16xf32>,
      %get3A_1225 = vector.shape_cast %get3A_1224 : vector<1x16xf32> to vector<16xf32>
      %swap3A_1226 = arith.constant 9 : i32
      %swap3A_1227 = arith.index_cast %swap3A_1226 : i32 to index
      %swap3A_1228 = arith.constant 480 : index
      %swap3A_1229 = tpu.vector_load %arg7[%swap3A_1227, %swap3A_1228] {strides = array<i32>} : memref<32x1024xf32, #tpu.memory_space<vmem>>, vector<1x16xf32>,
      %swap3A_1230 = vector.shape_cast %swap3A_1229 : vector<1x16xf32> to vector<16xf32>
      %swap3A_1231 = vector.shape_cast %get3A_1225 : vector<16xf32> to vector<1x16xf32>
      tpu.vector_store %arg7[%swap3A_1227, %swap3A_1228], %swap3A_1231 {strides = array<i32>} : memref<32x1024xf32, #tpu.memory_space<vmem>>, vector<1x16xf32>,
      %get3A_1232 = arith.constant 9 : i32
      %get3A_1233 = arith.index_cast %get3A_1232 : i32 to index
      %get3A_1234 = arith.constant 496 : index
      %get3A_1235 = tpu.vector_load %arg10[%get3A_1233, %get3A_1234] {strides = array<i32>} : memref<16x1024xf32, #tpu.memory_space<vmem>>, vector<1x16xf32>,
      %get3A_1236 = vector.shape_cast %get3A_1235 : vector<1x16xf32> to vector<16xf32>
      %swap3A_1237 = arith.constant 9 : i32
      %swap3A_1238 = arith.index_cast %swap3A_1237 : i32 to index
      %swap3A_1239 = arith.constant 496 : index
      %swap3A_1240 = tpu.vector_load %arg7[%swap3A_1238, %swap3A_1239] {strides = array<i32>} : memref<32x1024xf32, #tpu.memory_space<vmem>>, vector<1x16xf32>,
      %swap3A_1241 = vector.shape_cast %swap3A_1240 : vector<1x16xf32> to vector<16xf32>
      %swap3A_1242 = vector.shape_cast %get3A_1236 : vector<16xf32> to vector<1x16xf32>
      tpu.vector_store %arg7[%swap3A_1238, %swap3A_1239], %swap3A_1242 {strides = array<i32>} : memref<32x1024xf32, #tpu.memory_space<vmem>>, vector<1x16xf32>,
      %get3A_1243 = arith.constant 9 : i32
      %get3A_1244 = arith.index_cast %get3A_1243 : i32 to index
      %get3A_1245 = arith.constant 512 : index
      %get3A_1246 = tpu.vector_load %arg10[%get3A_1244, %get3A_1245] {strides = array<i32>} : memref<16x1024xf32, #tpu.memory_space<vmem>>, vector<1x16xf32>,
      %get3A_1247 = vector.shape_cast %get3A_1246 : vector<1x16xf32> to vector<16xf32>
      %swap3A_1248 = arith.constant 9 : i32
      %swap3A_1249 = arith.index_cast %swap3A_1248 : i32 to index
      %swap3A_1250 = arith.constant 512 : index
      %swap3A_1251 = tpu.vector_load %arg7[%swap3A_1249, %swap3A_1250] {strides = array<i32>} : memref<32x1024xf32, #tpu.memory_space<vmem>>, vector<1x16xf32>,
      %swap3A_1252 = vector.shape_cast %swap3A_1251 : vector<1x16xf32> to vector<16xf32>
      %swap3A_1253 = vector.shape_cast %get3A_1247 : vector<16xf32> to vector<1x16xf32>
      tpu.vector_store %arg7[%swap3A_1249, %swap3A_1250], %swap3A_1253 {strides = array<i32>} : memref<32x1024xf32, #tpu.memory_space<vmem>>, vector<1x16xf32>,
      %get3A_1254 = arith.constant 9 : i32
      %get3A_1255 = arith.index_cast %get3A_1254 : i32 to index
      %get3A_1256 = arith.constant 528 : index
      %get3A_1257 = tpu.vector_load %arg10[%get3A_1255, %get3A_1256] {strides = array<i32>} : memref<16x1024xf32, #tpu.memory_space<vmem>>, vector<1x16xf32>,
      %get3A_1258 = vector.shape_cast %get3A_1257 : vector<1x16xf32> to vector<16xf32>
      %swap3A_1259 = arith.constant 9 : i32
      %swap3A_1260 = arith.index_cast %swap3A_1259 : i32 to index
      %swap3A_1261 = arith.constant 528 : index
      %swap3A_1262 = tpu.vector_load %arg7[%swap3A_1260, %swap3A_1261] {strides = array<i32>} : memref<32x1024xf32, #tpu.memory_space<vmem>>, vector<1x16xf32>,
      %swap3A_1263 = vector.shape_cast %swap3A_1262 : vector<1x16xf32> to vector<16xf32>
      %swap3A_1264 = vector.shape_cast %get3A_1258 : vector<16xf32> to vector<1x16xf32>
      tpu.vector_store %arg7[%swap3A_1260, %swap3A_1261], %swap3A_1264 {strides = array<i32>} : memref<32x1024xf32, #tpu.memory_space<vmem>>, vector<1x16xf32>,
      %get3A_1265 = arith.constant 9 : i32
      %get3A_1266 = arith.index_cast %get3A_1265 : i32 to index
      %get3A_1267 = arith.constant 544 : index
      %get3A_1268 = tpu.vector_load %arg10[%get3A_1266, %get3A_1267] {strides = array<i32>} : memref<16x1024xf32, #tpu.memory_space<vmem>>, vector<1x16xf32>,
      %get3A_1269 = vector.shape_cast %get3A_1268 : vector<1x16xf32> to vector<16xf32>
      %swap3A_1270 = arith.constant 9 : i32
      %swap3A_1271 = arith.index_cast %swap3A_1270 : i32 to index
      %swap3A_1272 = arith.constant 544 : index
      %swap3A_1273 = tpu.vector_load %arg7[%swap3A_1271, %swap3A_1272] {strides = array<i32>} : memref<32x1024xf32, #tpu.memory_space<vmem>>, vector<1x16xf32>,
      %swap3A_1274 = vector.shape_cast %swap3A_1273 : vector<1x16xf32> to vector<16xf32>
      %swap3A_1275 = vector.shape_cast %get3A_1269 : vector<16xf32> to vector<1x16xf32>
      tpu.vector_store %arg7[%swap3A_1271, %swap3A_1272], %swap3A_1275 {strides = array<i32>} : memref<32x1024xf32, #tpu.memory_space<vmem>>, vector<1x16xf32>,
      %get3A_1276 = arith.constant 9 : i32
      %get3A_1277 = arith.index_cast %get3A_1276 : i32 to index
      %get3A_1278 = arith.constant 560 : index
      %get3A_1279 = tpu.vector_load %arg10[%get3A_1277, %get3A_1278] {strides = array<i32>} : memref<16x1024xf32, #tpu.memory_space<vmem>>, vector<1x16xf32>,
      %get3A_1280 = vector.shape_cast %get3A_1279 : vector<1x16xf32> to vector<16xf32>
      %swap3A_1281 = arith.constant 9 : i32
      %swap3A_1282 = arith.index_cast %swap3A_1281 : i32 to index
      %swap3A_1283 = arith.constant 560 : index
      %swap3A_1284 = tpu.vector_load %arg7[%swap3A_1282, %swap3A_1283] {strides = array<i32>} : memref<32x1024xf32, #tpu.memory_space<vmem>>, vector<1x16xf32>,
      %swap3A_1285 = vector.shape_cast %swap3A_1284 : vector<1x16xf32> to vector<16xf32>
      %swap3A_1286 = vector.shape_cast %get3A_1280 : vector<16xf32> to vector<1x16xf32>
      tpu.vector_store %arg7[%swap3A_1282, %swap3A_1283], %swap3A_1286 {strides = array<i32>} : memref<32x1024xf32, #tpu.memory_space<vmem>>, vector<1x16xf32>,
      %get3A_1287 = arith.constant 9 : i32
      %get3A_1288 = arith.index_cast %get3A_1287 : i32 to index
      %get3A_1289 = arith.constant 576 : index
      %get3A_1290 = tpu.vector_load %arg10[%get3A_1288, %get3A_1289] {strides = array<i32>} : memref<16x1024xf32, #tpu.memory_space<vmem>>, vector<1x16xf32>,
      %get3A_1291 = vector.shape_cast %get3A_1290 : vector<1x16xf32> to vector<16xf32>
      %swap3A_1292 = arith.constant 9 : i32
      %swap3A_1293 = arith.index_cast %swap3A_1292 : i32 to index
      %swap3A_1294 = arith.constant 576 : index
      %swap3A_1295 = tpu.vector_load %arg7[%swap3A_1293, %swap3A_1294] {strides = array<i32>} : memref<32x1024xf32, #tpu.memory_space<vmem>>, vector<1x16xf32>,
      %swap3A_1296 = vector.shape_cast %swap3A_1295 : vector<1x16xf32> to vector<16xf32>
      %swap3A_1297 = vector.shape_cast %get3A_1291 : vector<16xf32> to vector<1x16xf32>
      tpu.vector_store %arg7[%swap3A_1293, %swap3A_1294], %swap3A_1297 {strides = array<i32>} : memref<32x1024xf32, #tpu.memory_space<vmem>>, vector<1x16xf32>,
      %get3A_1298 = arith.constant 9 : i32
      %get3A_1299 = arith.index_cast %get3A_1298 : i32 to index
      %get3A_1300 = arith.constant 592 : index
      %get3A_1301 = tpu.vector_load %arg10[%get3A_1299, %get3A_1300] {strides = array<i32>} : memref<16x1024xf32, #tpu.memory_space<vmem>>, vector<1x16xf32>,
      %get3A_1302 = vector.shape_cast %get3A_1301 : vector<1x16xf32> to vector<16xf32>
      %swap3A_1303 = arith.constant 9 : i32
      %swap3A_1304 = arith.index_cast %swap3A_1303 : i32 to index
      %swap3A_1305 = arith.constant 592 : index
      %swap3A_1306 = tpu.vector_load %arg7[%swap3A_1304, %swap3A_1305] {strides = array<i32>} : memref<32x1024xf32, #tpu.memory_space<vmem>>, vector<1x16xf32>,
      %swap3A_1307 = vector.shape_cast %swap3A_1306 : vector<1x16xf32> to vector<16xf32>
      %swap3A_1308 = vector.shape_cast %get3A_1302 : vector<16xf32> to vector<1x16xf32>
      tpu.vector_store %arg7[%swap3A_1304, %swap3A_1305], %swap3A_1308 {strides = array<i32>} : memref<32x1024xf32, #tpu.memory_space<vmem>>, vector<1x16xf32>,
      %get3A_1309 = arith.constant 9 : i32
      %get3A_1310 = arith.index_cast %get3A_1309 : i32 to index
      %get3A_1311 = arith.constant 608 : index
      %get3A_1312 = tpu.vector_load %arg10[%get3A_1310, %get3A_1311] {strides = array<i32>} : memref<16x1024xf32, #tpu.memory_space<vmem>>, vector<1x16xf32>,
      %get3A_1313 = vector.shape_cast %get3A_1312 : vector<1x16xf32> to vector<16xf32>
      %swap3A_1314 = arith.constant 9 : i32
      %swap3A_1315 = arith.index_cast %swap3A_1314 : i32 to index
      %swap3A_1316 = arith.constant 608 : index
      %swap3A_1317 = tpu.vector_load %arg7[%swap3A_1315, %swap3A_1316] {strides = array<i32>} : memref<32x1024xf32, #tpu.memory_space<vmem>>, vector<1x16xf32>,
      %swap3A_1318 = vector.shape_cast %swap3A_1317 : vector<1x16xf32> to vector<16xf32>
      %swap3A_1319 = vector.shape_cast %get3A_1313 : vector<16xf32> to vector<1x16xf32>
      tpu.vector_store %arg7[%swap3A_1315, %swap3A_1316], %swap3A_1319 {strides = array<i32>} : memref<32x1024xf32, #tpu.memory_space<vmem>>, vector<1x16xf32>,
      %get3A_1320 = arith.constant 9 : i32
      %get3A_1321 = arith.index_cast %get3A_1320 : i32 to index
      %get3A_1322 = arith.constant 624 : index
      %get3A_1323 = tpu.vector_load %arg10[%get3A_1321, %get3A_1322] {strides = array<i32>} : memref<16x1024xf32, #tpu.memory_space<vmem>>, vector<1x16xf32>,
      %get3A_1324 = vector.shape_cast %get3A_1323 : vector<1x16xf32> to vector<16xf32>
      %swap3A_1325 = arith.constant 9 : i32
      %swap3A_1326 = arith.index_cast %swap3A_1325 : i32 to index
      %swap3A_1327 = arith.constant 624 : index
      %swap3A_1328 = tpu.vector_load %arg7[%swap3A_1326, %swap3A_1327] {strides = array<i32>} : memref<32x1024xf32, #tpu.memory_space<vmem>>, vector<1x16xf32>,
      %swap3A_1329 = vector.shape_cast %swap3A_1328 : vector<1x16xf32> to vector<16xf32>
      %swap3A_1330 = vector.shape_cast %get3A_1324 : vector<16xf32> to vector<1x16xf32>
      tpu.vector_store %arg7[%swap3A_1326, %swap3A_1327], %swap3A_1330 {strides = array<i32>} : memref<32x1024xf32, #tpu.memory_space<vmem>>, vector<1x16xf32>,
      %get3A_1331 = arith.constant 9 : i32
      %get3A_1332 = arith.index_cast %get3A_1331 : i32 to index
      %get3A_1333 = arith.constant 640 : index
      %get3A_1334 = tpu.vector_load %arg10[%get3A_1332, %get3A_1333] {strides = array<i32>} : memref<16x1024xf32, #tpu.memory_space<vmem>>, vector<1x16xf32>,
      %get3A_1335 = vector.shape_cast %get3A_1334 : vector<1x16xf32> to vector<16xf32>
      %swap3A_1336 = arith.constant 9 : i32
      %swap3A_1337 = arith.index_cast %swap3A_1336 : i32 to index
      %swap3A_1338 = arith.constant 640 : index
      %swap3A_1339 = tpu.vector_load %arg7[%swap3A_1337, %swap3A_1338] {strides = array<i32>} : memref<32x1024xf32, #tpu.memory_space<vmem>>, vector<1x16xf32>,
      %swap3A_1340 = vector.shape_cast %swap3A_1339 : vector<1x16xf32> to vector<16xf32>
      %swap3A_1341 = vector.shape_cast %get3A_1335 : vector<16xf32> to vector<1x16xf32>
      tpu.vector_store %arg7[%swap3A_1337, %swap3A_1338], %swap3A_1341 {strides = array<i32>} : memref<32x1024xf32, #tpu.memory_space<vmem>>, vector<1x16xf32>,
      %get3A_1342 = arith.constant 9 : i32
      %get3A_1343 = arith.index_cast %get3A_1342 : i32 to index
      %get3A_1344 = arith.constant 656 : index
      %get3A_1345 = tpu.vector_load %arg10[%get3A_1343, %get3A_1344] {strides = array<i32>} : memref<16x1024xf32, #tpu.memory_space<vmem>>, vector<1x16xf32>,
      %get3A_1346 = vector.shape_cast %get3A_1345 : vector<1x16xf32> to vector<16xf32>
      %swap3A_1347 = arith.constant 9 : i32
      %swap3A_1348 = arith.index_cast %swap3A_1347 : i32 to index
      %swap3A_1349 = arith.constant 656 : index
      %swap3A_1350 = tpu.vector_load %arg7[%swap3A_1348, %swap3A_1349] {strides = array<i32>} : memref<32x1024xf32, #tpu.memory_space<vmem>>, vector<1x16xf32>,
      %swap3A_1351 = vector.shape_cast %swap3A_1350 : vector<1x16xf32> to vector<16xf32>
      %swap3A_1352 = vector.shape_cast %get3A_1346 : vector<16xf32> to vector<1x16xf32>
      tpu.vector_store %arg7[%swap3A_1348, %swap3A_1349], %swap3A_1352 {strides = array<i32>} : memref<32x1024xf32, #tpu.memory_space<vmem>>, vector<1x16xf32>,
      %get3A_1353 = arith.constant 9 : i32
      %get3A_1354 = arith.index_cast %get3A_1353 : i32 to index
      %get3A_1355 = arith.constant 672 : index
      %get3A_1356 = tpu.vector_load %arg10[%get3A_1354, %get3A_1355] {strides = array<i32>} : memref<16x1024xf32, #tpu.memory_space<vmem>>, vector<1x16xf32>,
      %get3A_1357 = vector.shape_cast %get3A_1356 : vector<1x16xf32> to vector<16xf32>
      %swap3A_1358 = arith.constant 9 : i32
      %swap3A_1359 = arith.index_cast %swap3A_1358 : i32 to index
      %swap3A_1360 = arith.constant 672 : index
      %swap3A_1361 = tpu.vector_load %arg7[%swap3A_1359, %swap3A_1360] {strides = array<i32>} : memref<32x1024xf32, #tpu.memory_space<vmem>>, vector<1x16xf32>,
      %swap3A_1362 = vector.shape_cast %swap3A_1361 : vector<1x16xf32> to vector<16xf32>
      %swap3A_1363 = vector.shape_cast %get3A_1357 : vector<16xf32> to vector<1x16xf32>
      tpu.vector_store %arg7[%swap3A_1359, %swap3A_1360], %swap3A_1363 {strides = array<i32>} : memref<32x1024xf32, #tpu.memory_space<vmem>>, vector<1x16xf32>,
      %get3A_1364 = arith.constant 9 : i32
      %get3A_1365 = arith.index_cast %get3A_1364 : i32 to index
      %get3A_1366 = arith.constant 688 : index
      %get3A_1367 = tpu.vector_load %arg10[%get3A_1365, %get3A_1366] {strides = array<i32>} : memref<16x1024xf32, #tpu.memory_space<vmem>>, vector<1x16xf32>,
      %get3A_1368 = vector.shape_cast %get3A_1367 : vector<1x16xf32> to vector<16xf32>
      %swap3A_1369 = arith.constant 9 : i32
      %swap3A_1370 = arith.index_cast %swap3A_1369 : i32 to index
      %swap3A_1371 = arith.constant 688 : index
      %swap3A_1372 = tpu.vector_load %arg7[%swap3A_1370, %swap3A_1371] {strides = array<i32>} : memref<32x1024xf32, #tpu.memory_space<vmem>>, vector<1x16xf32>,
      %swap3A_1373 = vector.shape_cast %swap3A_1372 : vector<1x16xf32> to vector<16xf32>
      %swap3A_1374 = vector.shape_cast %get3A_1368 : vector<16xf32> to vector<1x16xf32>
      tpu.vector_store %arg7[%swap3A_1370, %swap3A_1371], %swap3A_1374 {strides = array<i32>} : memref<32x1024xf32, #tpu.memory_space<vmem>>, vector<1x16xf32>,
      %get3A_1375 = arith.constant 9 : i32
      %get3A_1376 = arith.index_cast %get3A_1375 : i32 to index
      %get3A_1377 = arith.constant 704 : index
      %get3A_1378 = tpu.vector_load %arg10[%get3A_1376, %get3A_1377] {strides = array<i32>} : memref<16x1024xf32, #tpu.memory_space<vmem>>, vector<1x16xf32>,
      %get3A_1379 = vector.shape_cast %get3A_1378 : vector<1x16xf32> to vector<16xf32>
      %swap3A_1380 = arith.constant 9 : i32
      %swap3A_1381 = arith.index_cast %swap3A_1380 : i32 to index
      %swap3A_1382 = arith.constant 704 : index
      %swap3A_1383 = tpu.vector_load %arg7[%swap3A_1381, %swap3A_1382] {strides = array<i32>} : memref<32x1024xf32, #tpu.memory_space<vmem>>, vector<1x16xf32>,
      %swap3A_1384 = vector.shape_cast %swap3A_1383 : vector<1x16xf32> to vector<16xf32>
      %swap3A_1385 = vector.shape_cast %get3A_1379 : vector<16xf32> to vector<1x16xf32>
      tpu.vector_store %arg7[%swap3A_1381, %swap3A_1382], %swap3A_1385 {strides = array<i32>} : memref<32x1024xf32, #tpu.memory_space<vmem>>, vector<1x16xf32>,
      %get3A_1386 = arith.constant 9 : i32
      %get3A_1387 = arith.index_cast %get3A_1386 : i32 to index
      %get3A_1388 = arith.constant 720 : index
      %get3A_1389 = tpu.vector_load %arg10[%get3A_1387, %get3A_1388] {strides = array<i32>} : memref<16x1024xf32, #tpu.memory_space<vmem>>, vector<1x16xf32>,
      %get3A_1390 = vector.shape_cast %get3A_1389 : vector<1x16xf32> to vector<16xf32>
      %swap3A_1391 = arith.constant 9 : i32
      %swap3A_1392 = arith.index_cast %swap3A_1391 : i32 to index
      %swap3A_1393 = arith.constant 720 : index
      %swap3A_1394 = tpu.vector_load %arg7[%swap3A_1392, %swap3A_1393] {strides = array<i32>} : memref<32x1024xf32, #tpu.memory_space<vmem>>, vector<1x16xf32>,
      %swap3A_1395 = vector.shape_cast %swap3A_1394 : vector<1x16xf32> to vector<16xf32>
      %swap3A_1396 = vector.shape_cast %get3A_1390 : vector<16xf32> to vector<1x16xf32>
      tpu.vector_store %arg7[%swap3A_1392, %swap3A_1393], %swap3A_1396 {strides = array<i32>} : memref<32x1024xf32, #tpu.memory_space<vmem>>, vector<1x16xf32>,
      %get3A_1397 = arith.constant 9 : i32
      %get3A_1398 = arith.index_cast %get3A_1397 : i32 to index
      %get3A_1399 = arith.constant 736 : index
      %get3A_1400 = tpu.vector_load %arg10[%get3A_1398, %get3A_1399] {strides = array<i32>} : memref<16x1024xf32, #tpu.memory_space<vmem>>, vector<1x16xf32>,
      %get3A_1401 = vector.shape_cast %get3A_1400 : vector<1x16xf32> to vector<16xf32>
      %swap3A_1402 = arith.constant 9 : i32
      %swap3A_1403 = arith.index_cast %swap3A_1402 : i32 to index
      %swap3A_1404 = arith.constant 736 : index
      %swap3A_1405 = tpu.vector_load %arg7[%swap3A_1403, %swap3A_1404] {strides = array<i32>} : memref<32x1024xf32, #tpu.memory_space<vmem>>, vector<1x16xf32>,
      %swap3A_1406 = vector.shape_cast %swap3A_1405 : vector<1x16xf32> to vector<16xf32>
      %swap3A_1407 = vector.shape_cast %get3A_1401 : vector<16xf32> to vector<1x16xf32>
      tpu.vector_store %arg7[%swap3A_1403, %swap3A_1404], %swap3A_1407 {strides = array<i32>} : memref<32x1024xf32, #tpu.memory_space<vmem>>, vector<1x16xf32>,
      %get3A_1408 = arith.constant 9 : i32
      %get3A_1409 = arith.index_cast %get3A_1408 : i32 to index
      %get3A_1410 = arith.constant 752 : index
      %get3A_1411 = tpu.vector_load %arg10[%get3A_1409, %get3A_1410] {strides = array<i32>} : memref<16x1024xf32, #tpu.memory_space<vmem>>, vector<1x16xf32>,
      %get3A_1412 = vector.shape_cast %get3A_1411 : vector<1x16xf32> to vector<16xf32>
      %swap3A_1413 = arith.constant 9 : i32
      %swap3A_1414 = arith.index_cast %swap3A_1413 : i32 to index
      %swap3A_1415 = arith.constant 752 : index
      %swap3A_1416 = tpu.vector_load %arg7[%swap3A_1414, %swap3A_1415] {strides = array<i32>} : memref<32x1024xf32, #tpu.memory_space<vmem>>, vector<1x16xf32>,
      %swap3A_1417 = vector.shape_cast %swap3A_1416 : vector<1x16xf32> to vector<16xf32>
      %swap3A_1418 = vector.shape_cast %get3A_1412 : vector<16xf32> to vector<1x16xf32>
      tpu.vector_store %arg7[%swap3A_1414, %swap3A_1415], %swap3A_1418 {strides = array<i32>} : memref<32x1024xf32, #tpu.memory_space<vmem>>, vector<1x16xf32>,
      %get3A_1419 = arith.constant 9 : i32
      %get3A_1420 = arith.index_cast %get3A_1419 : i32 to index
      %get3A_1421 = arith.constant 768 : index
      %get3A_1422 = tpu.vector_load %arg10[%get3A_1420, %get3A_1421] {strides = array<i32>} : memref<16x1024xf32, #tpu.memory_space<vmem>>, vector<1x16xf32>,
      %get3A_1423 = vector.shape_cast %get3A_1422 : vector<1x16xf32> to vector<16xf32>
      %swap3A_1424 = arith.constant 9 : i32
      %swap3A_1425 = arith.index_cast %swap3A_1424 : i32 to index
      %swap3A_1426 = arith.constant 768 : index
      %swap3A_1427 = tpu.vector_load %arg7[%swap3A_1425, %swap3A_1426] {strides = array<i32>} : memref<32x1024xf32, #tpu.memory_space<vmem>>, vector<1x16xf32>,
      %swap3A_1428 = vector.shape_cast %swap3A_1427 : vector<1x16xf32> to vector<16xf32>
      %swap3A_1429 = vector.shape_cast %get3A_1423 : vector<16xf32> to vector<1x16xf32>
      tpu.vector_store %arg7[%swap3A_1425, %swap3A_1426], %swap3A_1429 {strides = array<i32>} : memref<32x1024xf32, #tpu.memory_space<vmem>>, vector<1x16xf32>,
      %get3A_1430 = arith.constant 9 : i32
      %get3A_1431 = arith.index_cast %get3A_1430 : i32 to index
      %get3A_1432 = arith.constant 784 : index
      %get3A_1433 = tpu.vector_load %arg10[%get3A_1431, %get3A_1432] {strides = array<i32>} : memref<16x1024xf32, #tpu.memory_space<vmem>>, vector<1x16xf32>,
      %get3A_1434 = vector.shape_cast %get3A_1433 : vector<1x16xf32> to vector<16xf32>
      %swap3A_1435 = arith.constant 9 : i32
      %swap3A_1436 = arith.index_cast %swap3A_1435 : i32 to index
      %swap3A_1437 = arith.constant 784 : index
      %swap3A_1438 = tpu.vector_load %arg7[%swap3A_1436, %swap3A_1437] {strides = array<i32>} : memref<32x1024xf32, #tpu.memory_space<vmem>>, vector<1x16xf32>,
      %swap3A_1439 = vector.shape_cast %swap3A_1438 : vector<1x16xf32> to vector<16xf32>
      %swap3A_1440 = vector.shape_cast %get3A_1434 : vector<16xf32> to vector<1x16xf32>
      tpu.vector_store %arg7[%swap3A_1436, %swap3A_1437], %swap3A_1440 {strides = array<i32>} : memref<32x1024xf32, #tpu.memory_space<vmem>>, vector<1x16xf32>,
      %get3A_1441 = arith.constant 9 : i32
      %get3A_1442 = arith.index_cast %get3A_1441 : i32 to index
      %get3A_1443 = arith.constant 800 : index
      %get3A_1444 = tpu.vector_load %arg10[%get3A_1442, %get3A_1443] {strides = array<i32>} : memref<16x1024xf32, #tpu.memory_space<vmem>>, vector<1x16xf32>,
      %get3A_1445 = vector.shape_cast %get3A_1444 : vector<1x16xf32> to vector<16xf32>
      %swap3A_1446 = arith.constant 9 : i32
      %swap3A_1447 = arith.index_cast %swap3A_1446 : i32 to index
      %swap3A_1448 = arith.constant 800 : index
      %swap3A_1449 = tpu.vector_load %arg7[%swap3A_1447, %swap3A_1448] {strides = array<i32>} : memref<32x1024xf32, #tpu.memory_space<vmem>>, vector<1x16xf32>,
      %swap3A_1450 = vector.shape_cast %swap3A_1449 : vector<1x16xf32> to vector<16xf32>
      %swap3A_1451 = vector.shape_cast %get3A_1445 : vector<16xf32> to vector<1x16xf32>
      tpu.vector_store %arg7[%swap3A_1447, %swap3A_1448], %swap3A_1451 {strides = array<i32>} : memref<32x1024xf32, #tpu.memory_space<vmem>>, vector<1x16xf32>,
      %get3A_1452 = arith.constant 9 : i32
      %get3A_1453 = arith.index_cast %get3A_1452 : i32 to index
      %get3A_1454 = arith.constant 816 : index
      %get3A_1455 = tpu.vector_load %arg10[%get3A_1453, %get3A_1454] {strides = array<i32>} : memref<16x1024xf32, #tpu.memory_space<vmem>>, vector<1x16xf32>,
      %get3A_1456 = vector.shape_cast %get3A_1455 : vector<1x16xf32> to vector<16xf32>
      %swap3A_1457 = arith.constant 9 : i32
      %swap3A_1458 = arith.index_cast %swap3A_1457 : i32 to index
      %swap3A_1459 = arith.constant 816 : index
      %swap3A_1460 = tpu.vector_load %arg7[%swap3A_1458, %swap3A_1459] {strides = array<i32>} : memref<32x1024xf32, #tpu.memory_space<vmem>>, vector<1x16xf32>,
      %swap3A_1461 = vector.shape_cast %swap3A_1460 : vector<1x16xf32> to vector<16xf32>
      %swap3A_1462 = vector.shape_cast %get3A_1456 : vector<16xf32> to vector<1x16xf32>
      tpu.vector_store %arg7[%swap3A_1458, %swap3A_1459], %swap3A_1462 {strides = array<i32>} : memref<32x1024xf32, #tpu.memory_space<vmem>>, vector<1x16xf32>,
      %get3A_1463 = arith.constant 9 : i32
      %get3A_1464 = arith.index_cast %get3A_1463 : i32 to index
      %get3A_1465 = arith.constant 832 : index
      %get3A_1466 = tpu.vector_load %arg10[%get3A_1464, %get3A_1465] {strides = array<i32>} : memref<16x1024xf32, #tpu.memory_space<vmem>>, vector<1x16xf32>,
      %get3A_1467 = vector.shape_cast %get3A_1466 : vector<1x16xf32> to vector<16xf32>
      %swap3A_1468 = arith.constant 9 : i32
      %swap3A_1469 = arith.index_cast %swap3A_1468 : i32 to index
      %swap3A_1470 = arith.constant 832 : index
      %swap3A_1471 = tpu.vector_load %arg7[%swap3A_1469, %swap3A_1470] {strides = array<i32>} : memref<32x1024xf32, #tpu.memory_space<vmem>>, vector<1x16xf32>,
      %swap3A_1472 = vector.shape_cast %swap3A_1471 : vector<1x16xf32> to vector<16xf32>
      %swap3A_1473 = vector.shape_cast %get3A_1467 : vector<16xf32> to vector<1x16xf32>
      tpu.vector_store %arg7[%swap3A_1469, %swap3A_1470], %swap3A_1473 {strides = array<i32>} : memref<32x1024xf32, #tpu.memory_space<vmem>>, vector<1x16xf32>,
      %get3A_1474 = arith.constant 9 : i32
      %get3A_1475 = arith.index_cast %get3A_1474 : i32 to index
      %get3A_1476 = arith.constant 848 : index
      %get3A_1477 = tpu.vector_load %arg10[%get3A_1475, %get3A_1476] {strides = array<i32>} : memref<16x1024xf32, #tpu.memory_space<vmem>>, vector<1x16xf32>,
      %get3A_1478 = vector.shape_cast %get3A_1477 : vector<1x16xf32> to vector<16xf32>
      %swap3A_1479 = arith.constant 9 : i32
      %swap3A_1480 = arith.index_cast %swap3A_1479 : i32 to index
      %swap3A_1481 = arith.constant 848 : index
      %swap3A_1482 = tpu.vector_load %arg7[%swap3A_1480, %swap3A_1481] {strides = array<i32>} : memref<32x1024xf32, #tpu.memory_space<vmem>>, vector<1x16xf32>,
      %swap3A_1483 = vector.shape_cast %swap3A_1482 : vector<1x16xf32> to vector<16xf32>
      %swap3A_1484 = vector.shape_cast %get3A_1478 : vector<16xf32> to vector<1x16xf32>
      tpu.vector_store %arg7[%swap3A_1480, %swap3A_1481], %swap3A_1484 {strides = array<i32>} : memref<32x1024xf32, #tpu.memory_space<vmem>>, vector<1x16xf32>,
      %get3A_1485 = arith.constant 9 : i32
      %get3A_1486 = arith.index_cast %get3A_1485 : i32 to index
      %get3A_1487 = arith.constant 864 : index
      %get3A_1488 = tpu.vector_load %arg10[%get3A_1486, %get3A_1487] {strides = array<i32>} : memref<16x1024xf32, #tpu.memory_space<vmem>>, vector<1x16xf32>,
      %get3A_1489 = vector.shape_cast %get3A_1488 : vector<1x16xf32> to vector<16xf32>
      %swap3A_1490 = arith.constant 9 : i32
      %swap3A_1491 = arith.index_cast %swap3A_1490 : i32 to index
      %swap3A_1492 = arith.constant 864 : index
      %swap3A_1493 = tpu.vector_load %arg7[%swap3A_1491, %swap3A_1492] {strides = array<i32>} : memref<32x1024xf32, #tpu.memory_space<vmem>>, vector<1x16xf32>,
      %swap3A_1494 = vector.shape_cast %swap3A_1493 : vector<1x16xf32> to vector<16xf32>
      %swap3A_1495 = vector.shape_cast %get3A_1489 : vector<16xf32> to vector<1x16xf32>
      tpu.vector_store %arg7[%swap3A_1491, %swap3A_1492], %swap3A_1495 {strides = array<i32>} : memref<32x1024xf32, #tpu.memory_space<vmem>>, vector<1x16xf32>,
      %get3A_1496 = arith.constant 9 : i32
      %get3A_1497 = arith.index_cast %get3A_1496 : i32 to index
      %get3A_1498 = arith.constant 880 : index
      %get3A_1499 = tpu.vector_load %arg10[%get3A_1497, %get3A_1498] {strides = array<i32>} : memref<16x1024xf32, #tpu.memory_space<vmem>>, vector<1x16xf32>,
      %get3A_1500 = vector.shape_cast %get3A_1499 : vector<1x16xf32> to vector<16xf32>
      %swap3A_1501 = arith.constant 9 : i32
      %swap3A_1502 = arith.index_cast %swap3A_1501 : i32 to index
      %swap3A_1503 = arith.constant 880 : index
      %swap3A_1504 = tpu.vector_load %arg7[%swap3A_1502, %swap3A_1503] {strides = array<i32>} : memref<32x1024xf32, #tpu.memory_space<vmem>>, vector<1x16xf32>,
      %swap3A_1505 = vector.shape_cast %swap3A_1504 : vector<1x16xf32> to vector<16xf32>
      %swap3A_1506 = vector.shape_cast %get3A_1500 : vector<16xf32> to vector<1x16xf32>
      tpu.vector_store %arg7[%swap3A_1502, %swap3A_1503], %swap3A_1506 {strides = array<i32>} : memref<32x1024xf32, #tpu.memory_space<vmem>>, vector<1x16xf32>,
      %get3A_1507 = arith.constant 9 : i32
      %get3A_1508 = arith.index_cast %get3A_1507 : i32 to index
      %get3A_1509 = arith.constant 896 : index
      %get3A_1510 = tpu.vector_load %arg10[%get3A_1508, %get3A_1509] {strides = array<i32>} : memref<16x1024xf32, #tpu.memory_space<vmem>>, vector<1x16xf32>,
      %get3A_1511 = vector.shape_cast %get3A_1510 : vector<1x16xf32> to vector<16xf32>
      %swap3A_1512 = arith.constant 9 : i32
      %swap3A_1513 = arith.index_cast %swap3A_1512 : i32 to index
      %swap3A_1514 = arith.constant 896 : index
      %swap3A_1515 = tpu.vector_load %arg7[%swap3A_1513, %swap3A_1514] {strides = array<i32>} : memref<32x1024xf32, #tpu.memory_space<vmem>>, vector<1x16xf32>,
      %swap3A_1516 = vector.shape_cast %swap3A_1515 : vector<1x16xf32> to vector<16xf32>
      %swap3A_1517 = vector.shape_cast %get3A_1511 : vector<16xf32> to vector<1x16xf32>
      tpu.vector_store %arg7[%swap3A_1513, %swap3A_1514], %swap3A_1517 {strides = array<i32>} : memref<32x1024xf32, #tpu.memory_space<vmem>>, vector<1x16xf32>,
      %get3A_1518 = arith.constant 9 : i32
      %get3A_1519 = arith.index_cast %get3A_1518 : i32 to index
      %get3A_1520 = arith.constant 912 : index
      %get3A_1521 = tpu.vector_load %arg10[%get3A_1519, %get3A_1520] {strides = array<i32>} : memref<16x1024xf32, #tpu.memory_space<vmem>>, vector<1x16xf32>,
      %get3A_1522 = vector.shape_cast %get3A_1521 : vector<1x16xf32> to vector<16xf32>
      %swap3A_1523 = arith.constant 9 : i32
      %swap3A_1524 = arith.index_cast %swap3A_1523 : i32 to index
      %swap3A_1525 = arith.constant 912 : index
      %swap3A_1526 = tpu.vector_load %arg7[%swap3A_1524, %swap3A_1525] {strides = array<i32>} : memref<32x1024xf32, #tpu.memory_space<vmem>>, vector<1x16xf32>,
      %swap3A_1527 = vector.shape_cast %swap3A_1526 : vector<1x16xf32> to vector<16xf32>
      %swap3A_1528 = vector.shape_cast %get3A_1522 : vector<16xf32> to vector<1x16xf32>
      tpu.vector_store %arg7[%swap3A_1524, %swap3A_1525], %swap3A_1528 {strides = array<i32>} : memref<32x1024xf32, #tpu.memory_space<vmem>>, vector<1x16xf32>,
      %get3A_1529 = arith.constant 9 : i32
      %get3A_1530 = arith.index_cast %get3A_1529 : i32 to index
      %get3A_1531 = arith.constant 928 : index
      %get3A_1532 = tpu.vector_load %arg10[%get3A_1530, %get3A_1531] {strides = array<i32>} : memref<16x1024xf32, #tpu.memory_space<vmem>>, vector<1x16xf32>,
      %get3A_1533 = vector.shape_cast %get3A_1532 : vector<1x16xf32> to vector<16xf32>
      %swap3A_1534 = arith.constant 9 : i32
      %swap3A_1535 = arith.index_cast %swap3A_1534 : i32 to index
      %swap3A_1536 = arith.constant 928 : index
      %swap3A_1537 = tpu.vector_load %arg7[%swap3A_1535, %swap3A_1536] {strides = array<i32>} : memref<32x1024xf32, #tpu.memory_space<vmem>>, vector<1x16xf32>,
      %swap3A_1538 = vector.shape_cast %swap3A_1537 : vector<1x16xf32> to vector<16xf32>
      %swap3A_1539 = vector.shape_cast %get3A_1533 : vector<16xf32> to vector<1x16xf32>
      tpu.vector_store %arg7[%swap3A_1535, %swap3A_1536], %swap3A_1539 {strides = array<i32>} : memref<32x1024xf32, #tpu.memory_space<vmem>>, vector<1x16xf32>,
      %get3A_1540 = arith.constant 9 : i32
      %get3A_1541 = arith.index_cast %get3A_1540 : i32 to index
      %get3A_1542 = arith.constant 944 : index
      %get3A_1543 = tpu.vector_load %arg10[%get3A_1541, %get3A_1542] {strides = array<i32>} : memref<16x1024xf32, #tpu.memory_space<vmem>>, vector<1x16xf32>,
      %get3A_1544 = vector.shape_cast %get3A_1543 : vector<1x16xf32> to vector<16xf32>
      %swap3A_1545 = arith.constant 9 : i32
      %swap3A_1546 = arith.index_cast %swap3A_1545 : i32 to index
      %swap3A_1547 = arith.constant 944 : index
      %swap3A_1548 = tpu.vector_load %arg7[%swap3A_1546, %swap3A_1547] {strides = array<i32>} : memref<32x1024xf32, #tpu.memory_space<vmem>>, vector<1x16xf32>,
      %swap3A_1549 = vector.shape_cast %swap3A_1548 : vector<1x16xf32> to vector<16xf32>
      %swap3A_1550 = vector.shape_cast %get3A_1544 : vector<16xf32> to vector<1x16xf32>
      tpu.vector_store %arg7[%swap3A_1546, %swap3A_1547], %swap3A_1550 {strides = array<i32>} : memref<32x1024xf32, #tpu.memory_space<vmem>>, vector<1x16xf32>,
      %get3A_1551 = arith.constant 9 : i32
      %get3A_1552 = arith.index_cast %get3A_1551 : i32 to index
      %get3A_1553 = arith.constant 960 : index
      %get3A_1554 = tpu.vector_load %arg10[%get3A_1552, %get3A_1553] {strides = array<i32>} : memref<16x1024xf32, #tpu.memory_space<vmem>>, vector<1x16xf32>,
      %get3A_1555 = vector.shape_cast %get3A_1554 : vector<1x16xf32> to vector<16xf32>
      %swap3A_1556 = arith.constant 9 : i32
      %swap3A_1557 = arith.index_cast %swap3A_1556 : i32 to index
      %swap3A_1558 = arith.constant 960 : index
      %swap3A_1559 = tpu.vector_load %arg7[%swap3A_1557, %swap3A_1558] {strides = array<i32>} : memref<32x1024xf32, #tpu.memory_space<vmem>>, vector<1x16xf32>,
      %swap3A_1560 = vector.shape_cast %swap3A_1559 : vector<1x16xf32> to vector<16xf32>
      %swap3A_1561 = vector.shape_cast %get3A_1555 : vector<16xf32> to vector<1x16xf32>
      tpu.vector_store %arg7[%swap3A_1557, %swap3A_1558], %swap3A_1561 {strides = array<i32>} : memref<32x1024xf32, #tpu.memory_space<vmem>>, vector<1x16xf32>,
      %get3A_1562 = arith.constant 9 : i32
      %get3A_1563 = arith.index_cast %get3A_1562 : i32 to index
      %get3A_1564 = arith.constant 976 : index
      %get3A_1565 = tpu.vector_load %arg10[%get3A_1563, %get3A_1564] {strides = array<i32>} : memref<16x1024xf32, #tpu.memory_space<vmem>>, vector<1x16xf32>,
      %get3A_1566 = vector.shape_cast %get3A_1565 : vector<1x16xf32> to vector<16xf32>
      %swap3A_1567 = arith.constant 9 : i32
      %swap3A_1568 = arith.index_cast %swap3A_1567 : i32 to index
      %swap3A_1569 = arith.constant 976 : index
      %swap3A_1570 = tpu.vector_load %arg7[%swap3A_1568, %swap3A_1569] {strides = array<i32>} : memref<32x1024xf32, #tpu.memory_space<vmem>>, vector<1x16xf32>,
      %swap3A_1571 = vector.shape_cast %swap3A_1570 : vector<1x16xf32> to vector<16xf32>
      %swap3A_1572 = vector.shape_cast %get3A_1566 : vector<16xf32> to vector<1x16xf32>
      tpu.vector_store %arg7[%swap3A_1568, %swap3A_1569], %swap3A_1572 {strides = array<i32>} : memref<32x1024xf32, #tpu.memory_space<vmem>>, vector<1x16xf32>,
      %get3A_1573 = arith.constant 9 : i32
      %get3A_1574 = arith.index_cast %get3A_1573 : i32 to index
      %get3A_1575 = arith.constant 992 : index
      %get3A_1576 = tpu.vector_load %arg10[%get3A_1574, %get3A_1575] {strides = array<i32>} : memref<16x1024xf32, #tpu.memory_space<vmem>>, vector<1x16xf32>,
      %get3A_1577 = vector.shape_cast %get3A_1576 : vector<1x16xf32> to vector<16xf32>
      %swap3A_1578 = arith.constant 9 : i32
      %swap3A_1579 = arith.index_cast %swap3A_1578 : i32 to index
      %swap3A_1580 = arith.constant 992 : index
      %swap3A_1581 = tpu.vector_load %arg7[%swap3A_1579, %swap3A_1580] {strides = array<i32>} : memref<32x1024xf32, #tpu.memory_space<vmem>>, vector<1x16xf32>,
      %swap3A_1582 = vector.shape_cast %swap3A_1581 : vector<1x16xf32> to vector<16xf32>
      %swap3A_1583 = vector.shape_cast %get3A_1577 : vector<16xf32> to vector<1x16xf32>
      tpu.vector_store %arg7[%swap3A_1579, %swap3A_1580], %swap3A_1583 {strides = array<i32>} : memref<32x1024xf32, #tpu.memory_space<vmem>>, vector<1x16xf32>,
      %get3A_1584 = arith.constant 9 : i32
      %get3A_1585 = arith.index_cast %get3A_1584 : i32 to index
      %get3A_1586 = arith.constant 1008 : index
      %get3A_1587 = tpu.vector_load %arg10[%get3A_1585, %get3A_1586] {strides = array<i32>} : memref<16x1024xf32, #tpu.memory_space<vmem>>, vector<1x16xf32>,
      %get3A_1588 = vector.shape_cast %get3A_1587 : vector<1x16xf32> to vector<16xf32>
      %swap3A_1589 = arith.constant 9 : i32
      %swap3A_1590 = arith.index_cast %swap3A_1589 : i32 to index
      %swap3A_1591 = arith.constant 1008 : index
      %swap3A_1592 = tpu.vector_load %arg7[%swap3A_1590, %swap3A_1591] {strides = array<i32>} : memref<32x1024xf32, #tpu.memory_space<vmem>>, vector<1x16xf32>,
      %swap3A_1593 = vector.shape_cast %swap3A_1592 : vector<1x16xf32> to vector<16xf32>
      %swap3A_1594 = vector.shape_cast %get3A_1588 : vector<16xf32> to vector<1x16xf32>
      tpu.vector_store %arg7[%swap3A_1590, %swap3A_1591], %swap3A_1594 {strides = array<i32>} : memref<32x1024xf32, #tpu.memory_space<vmem>>, vector<1x16xf32>,
    } else {
    }
    %add3A_28 = arith.constant 0 : i32
    %add3A_29 = arith.addi %mul3A_2, %add3A_28 : i32
    %dma_start3A_30 = arith.constant 0 : i32
    %dma_start3A_31 = tpu.memref_slice %arg5[%add3A_29, %dma_start3A_30] : memref<8192x1024xf32, #tpu.memory_space<hbm>> -> memref<32x1024xf32, #tpu.memory_space<hbm>>
    %dma_start3A_32 = arith.constant 0 : i32
    %dma_start3A_33 = tpu.memref_slice %arg5[%add3A_29, %dma_start3A_32] : memref<8192x1024xf32, #tpu.memory_space<hbm>> -> memref<32x1024xf32, #tpu.memory_space<hbm>>
    tpu.enqueue_dma source(%arg7 : memref<32x1024xf32, #tpu.memory_space<vmem>>) target(%dma_start3A_33 : memref<32x1024xf32, #tpu.memory_space<hbm>>) target_semaphore(%arg14 : memref<!tpu.dma_semaphore, #tpu.memory_space<semaphore_mem>>)
    %dma_start3A_34 = arith.constant 64 : i32
    %dma_start3A_35 = tpu.memref_slice %arg6[%dma_start3A_34] : memref<256xi32, #tpu.memory_space<vmem>> -> memref<32xi32, #tpu.memory_space<vmem>>
    %dma_start3A_36 = arith.constant 0 : i32
    %dma_start3A_37 = arith.constant 0 : i32
    %dma_start3A_38 = tpu.memref_slice %arg3[%dma_start3A_36, %dma_start3A_37] : memref<50265x1024xf32, #tpu.memory_space<hbm>> -> memref<50265x1024xf32, #tpu.memory_space<hbm>>
    tpu.enqueue_indirect_dma source(%dma_start3A_38 : memref<50265x1024xf32, #tpu.memory_space<hbm>>) target(%arg9 : memref<32x1024xf32, #tpu.memory_space<vmem>>) offsets(%dma_start3A_35 : memref<32xi32, #tpu.memory_space<vmem>>) semaphore(%arg13 : memref<!tpu.dma_semaphore, #tpu.memory_space<semaphore_mem>>)
    %dma_wait3A_39 = arith.constant 32 : i32
    %dma_wait3A_40 = tpu.memref_slice %arg6[%dma_wait3A_39] : memref<256xi32, #tpu.memory_space<vmem>> -> memref<32xi32, #tpu.memory_space<vmem>>
    %dma_wait3A_41 = arith.constant 0 : i32
    %dma_wait3A_42 = arith.constant 0 : i32
    %dma_wait3A_43 = tpu.memref_slice %arg3[%dma_wait3A_41, %dma_wait3A_42] : memref<50265x1024xf32, #tpu.memory_space<hbm>> -> memref<50265x1024xf32, #tpu.memory_space<hbm>>
    tpu.wait_indirect_dma semaphore(%arg12 : memref<!tpu.dma_semaphore, #tpu.memory_space<semaphore_mem>>) src(%dma_wait3A_43 : memref<50265x1024xf32, #tpu.memory_space<hbm>>) dst(%arg8 : memref<32x1024xf32, #tpu.memory_space<vmem>>)
    %add3A_44 = arith.constant 32 : i32
    %add3A_45 = arith.addi %mul3A_2, %add3A_44 : i32
    %dma_start3A_46 = arith.constant 0 : i32
    %dma_start3A_47 = tpu.memref_slice %arg5[%add3A_45, %dma_start3A_46] : memref<8192x1024xf32, #tpu.memory_space<hbm>> -> memref<32x1024xf32, #tpu.memory_space<hbm>>
    %dma_start3A_48 = arith.constant 0 : i32
    %dma_start3A_49 = tpu.memref_slice %arg5[%add3A_45, %dma_start3A_48] : memref<8192x1024xf32, #tpu.memory_space<hbm>> -> memref<32x1024xf32, #tpu.memory_space<hbm>>
    tpu.enqueue_dma source(%arg8 : memref<32x1024xf32, #tpu.memory_space<vmem>>) target(%dma_start3A_49 : memref<32x1024xf32, #tpu.memory_space<hbm>>) target_semaphore(%arg15 : memref<!tpu.dma_semaphore, #tpu.memory_space<semaphore_mem>>)
    %add3A_50 = arith.constant 0 : i32
    %add3A_51 = arith.addi %mul3A_2, %add3A_50 : i32
    %dma_wait3A_52 = arith.constant 0 : i32
    %dma_wait3A_53 = tpu.memref_slice %arg5[%add3A_51, %dma_wait3A_52] : memref<8192x1024xf32, #tpu.memory_space<hbm>> -> memref<32x1024xf32, #tpu.memory_space<hbm>>
    %dma_wait3A_54 = arith.constant 0 : i32
    %dma_wait3A_55 = tpu.memref_slice %arg5[%add3A_51, %dma_wait3A_54] : memref<8192x1024xf32, #tpu.memory_space<hbm>> -> memref<32x1024xf32, #tpu.memory_space<hbm>>
    tpu.wait_dma2 semaphore(%arg14 : memref<!tpu.dma_semaphore, #tpu.memory_space<semaphore_mem>>) src(%arg7 : memref<32x1024xf32, #tpu.memory_space<vmem>>) dst(%dma_wait3A_55 : memref<32x1024xf32, #tpu.memory_space<hbm>>)
    %dma_start3A_56 = arith.constant 96 : i32
    %dma_start3A_57 = tpu.memref_slice %arg6[%dma_start3A_56] : memref<256xi32, #tpu.memory_space<vmem>> -> memref<32xi32, #tpu.memory_space<vmem>>
    %dma_start3A_58 = arith.constant 0 : i32
    %dma_start3A_59 = arith.constant 0 : i32
    %dma_start3A_60 = tpu.memref_slice %arg3[%dma_start3A_58, %dma_start3A_59] : memref<50265x1024xf32, #tpu.memory_space<hbm>> -> memref<50265x1024xf32, #tpu.memory_space<hbm>>
    tpu.enqueue_indirect_dma source(%dma_start3A_60 : memref<50265x1024xf32, #tpu.memory_space<hbm>>) target(%arg7 : memref<32x1024xf32, #tpu.memory_space<vmem>>) offsets(%dma_start3A_57 : memref<32xi32, #tpu.memory_space<vmem>>) semaphore(%arg11 : memref<!tpu.dma_semaphore, #tpu.memory_space<semaphore_mem>>)
    %dma_wait3A_61 = arith.constant 64 : i32
    %dma_wait3A_62 = tpu.memref_slice %arg6[%dma_wait3A_61] : memref<256xi32, #tpu.memory_space<vmem>> -> memref<32xi32, #tpu.memory_space<vmem>>
    %dma_wait3A_63 = arith.constant 0 : i32
    %dma_wait3A_64 = arith.constant 0 : i32
    %dma_wait3A_65 = tpu.memref_slice %arg3[%dma_wait3A_63, %dma_wait3A_64] : memref<50265x1024xf32, #tpu.memory_space<hbm>> -> memref<50265x1024xf32, #tpu.memory_space<hbm>>
    tpu.wait_indirect_dma semaphore(%arg13 : memref<!tpu.dma_semaphore, #tpu.memory_space<semaphore_mem>>) src(%dma_wait3A_65 : memref<50265x1024xf32, #tpu.memory_space<hbm>>) dst(%arg9 : memref<32x1024xf32, #tpu.memory_space<vmem>>)
    %add3A_66 = arith.constant 64 : i32
    %add3A_67 = arith.addi %mul3A_2, %add3A_66 : i32
    %dma_start3A_68 = arith.constant 0 : i32
    %dma_start3A_69 = tpu.memref_slice %arg5[%add3A_67, %dma_start3A_68] : memref<8192x1024xf32, #tpu.memory_space<hbm>> -> memref<32x1024xf32, #tpu.memory_space<hbm>>
    %dma_start3A_70 = arith.constant 0 : i32
    %dma_start3A_71 = tpu.memref_slice %arg5[%add3A_67, %dma_start3A_70] : memref<8192x1024xf32, #tpu.memory_space<hbm>> -> memref<32x1024xf32, #tpu.memory_space<hbm>>
    tpu.enqueue_dma source(%arg9 : memref<32x1024xf32, #tpu.memory_space<vmem>>) target(%dma_start3A_71 : memref<32x1024xf32, #tpu.memory_space<hbm>>) target_semaphore(%arg16 : memref<!tpu.dma_semaphore, #tpu.memory_space<semaphore_mem>>)
    %add3A_72 = arith.constant 32 : i32
    %add3A_73 = arith.addi %mul3A_2, %add3A_72 : i32
    %dma_wait3A_74 = arith.constant 0 : i32
    %dma_wait3A_75 = tpu.memref_slice %arg5[%add3A_73, %dma_wait3A_74] : memref<8192x1024xf32, #tpu.memory_space<hbm>> -> memref<32x1024xf32, #tpu.memory_space<hbm>>
    %dma_wait3A_76 = arith.constant 0 : i32
    %dma_wait3A_77 = tpu.memref_slice %arg5[%add3A_73, %dma_wait3A_76] : memref<8192x1024xf32, #tpu.memory_space<hbm>> -> memref<32x1024xf32, #tpu.memory_space<hbm>>
    tpu.wait_dma2 semaphore(%arg15 : memref<!tpu.dma_semaphore, #tpu.memory_space<semaphore_mem>>) src(%arg8 : memref<32x1024xf32, #tpu.memory_space<vmem>>) dst(%dma_wait3A_77 : memref<32x1024xf32, #tpu.memory_space<hbm>>)
    %dma_start3A_78 = arith.constant 128 : i32
    %dma_start3A_79 = tpu.memref_slice %arg6[%dma_start3A_78] : memref<256xi32, #tpu.memory_space<vmem>> -> memref<32xi32, #tpu.memory_space<vmem>>
    %dma_start3A_80 = arith.constant 0 : i32
    %dma_start3A_81 = arith.constant 0 : i32
    %dma_start3A_82 = tpu.memref_slice %arg3[%dma_start3A_80, %dma_start3A_81] : memref<50265x1024xf32, #tpu.memory_space<hbm>> -> memref<50265x1024xf32, #tpu.memory_space<hbm>>
    tpu.enqueue_indirect_dma source(%dma_start3A_82 : memref<50265x1024xf32, #tpu.memory_space<hbm>>) target(%arg8 : memref<32x1024xf32, #tpu.memory_space<vmem>>) offsets(%dma_start3A_79 : memref<32xi32, #tpu.memory_space<vmem>>) semaphore(%arg12 : memref<!tpu.dma_semaphore, #tpu.memory_space<semaphore_mem>>)
    %dma_wait3A_83 = arith.constant 96 : i32
    %dma_wait3A_84 = tpu.memref_slice %arg6[%dma_wait3A_83] : memref<256xi32, #tpu.memory_space<vmem>> -> memref<32xi32, #tpu.memory_space<vmem>>
    %dma_wait3A_85 = arith.constant 0 : i32
    %dma_wait3A_86 = arith.constant 0 : i32
    %dma_wait3A_87 = tpu.memref_slice %arg3[%dma_wait3A_85, %dma_wait3A_86] : memref<50265x1024xf32, #tpu.memory_space<hbm>> -> memref<50265x1024xf32, #tpu.memory_space<hbm>>
    tpu.wait_indirect_dma semaphore(%arg11 : memref<!tpu.dma_semaphore, #tpu.memory_space<semaphore_mem>>) src(%dma_wait3A_87 : memref<50265x1024xf32, #tpu.memory_space<hbm>>) dst(%arg7 : memref<32x1024xf32, #tpu.memory_space<vmem>>)
    %add3A_88 = arith.constant 96 : i32
    %add3A_89 = arith.addi %mul3A_2, %add3A_88 : i32
    %dma_start3A_90 = arith.constant 0 : i32
    %dma_start3A_91 = tpu.memref_slice %arg5[%add3A_89, %dma_start3A_90] : memref<8192x1024xf32, #tpu.memory_space<hbm>> -> memref<32x1024xf32, #tpu.memory_space<hbm>>
    %dma_start3A_92 = arith.constant 0 : i32
    %dma_start3A_93 = tpu.memref_slice %arg5[%add3A_89, %dma_start3A_92] : memref<8192x1024xf32, #tpu.memory_space<hbm>> -> memref<32x1024xf32, #tpu.memory_space<hbm>>
    tpu.enqueue_dma source(%arg7 : memref<32x1024xf32, #tpu.memory_space<vmem>>) target(%dma_start3A_93 : memref<32x1024xf32, #tpu.memory_space<hbm>>) target_semaphore(%arg14 : memref<!tpu.dma_semaphore, #tpu.memory_space<semaphore_mem>>)
    %add3A_94 = arith.constant 64 : i32
    %add3A_95 = arith.addi %mul3A_2, %add3A_94 : i32
    %dma_wait3A_96 = arith.constant 0 : i32
    %dma_wait3A_97 = tpu.memref_slice %arg5[%add3A_95, %dma_wait3A_96] : memref<8192x1024xf32, #tpu.memory_space<hbm>> -> memref<32x1024xf32, #tpu.memory_space<hbm>>
    %dma_wait3A_98 = arith.constant 0 : i32
    %dma_wait3A_99 = tpu.memref_slice %arg5[%add3A_95, %dma_wait3A_98] : memref<8192x1024xf32, #tpu.memory_space<hbm>> -> memref<32x1024xf32, #tpu.memory_space<hbm>>
    tpu.wait_dma2 semaphore(%arg16 : memref<!tpu.dma_semaphore, #tpu.memory_space<semaphore_mem>>) src(%arg9 : memref<32x1024xf32, #tpu.memory_space<vmem>>) dst(%dma_wait3A_99 : memref<32x1024xf32, #tpu.memory_space<hbm>>)
    %dma_start3A_100 = arith.constant 160 : i32
    %dma_start3A_101 = tpu.memref_slice %arg6[%dma_start3A_100] : memref<256xi32, #tpu.memory_space<vmem>> -> memref<32xi32, #tpu.memory_space<vmem>>
    %dma_start3A_102 = arith.constant 0 : i32
    %dma_start3A_103 = arith.constant 0 : i32
    %dma_start3A_104 = tpu.memref_slice %arg3[%dma_start3A_102, %dma_start3A_103] : memref<50265x1024xf32, #tpu.memory_space<hbm>> -> memref<50265x1024xf32, #tpu.memory_space<hbm>>
    tpu.enqueue_indirect_dma source(%dma_start3A_104 : memref<50265x1024xf32, #tpu.memory_space<hbm>>) target(%arg9 : memref<32x1024xf32, #tpu.memory_space<vmem>>) offsets(%dma_start3A_101 : memref<32xi32, #tpu.memory_space<vmem>>) semaphore(%arg13 : memref<!tpu.dma_semaphore, #tpu.memory_space<semaphore_mem>>)
    %dma_wait3A_105 = arith.constant 128 : i32
    %dma_wait3A_106 = tpu.memref_slice %arg6[%dma_wait3A_105] : memref<256xi32, #tpu.memory_space<vmem>> -> memref<32xi32, #tpu.memory_space<vmem>>
    %dma_wait3A_107 = arith.constant 0 : i32
    %dma_wait3A_108 = arith.constant 0 : i32
    %dma_wait3A_109 = tpu.memref_slice %arg3[%dma_wait3A_107, %dma_wait3A_108] : memref<50265x1024xf32, #tpu.memory_space<hbm>> -> memref<50265x1024xf32, #tpu.memory_space<hbm>>
    tpu.wait_indirect_dma semaphore(%arg12 : memref<!tpu.dma_semaphore, #tpu.memory_space<semaphore_mem>>) src(%dma_wait3A_109 : memref<50265x1024xf32, #tpu.memory_space<hbm>>) dst(%arg8 : memref<32x1024xf32, #tpu.memory_space<vmem>>)
    %add3A_110 = arith.constant 128 : i32
    %add3A_111 = arith.addi %mul3A_2, %add3A_110 : i32
    %dma_start3A_112 = arith.constant 0 : i32
    %dma_start3A_113 = tpu.memref_slice %arg5[%add3A_111, %dma_start3A_112] : memref<8192x1024xf32, #tpu.memory_space<hbm>> -> memref<32x1024xf32, #tpu.memory_space<hbm>>
    %dma_start3A_114 = arith.constant 0 : i32
    %dma_start3A_115 = tpu.memref_slice %arg5[%add3A_111, %dma_start3A_114] : memref<8192x1024xf32, #tpu.memory_space<hbm>> -> memref<32x1024xf32, #tpu.memory_space<hbm>>
    tpu.enqueue_dma source(%arg8 : memref<32x1024xf32, #tpu.memory_space<vmem>>) target(%dma_start3A_115 : memref<32x1024xf32, #tpu.memory_space<hbm>>) target_semaphore(%arg15 : memref<!tpu.dma_semaphore, #tpu.memory_space<semaphore_mem>>)
    %add3A_116 = arith.constant 96 : i32
    %add3A_117 = arith.addi %mul3A_2, %add3A_116 : i32
    %dma_wait3A_118 = arith.constant 0 : i32
    %dma_wait3A_119 = tpu.memref_slice %arg5[%add3A_117, %dma_wait3A_118] : memref<8192x1024xf32, #tpu.memory_space<hbm>> -> memref<32x1024xf32, #tpu.memory_space<hbm>>
    %dma_wait3A_120 = arith.constant 0 : i32
    %dma_wait3A_121 = tpu.memref_slice %arg5[%add3A_117, %dma_wait3A_120] : memref<8192x1024xf32, #tpu.memory_space<hbm>> -> memref<32x1024xf32, #tpu.memory_space<hbm>>
    tpu.wait_dma2 semaphore(%arg14 : memref<!tpu.dma_semaphore, #tpu.memory_space<semaphore_mem>>) src(%arg7 : memref<32x1024xf32, #tpu.memory_space<vmem>>) dst(%dma_wait3A_121 : memref<32x1024xf32, #tpu.memory_space<hbm>>)
    %dma_start3A_122 = arith.constant 192 : i32
    %dma_start3A_123 = tpu.memref_slice %arg6[%dma_start3A_122] : memref<256xi32, #tpu.memory_space<vmem>> -> memref<32xi32, #tpu.memory_space<vmem>>
    %dma_start3A_124 = arith.constant 0 : i32
    %dma_start3A_125 = arith.constant 0 : i32
    %dma_start3A_126 = tpu.memref_slice %arg3[%dma_start3A_124, %dma_start3A_125] : memref<50265x1024xf32, #tpu.memory_space<hbm>> -> memref<50265x1024xf32, #tpu.memory_space<hbm>>
    tpu.enqueue_indirect_dma source(%dma_start3A_126 : memref<50265x1024xf32, #tpu.memory_space<hbm>>) target(%arg7 : memref<32x1024xf32, #tpu.memory_space<vmem>>) offsets(%dma_start3A_123 : memref<32xi32, #tpu.memory_space<vmem>>) semaphore(%arg11 : memref<!tpu.dma_semaphore, #tpu.memory_space<semaphore_mem>>)
    %dma_wait3A_127 = arith.constant 160 : i32
    %dma_wait3A_128 = tpu.memref_slice %arg6[%dma_wait3A_127] : memref<256xi32, #tpu.memory_space<vmem>> -> memref<32xi32, #tpu.memory_space<vmem>>
    %dma_wait3A_129 = arith.constant 0 : i32
    %dma_wait3A_130 = arith.constant 0 : i32
    %dma_wait3A_131 = tpu.memref_slice %arg3[%dma_wait3A_129, %dma_wait3A_130] : memref<50265x1024xf32, #tpu.memory_space<hbm>> -> memref<50265x1024xf32, #tpu.memory_space<hbm>>
    tpu.wait_indirect_dma semaphore(%arg13 : memref<!tpu.dma_semaphore, #tpu.memory_space<semaphore_mem>>) src(%dma_wait3A_131 : memref<50265x1024xf32, #tpu.memory_space<hbm>>) dst(%arg9 : memref<32x1024xf32, #tpu.memory_space<vmem>>)
    %add3A_132 = arith.constant 160 : i32
    %add3A_133 = arith.addi %mul3A_2, %add3A_132 : i32
    %dma_start3A_134 = arith.constant 0 : i32
    %dma_start3A_135 = tpu.memref_slice %arg5[%add3A_133, %dma_start3A_134] : memref<8192x1024xf32, #tpu.memory_space<hbm>> -> memref<32x1024xf32, #tpu.memory_space<hbm>>
    %dma_start3A_136 = arith.constant 0 : i32
    %dma_start3A_137 = tpu.memref_slice %arg5[%add3A_133, %dma_start3A_136] : memref<8192x1024xf32, #tpu.memory_space<hbm>> -> memref<32x1024xf32, #tpu.memory_space<hbm>>
    tpu.enqueue_dma source(%arg9 : memref<32x1024xf32, #tpu.memory_space<vmem>>) target(%dma_start3A_137 : memref<32x1024xf32, #tpu.memory_space<hbm>>) target_semaphore(%arg16 : memref<!tpu.dma_semaphore, #tpu.memory_space<semaphore_mem>>)
    %add3A_138 = arith.constant 128 : i32
    %add3A_139 = arith.addi %mul3A_2, %add3A_138 : i32
    %dma_wait3A_140 = arith.constant 0 : i32
    %dma_wait3A_141 = tpu.memref_slice %arg5[%add3A_139, %dma_wait3A_140] : memref<8192x1024xf32, #tpu.memory_space<hbm>> -> memref<32x1024xf32, #tpu.memory_space<hbm>>
    %dma_wait3A_142 = arith.constant 0 : i32
    %dma_wait3A_143 = tpu.memref_slice %arg5[%add3A_139, %dma_wait3A_142] : memref<8192x1024xf32, #tpu.memory_space<hbm>> -> memref<32x1024xf32, #tpu.memory_space<hbm>>
    tpu.wait_dma2 semaphore(%arg15 : memref<!tpu.dma_semaphore, #tpu.memory_space<semaphore_mem>>) src(%arg8 : memref<32x1024xf32, #tpu.memory_space<vmem>>) dst(%dma_wait3A_143 : memref<32x1024xf32, #tpu.memory_space<hbm>>)
    %dma_start3A_144 = arith.constant 224 : i32
    %dma_start3A_145 = tpu.memref_slice %arg6[%dma_start3A_144] : memref<256xi32, #tpu.memory_space<vmem>> -> memref<32xi32, #tpu.memory_space<vmem>>
    %dma_start3A_146 = arith.constant 0 : i32
    %dma_start3A_147 = arith.constant 0 : i32
    %dma_start3A_148 = tpu.memref_slice %arg3[%dma_start3A_146, %dma_start3A_147] : memref<50265x1024xf32, #tpu.memory_space<hbm>> -> memref<50265x1024xf32, #tpu.memory_space<hbm>>
    tpu.enqueue_indirect_dma source(%dma_start3A_148 : memref<50265x1024xf32, #tpu.memory_space<hbm>>) target(%arg8 : memref<32x1024xf32, #tpu.memory_space<vmem>>) offsets(%dma_start3A_145 : memref<32xi32, #tpu.memory_space<vmem>>) semaphore(%arg12 : memref<!tpu.dma_semaphore, #tpu.memory_space<semaphore_mem>>)
    %dma_wait3A_149 = arith.constant 192 : i32
    %dma_wait3A_150 = tpu.memref_slice %arg6[%dma_wait3A_149] : memref<256xi32, #tpu.memory_space<vmem>> -> memref<32xi32, #tpu.memory_space<vmem>>
    %dma_wait3A_151 = arith.constant 0 : i32
    %dma_wait3A_152 = arith.constant 0 : i32
    %dma_wait3A_153 = tpu.memref_slice %arg3[%dma_wait3A_151, %dma_wait3A_152] : memref<50265x1024xf32, #tpu.memory_space<hbm>> -> memref<50265x1024xf32, #tpu.memory_space<hbm>>
    tpu.wait_indirect_dma semaphore(%arg11 : memref<!tpu.dma_semaphore, #tpu.memory_space<semaphore_mem>>) src(%dma_wait3A_153 : memref<50265x1024xf32, #tpu.memory_space<hbm>>) dst(%arg7 : memref<32x1024xf32, #tpu.memory_space<vmem>>)
    %add3A_154 = arith.constant 192 : i32
    %add3A_155 = arith.addi %mul3A_2, %add3A_154 : i32
    %dma_start3A_156 = arith.constant 0 : i32
    %dma_start3A_157 = tpu.memref_slice %arg5[%add3A_155, %dma_start3A_156] : memref<8192x1024xf32, #tpu.memory_space<hbm>> -> memref<32x1024xf32, #tpu.memory_space<hbm>>
    %dma_start3A_158 = arith.constant 0 : i32
    %dma_start3A_159 = tpu.memref_slice %arg5[%add3A_155, %dma_start3A_158] : memref<8192x1024xf32, #tpu.memory_space<hbm>> -> memref<32x1024xf32, #tpu.memory_space<hbm>>
    tpu.enqueue_dma source(%arg7 : memref<32x1024xf32, #tpu.memory_space<vmem>>) target(%dma_start3A_159 : memref<32x1024xf32, #tpu.memory_space<hbm>>) target_semaphore(%arg14 : memref<!tpu.dma_semaphore, #tpu.memory_space<semaphore_mem>>)
    %dma_wait3A_160 = arith.constant 224 : i32
    %dma_wait3A_161 = tpu.memref_slice %arg6[%dma_wait3A_160] : memref<256xi32, #tpu.memory_space<vmem>> -> memref<32xi32, #tpu.memory_space<vmem>>
    %dma_wait3A_162 = arith.constant 0 : i32
    %dma_wait3A_163 = arith.constant 0 : i32
    %dma_wait3A_164 = tpu.memref_slice %arg3[%dma_wait3A_162, %dma_wait3A_163] : memref<50265x1024xf32, #tpu.memory_space<hbm>> -> memref<50265x1024xf32, #tpu.memory_space<hbm>>
    tpu.wait_indirect_dma semaphore(%arg12 : memref<!tpu.dma_semaphore, #tpu.memory_space<semaphore_mem>>) src(%dma_wait3A_164 : memref<50265x1024xf32, #tpu.memory_space<hbm>>) dst(%arg8 : memref<32x1024xf32, #tpu.memory_space<vmem>>)
    %add3A_165 = arith.constant 224 : i32
    %add3A_166 = arith.addi %mul3A_2, %add3A_165 : i32
    %dma_start3A_167 = arith.constant 0 : i32
    %dma_start3A_168 = tpu.memref_slice %arg5[%add3A_166, %dma_start3A_167] : memref<8192x1024xf32, #tpu.memory_space<hbm>> -> memref<32x1024xf32, #tpu.memory_space<hbm>>
    %dma_start3A_169 = arith.constant 0 : i32
    %dma_start3A_170 = tpu.memref_slice %arg5[%add3A_166, %dma_start3A_169] : memref<8192x1024xf32, #tpu.memory_space<hbm>> -> memref<32x1024xf32, #tpu.memory_space<hbm>>
    tpu.enqueue_dma source(%arg8 : memref<32x1024xf32, #tpu.memory_space<vmem>>) target(%dma_start3A_170 : memref<32x1024xf32, #tpu.memory_space<hbm>>) target_semaphore(%arg15 : memref<!tpu.dma_semaphore, #tpu.memory_space<semaphore_mem>>)
    %add3A_171 = arith.constant 160 : i32
    %add3A_172 = arith.addi %mul3A_2, %add3A_171 : i32
    %dma_wait3A_173 = arith.constant 0 : i32
    %dma_wait3A_174 = tpu.memref_slice %arg5[%add3A_172, %dma_wait3A_173] : memref<8192x1024xf32, #tpu.memory_space<hbm>> -> memref<32x1024xf32, #tpu.memory_space<hbm>>
    %dma_wait3A_175 = arith.constant 0 : i32
    %dma_wait3A_176 = tpu.memref_slice %arg5[%add3A_172, %dma_wait3A_175] : memref<8192x1024xf32, #tpu.memory_space<hbm>> -> memref<32x1024xf32, #tpu.memory_space<hbm>>
    tpu.wait_dma2 semaphore(%arg16 : memref<!tpu.dma_semaphore, #tpu.memory_space<semaphore_mem>>) src(%arg9 : memref<32x1024xf32, #tpu.memory_space<vmem>>) dst(%dma_wait3A_176 : memref<32x1024xf32, #tpu.memory_space<hbm>>)
    %add3A_177 = arith.constant 192 : i32
    %add3A_178 = arith.addi %mul3A_2, %add3A_177 : i32
    %dma_wait3A_179 = arith.constant 0 : i32
    %dma_wait3A_180 = tpu.memref_slice %arg5[%add3A_178, %dma_wait3A_179] : memref<8192x1024xf32, #tpu.memory_space<hbm>> -> memref<32x1024xf32, #tpu.memory_space<hbm>>
    %dma_wait3A_181 = arith.constant 0 : i32
    %dma_wait3A_182 = tpu.memref_slice %arg5[%add3A_178, %dma_wait3A_181] : memref<8192x1024xf32, #tpu.memory_space<hbm>> -> memref<32x1024xf32, #tpu.memory_space<hbm>>
    tpu.wait_dma2 semaphore(%arg14 : memref<!tpu.dma_semaphore, #tpu.memory_space<semaphore_mem>>) src(%arg7 : memref<32x1024xf32, #tpu.memory_space<vmem>>) dst(%dma_wait3A_182 : memref<32x1024xf32, #tpu.memory_space<hbm>>)
    %add3A_183 = arith.constant 224 : i32
    %add3A_184 = arith.addi %mul3A_2, %add3A_183 : i32
    %dma_wait3A_185 = arith.constant 0 : i32
    %dma_wait3A_186 = tpu.memref_slice %arg5[%add3A_184, %dma_wait3A_185] : memref<8192x1024xf32, #tpu.memory_space<hbm>> -> memref<32x1024xf32, #tpu.memory_space<hbm>>
    %dma_wait3A_187 = arith.constant 0 : i32
    %dma_wait3A_188 = tpu.memref_slice %arg5[%add3A_184, %dma_wait3A_187] : memref<8192x1024xf32, #tpu.memory_space<hbm>> -> memref<32x1024xf32, #tpu.memory_space<hbm>>
    tpu.wait_dma2 semaphore(%arg15 : memref<!tpu.dma_semaphore, #tpu.memory_space<semaphore_mem>>) src(%arg8 : memref<32x1024xf32, #tpu.memory_space<vmem>>) dst(%dma_wait3A_188 : memref<32x1024xf32, #tpu.memory_space<hbm>>)
    return
  }
}

</mosaic_0001>

<sc_bundles>
// kernel: kernel.3.cloned.1.call-start
scs
__scs_entry_jumppad:
0x0: {  	(pc) =	sbr.rel $0x88, $3  }
0x1: {  	(tag) =	ssettag $0x0;
	lr =	simm.s32 $0x1  }
0x2: {  	[smem:$0x3F9E] =	sst lr;
	_ =	strace $0xD0000000  }
0x3: {  	_ = 	snop  }
0x4: {  	_ = 	snop  }
0x5: {  	_ = 	snop  }
0x6: {  	_ = 	snop  }
0x7: {  	_ = 	snop  }
__scs_overlays_trampoline_lowered:
0x8: {  	[smem:$0x3FAD] =	sst s0  }
0x9: {  	[smem:$0x3FAE] =	sst s1  }
0xa: {  	[smem:$0x3FAF] =	sst s2  }
0xb: {  	[smem:$0x3FB0] =	sst s3  }
0xc: {  	[smem:$0x3FB1] =	sst s4  }
0xd: {  	[smem:$0x3FB2] =	sst s5  }
0xe: {  	[smem:$0x3FB3] =	sst s6  }
0xf: {  	[smem:$0x3FB4] =	sst s7  }
0x10: {  	[smem:$0x3FB5] =	sst s8  }
0x11: {  	[smem:$0x3FB6] =	sst s9;
	s0 =	simm.s32 @!p0 $0x0  }
0x12: {  	s1 =	sld [smem:$0x3F9C];
	s0 =	simm.s32 @p0 $0x1  }
0x13: {  	[smem:$0x3FB7] =	sst s0;
	s0 =	simm.s32 @!p1 $0x0  }
0x14: {  	s2 =	sld [smem:$0x3F9B];
	s0 =	simm.s32 @p1 $0x1  }
0x15: {  	[smem:$0x3FB8] =	sst s0;
	s0 =	simm.s32 @!p2 $0x0  }
0x16: {  	s3 =	sld [smem:$0x3FDB];
	s0 =	simm.s32 @p2 $0x1  }
0x17: {  	s4 =	simm.s32 $0x1BF5;
	[smem:$0x3FBA] =	sst s0  }
0x18: {  	s0 =	sld [smem:$0x3F9D];
	_ =	swait.ge [sflag:s4], $0x0  }
0x19: {  	s7 =	sld [smem:$0x3F9E]  }
0x1a: {  	s8 =	sadd.s32 $0xFFFFE003, lr  }
0x1b: {  	s9 =	sadd.s32 $0xFFFFFEF7, lr;
	s5 =	simm.s32 $0xFFFFFFFF;
	p2 =	slt.u32 s8, $0xFFFFF086  }
0x1c: {  	p1 =	slt.u32 s9, $0xF7A;
	s5 =	simm.s32 @!p2 $0x0  }
0x1d: {  	s5 =	simm.s32 @p1 $0x1;
	p0 =	seq.s32 s7, s2  }
0x1e: {  	s7 =	smul.u32 @!p0 $0xF7A, s2;
	p2 =	seq.s32 @!p0 s5, $0x0  }
0x1f: {  	s9 =	smul.u32 $0xF7A, s1;
	s8 =	simm.s32 @!p0 $0x1BF5;
	p2 =	por !p2, p0  }
0x20: {  	[sflag:s8] =	ssyncset.s32 @!p0 $0xFFFFF086;
	s6 =	sadd.s32 @!p0 s3, s7;
	s7 =	simm.s32 @!p0 $0x108  }
0x21: {  	s3 =	sadd.s32 s3, s9;
	s6 =	sadd.s32 @!p0 $0x88, s6;
	s7 =	simm.s32 @p2 $0x1082  }
0x22: {  	[simem:s7], [sflag:s8] =	dma.local @!p0 [hbm:s6], $0xF7A  }
0x23: {  	s9 =	sor.u32 $0xD0000000, s2;
	s6 =	simm.s32 $0x108;
	_ =	swait.ge @!p0 [sflag:s8], $0x0  }
0x24: {  	s3 =	sadd.s32 $0x88, s3;
	s6 =	simm.s32 @!p1 $0x1082;
	[sflag:s4] =	ssyncset.s32 $0xFFFFF086  }
0x25: {  	[simem:s6], [sflag:s4] =	dma.local [hbm:s3], $0xF7A  }
0x26: {  	[smem:$0x3F9E] =	sst s1;
	(tag) =	ssettag s2;
	_ =	strace s9  }
0x27: {  	s1 =	sld [smem:$0x3FAE]  }
0x28: {  	s2 =	sld [smem:$0x3FAF]  }
0x29: {  	s4 =	sld [smem:$0x3FB1]  }
0x2a: {  	p0 =	seq.s32 s5, $0x0;
	s5 =	sld [smem:$0x3FB2]  }
0x2b: {  	s6 =	sld [smem:$0x3FB3]  }
0x2c: {  	s7 =	sld [smem:$0x3FB4]  }
0x2d: {  	s3 =	simm.s32 $0x108;
	s8 =	sld [smem:$0x3FB5]  }
0x2e: {  	s3 =	simm.s32 @!p0 $0x1082;
	s9 =	sld [smem:$0x3FB6]  }
0x2f: {  	lr =	sadd.s32 s0, s3;
	s0 =	sld [smem:$0x3FAD]  }
0x30: {  	s3 =	sld [smem:$0x3FB0]  }
0x31: {  	[smem:$0x3FB9] =	sst s10  }
0x32: {  	s10 =	sld [smem:$0x3FB7];
	_ =	sdelay $0x3  }
0x33: {  	p0 =	seq.s32 s10, $0x1;
	s10 =	sld [smem:$0x3FB9];
	_ =	sdelay $0x3  }
0x34: {  	[smem:$0x3FB9] =	sst s10  }
0x35: {  	s10 =	sld [smem:$0x3FB8];
	_ =	sdelay $0x3  }
0x36: {  	p1 =	seq.s32 s10, $0x1;
	s10 =	sld [smem:$0x3FB9];
	_ =	sdelay $0x3  }
0x37: {  	[smem:$0x3FB9] =	sst s10  }
0x38: {  	s10 =	sld [smem:$0x3FBA]  }
0x39: {  	_ = 	snop;
	(pc) =	sbr.ind lr, $3  }
0x3a: {  	_ = 	snop  }
0x3b: {  	_ = 	snop  }
0x3c: {  	p2 =	seq.s32 s10, $0x1;
	s10 =	sld [smem:$0x3FB9]  }
0x3d: {  	_ =	shalt  }
0x3e: {  	_ =	shalt  }
0x3f: {  	_ =	shalt  }
0x40: {  	_ =	shalt  }
0x41: {  	_ =	shalt  }
0x42: {  	_ =	shalt  }
0x43: {  	_ =	shalt  }
0x44: {  	_ =	shalt  }
0x45: {  	_ =	shalt  }
0x46: {  	_ =	shalt  }
0x47: {  	_ =	shalt  }
0x48: {  	_ =	shalt  }
0x49: {  	_ =	shalt  }
0x4a: {  	_ =	shalt  }
0x4b: {  	_ =	shalt  }
0x4c: {  	_ =	shalt  }
0x4d: {  	_ =	shalt  }
0x4e: {  	_ =	shalt  }
0x4f: {  	_ =	shalt  }
0x50: {  	_ =	shalt  }
0x51: {  	_ =	shalt  }
0x52: {  	_ =	shalt  }
0x53: {  	_ =	shalt  }
0x54: {  	_ =	shalt  }
0x55: {  	_ =	shalt  }
0x56: {  	_ =	shalt  }
0x57: {  	_ =	shalt  }
0x58: {  	_ =	shalt  }
0x59: {  	_ =	shalt  }
0x5a: {  	_ =	shalt  }
0x5b: {  	_ =	shalt  }
0x5c: {  	_ =	shalt  }
0x5d: {  	_ =	shalt  }
0x5e: {  	_ =	shalt  }
0x5f: {  	_ =	shalt  }
0x60: {  	_ =	shalt  }
0x61: {  	_ =	shalt  }
0x62: {  	_ =	shalt  }
0x63: {  	_ =	shalt  }
0x64: {  	_ =	shalt  }
0x65: {  	_ =	shalt  }
0x66: {  	_ =	shalt  }
0x67: {  	_ =	shalt  }
0x68: {  	_ =	shalt  }
0x69: {  	_ =	shalt  }
0x6a: {  	_ =	shalt  }
0x6b: {  	_ =	shalt  }
0x6c: {  	_ =	shalt  }
0x6d: {  	_ =	shalt  }
0x6e: {  	_ =	shalt  }
0x6f: {  	_ =	shalt  }
0x70: {  	_ =	shalt  }
0x71: {  	_ =	shalt  }
0x72: {  	_ =	shalt  }
0x73: {  	_ =	shalt  }
0x74: {  	_ =	shalt  }
0x75: {  	_ =	shalt  }
0x76: {  	_ =	shalt  }
0x77: {  	_ =	shalt  }
0x78: {  	_ =	shalt  }
0x79: {  	_ =	shalt  }
0x7a: {  	_ =	shalt  }
0x7b: {  	_ =	shalt  }
0x7c: {  	_ =	shalt  }
0x7d: {  	_ =	shalt  }
0x7e: {  	_ =	shalt  }
0x7f: {  	_ =	shalt  }
0x80: {  	_ =	shalt  }
0x81: {  	_ =	shalt  }
0x82: {  	_ =	shalt  }
0x83: {  	_ =	shalt  }
0x84: {  	_ =	shalt  }
0x85: {  	_ =	shalt  }
0x86: {  	_ =	shalt  }
0x87: {  	_ =	shalt  }
.Lfunc_end0:
.L_simem_size_0:
called_computation_lowered:
.L_overlay_start_0:
0x88: {  	s2 =	sld [smem:$0x3FD9]  }
0x89: {  	s3 =	sld [smem:$0x3FFE];
	_ =	sdelay $0x1  }
0x8a: {  	s1 =	srdreg.scid  }
0x8b: {  	s0 =	sand.u32 $0x1, s1  }
0x8c: {  	s17 =	sshll.u32 s0, $0xA;
	s2 =	sadd.s32 s3, s2  }
0x8d: {  	s2 =	sadd.s32 s2, s17  }
0x8e: {  	[smem:$0x3FC5] =	sst s2  }
0x8f: {  	_ = 	snop  }
0x90: {  	s2 =	sld [smem:$0x3FC8]  }
0x91: {  	s18 =	sld [smem:$0x3FD0];
	(tm) =	ssettm $0x1  }
0x92: {  	s4 =	sld [smem:$0x3FFB];
	_ =	sdelay $0x3  }
0x93: {  	_ =	strace s4  }
0x94: {  	s4 =	sld [smem:$0x3FFC];
	_ =	sdelay $0x3  }
0x95: {  	_ =	strace s4  }
0x96: {  	s4 =	sld [smem:$0x3FFD];
	_ =	sdelay $0x3  }
0x97: {  	_ =	strace s4  }
0x98: {  	_ =	strace $0x8FFFFFFF  }
0x99: {  	s19 =	sld [smem:$0x3FDB];
	_ =	sdelay $0x1  }
0x9a: {  	s5 =	simm.s32 $_scs_section_size  }
0x9b: {  	s6 =	simm.s32 $_size__tile_overlayer_lowered;
	s7 =	simm.s32 $_tile_overlayer_lowered  }
0x9c: {  	s22 =	simm.s32 $0x1BFF;
	s21 =	sshll.u32 s7, $0x1;
	s4 =	sadd.s32 s5, s19  }
0x9d: {  	s8 =	simm.s32 $0x0;
	s20 =	sshll.u32 s6, $0x1;
	s6 =	sadd.s32 s21, s4  }
0x9e: {  	[timem:s8], [sflag:s22] =	dma.local [hbm:s6], s20  }
0x9f: {  	_ =	swait.ge [sflag:s22], s20  }
0xa0: {  	s5 =	ssub.s32 $0x0, s20;
	[sflag:s22] =	ssyncset.done $0x0  }
0xa1: {  	[sflag:s22] =	ssyncadd.s32 s5;
	_ =	sdelay $0x1  }
0xa2: {  	s23 =	simm.s32 $0x1B8B  }
0xa3: {  	_ =	swait.ge [sflag:s23], $0x1  }
0xa4: {  	[sflag:s23] =	ssyncset.done $0x0  }
0xa5: {  	s25 =	simm.s32 $0x1B8E;
	s24 =	sld [smem:$0x3FFE];
	[sflag:s23] =	ssyncadd.s32 $0xFFFFFFFF  }
0xa6: {  	s26 =	simm.s32 $execute0_lowered;
	[smem:$0x3FD2] =	sst s25  }
0xa7: {  	s6 =	sshll.u32 s26, $0x1;
	_ =	strace $0x80000046;
	[dreg:$0x1] =	wrdreg $0xFFFFFFFF  }
0xa8: {  	s28 =	simm.s32 $_size_execute0_lowered;
	s4 =	sadd.s32 s4, s6;
	[dreg:$0x0] =	wrdreg $0x0  }
0xa9: {  	s6 =	sshll.u32 s28, $0x1;
	[dreg:$0x2] =	wrdreg s4  }
0xaa: {  	[dreg:$0x3] =	wrdreg s6  }
0xab: {  	[dreg:$0x4] =	wrdreg $0xC0  }
0xac: {  	_ =	task [dreg:s8], $0x5FFFF  }
0xad: {  	[dreg:$0x1] =	wrdreg $0xFFFFFFFF  }
0xae: {  	[dreg:$0x0] =	wrdreg $0x60  }
0xaf: {  	[dreg:$0x2] =	wrdreg s24  }
0xb0: {  	[dreg:$0x3] =	wrdreg s2  }
0xb1: {  	[dreg:$0x4] =	wrdreg s18  }
0xb2: {  	[dreg:$0x5] =	wrdreg $0x9  }
0xb3: {  	_ =	task.clear_ibuf [dreg:s8], $0x6FFFF;
	_ =	strace $0x90000046  }
0xb4: {  	s29 =	simm.s32 $0x9;
	_ =	strace $0x80000048  }
0xb5: {  	_ =	swait.ge [sflag:s29], $0x1  }
0xb6: {  	[sflag:s29] =	ssyncadd.s32 $0xFFFFFFFF  }
0xb7: {  	_ =	strace $0x90000048  }
0xb8: {  	_ =	sfence  }
0xb9: {  	s30 =	sld [smem:$0x0];
	_ =	sdelay $0x2  }
0xba: {  	s31 =	sshll.u32 s1, $0xD;
	s1 =	sshrl.u32 s1, $0x2  }
0xbb: {  	s3 =	sand.u32 $0x4000, s31;
	s1 =	sadd.s32 s1, s30  }
0xbc: {  	s0 =	sor.u32 s3, s0;
	s1 =	sshll.u32 s1, $0x11  }
0xbd: {  	s0 =	sor.u32 s1, s0  }
0xbe: {  	s0 =	sadd.s32 $0x8F2B, s0  }
0xbf: {  	[sflag:s0] =	ssyncadd.remote.s32 $0x1  }
0xc0: {  	_ =	sfence.sel $0xFFFF  }
0xc1: {  	[dreg:$0x0] =	wrdreg $0xFFFFFFFF;
	(pc) =	sbr.abs _section_cstart, $3  }
0xc2: {  	[dreg:$0x1] =	wrdreg $0xFFFFFFFF  }
0xc3: {  	_ =	task.clear_ibuf [dreg:s8], $0x2FFFF;
	_ =	strace $0x9FFFFFFF  }
0xc4: {  	(tm) =	ssettm $0x7FFFFFFF  }
0xc5: {  	_ =	shalt  }
tec
execute0_lowered:
.L_overlay_start_1:
0x0: {  	(tag) =	ssettag $0x1  }
0x1: {  	s0 =	rddreg [dreg:$0x0]  }
0x2: {  	s2 =	rddreg [dreg:$0x1]  }
0x3: {  	s1 =	rddreg [dreg:$0x2]  }
0x4: {  	s4 =	srdreg.scid;
	s5 =	stileid.u32;
	s3 =	simm.s32 $0x0  }
0x5: {  	s28 =	simm.s32 $0x3100;
	s30 =	simm.s32 $0x3900;
	s11 =	simm.s32 $0x4100  }
0x6: {  	s10 =	simm.s32 $0x8100;
	s4 =	sand.u32 $0x1, s4;
	s5 =	sshll.u32 s5, $0x1  }
0x7: {  	[smem:$0x7FF] =	sst s3;
	s8 =	sadd.s32 $0x300, s2;
	s5 =	sor.u32 s4, s5  }
0x8: {  	s4 =	ssub.s32 $0x2, s4;
	_ =	strace $0x80000047;
	s6 =	sshll.u32 s5, $0x5  }
0x9: {  	s21 =	sshll.u32 s5, $0xF;
	s6 =	sadd.s32 s6, s0;
	s0 =	sadd.s32 $0x800, s0  }
0xa: {  	s7 =	sshrl.u32 s4, $0x1;
	s9 =	sadd.s32 s1, s21;
	[dreg:$0x4] =	wrdreg s0  }
0xb: {  	s22 =	sand.u32 $0x7, s5;
	s20 =	sadd.s32 $0x400, s6;
	[dreg:$0xd] =	wrdreg s9  }
0xc: {  	s19 =	ssub.s32 s4, s7;
	s4 =	sadd.s32 $0x1000, s9;
	[dreg:$0x5] =	wrdreg s20  }
0xd: {  	s5 =	simm.s32 $0x1;
	s23 =	sadd.s32 $0x2000, s9;
	[dreg:$0x6] =	wrdreg s4  }
0xe: {  	s7 =	sadd.s32 $0x200, s2;
	s24 =	sadd.s32 $0x3000, s9;
	[dreg:$0x7] =	wrdreg s23  }
0xf: {  	p0 =	sne.s32 s22, $0x0;
	s25 =	sadd.s32 $0x4000, s9;
	[dreg:$0x8] =	wrdreg s24  }
.Ltmp0:
0x10: {  	s26 =	sadd.s32 $0x5000, s9;
	[dreg:$0x9] =	wrdreg s25;
	(pc) =	sbr.rel .LBB2_1-.Ltmp0, $4  }
0x11: {  	s6 =	sadd.s32 $0x100, s2;
	s29 =	sadd.s32 $0x6000, s9;
	[dreg:$0xa] =	wrdreg s26  }
0x12: {  	v2 =	vlaneseq.u32;
	s31 =	sadd.s32 $0x7000, s9;
	s0 =	smax.u32 s19, $0x1;
	[dreg:$0xb] =	wrdreg s29  }
0x13: {  	vm0 =	vmmov $0xffff;
	v1 =	vshrl.u32 v2, $0x3;
	[dreg:$0xc] =	wrdreg s31;
	s20 =	simm.s32 $0x900;
	s23 =	simm.s32 $0x1100  }
0x14: {  	v0 =	vand.u32 $0x7, v2;
	v2 =	vor.u32 $0x8, v2;
	v1 =	vmul.u32 $0x8, v1;
	s24 =	simm.s32 $0x1900;
	s25 =	simm.s32 $0x2100;
	s26 =	simm.s32 $0x2900  }
.LBB2_3:
0x15: {  	s11 =	rddreg [dreg:$0xd];
	s0 =	simm.s32 $0x100  }
0x16: {  	[hbm4b:s11+s3] =	stream.linear.scatter [tilespmem:s0], [sflag:$0x4], $0x8000, $0x38;
	[tilespmem:$0x1C100] =	vst v63  }
0x17: {  	v3 =	vld [tilespmem:$0x40];
	_ =	sdelay $0x4  }
0x18: {  	v4 =	vshll.u32 v3, $0x3  }
0x19: {  	v3 =	vand.u32 $0x7, v3;
	v4 =	vand.u32 $0xFFFFFFC0, v4  }
0x1a: {  	v3 =	vor.u32 v3, v4  }
0x1b: {  	v4 =	vperm.xlane v3, v0;
	_ =	sdelay $0x1  }
0x1c: {  	v4 =	vadd.s32 v1, v4;
	_ =	sdelay $0x3  }
0x1d: {  	s30 =	simm.s32 $0x10100  }
0x1e: {  	[tilespmem:s30], [sflag:$0x3] =	stream.indirect_vreg.gather [hbm4b:s2+s3], $0x80, v4, vm0, $0xb8;
	[tilespmem:$0x1C100] =	vst v63  }
0x1f: {  	s23 =	simm.s32 $0x10900;
	v3 =	vperm.xlane v3, v2  }
0x20: {  	[tilespmem:s23], [sflag:$0x3] =	stream.indirect_vreg.gather [hbm4b:s6+s3], $0x80, v4, vm0, $0xb8;
	[tilespmem:$0x1C100] =	vst v63  }
0x21: {  	s28 =	simm.s32 $0x11100;
	v3 =	vadd.s32 v1, v3  }
0x22: {  	[tilespmem:s28], [sflag:$0x3] =	stream.indirect_vreg.gather [hbm4b:s7+s3], $0x80, v4, vm0, $0xb8;
	[tilespmem:$0x1C100] =	vst v63  }
0x23: {  	s26 =	simm.s32 $0x11900  }
0x24: {  	[tilespmem:s26], [sflag:$0x3] =	stream.indirect_vreg.gather [hbm4b:s8+s3], $0x80, v4, vm0, $0xb8;
	[tilespmem:$0x1C100] =	vst v63  }
0x25: {  	s25 =	simm.s32 $0x12100  }
0x26: {  	[tilespmem:s25], [sflag:$0x3] =	stream.indirect_vreg.gather [hbm4b:s2+s3], $0x80, v3, vm0, $0xb8;
	[tilespmem:$0x1C100] =	vst v63  }
0x27: {  	s12 =	simm.s32 $0x12900  }
0x28: {  	[tilespmem:s12], [sflag:$0x3] =	stream.indirect_vreg.gather [hbm4b:s6+s3], $0x80, v3, vm0, $0xb8;
	[tilespmem:$0x1C100] =	vst v63  }
0x29: {  	s21 =	simm.s32 $0x13100  }
0x2a: {  	[tilespmem:s21], [sflag:$0x3] =	stream.indirect_vreg.gather [hbm4b:s7+s3], $0x80, v3, vm0, $0xb8;
	[tilespmem:$0x1C100] =	vst v63  }
0x2b: {  	s20 =	simm.s32 $0x13900  }
0x2c: {  	[tilespmem:s20], [sflag:$0x3] =	stream.indirect_vreg.gather [hbm4b:s8+s3], $0x80, v3, vm0, $0xb8;
	[tilespmem:$0x1C100] =	vst v63  }
0x2d: {  	v3 =	vld [tilespmem:$0x50];
	_ =	sdelay $0x4  }
0x2e: {  	v53 =	vshll.u32 v3, $0x3  }
0x2f: {  	v3 =	vand.u32 $0x7, v3;
	v4 =	vand.u32 $0xFFFFFFC0, v53  }
0x30: {  	v3 =	vor.u32 v3, v4  }
0x31: {  	v4 =	vperm.xlane v3, v0;
	_ =	sdelay $0x1  }
0x32: {  	v4 =	vadd.s32 v1, v4;
	_ =	sdelay $0x3  }
0x33: {  	s9 =	simm.s32 $0x14100  }
0x34: {  	[tilespmem:s9], [sflag:$0x3] =	stream.indirect_vreg.gather [hbm4b:s2+s3], $0x80, v4, vm0, $0xb8;
	[tilespmem:$0x1C100] =	vst v63  }
0x35: {  	s15 =	simm.s32 $0x14900;
	v3 =	vperm.xlane v3, v2  }
0x36: {  	[tilespmem:s15], [sflag:$0x3] =	stream.indirect_vreg.gather [hbm4b:s6+s3], $0x80, v4, vm0, $0xb8;
	[tilespmem:$0x1C100] =	vst v63  }
0x37: {  	s14 =	simm.s32 $0x15100;
	v3 =	vadd.s32 v1, v3  }
0x38: {  	[tilespmem:s14], [sflag:$0x3] =	stream.indirect_vreg.gather [hbm4b:s7+s3], $0x80, v4, vm0, $0xb8;
	[tilespmem:$0x1C100] =	vst v63  }
0x39: {  	s17 =	simm.s32 $0x15900  }
0x3a: {  	[tilespmem:s17], [sflag:$0x3] =	stream.indirect_vreg.gather [hbm4b:s8+s3], $0x80, v4, vm0, $0xb8;
	[tilespmem:$0x1C100] =	vst v63  }
0x3b: {  	s16 =	simm.s32 $0x16100  }
0x3c: {  	[tilespmem:s16], [sflag:$0x3] =	stream.indirect_vreg.gather [hbm4b:s2+s3], $0x80, v3, vm0, $0xb8;
	[tilespmem:$0x1C100] =	vst v63  }
0x3d: {  	s10 =	simm.s32 $0x16900  }
0x3e: {  	[tilespmem:s10], [sflag:$0x3] =	stream.indirect_vreg.gather [hbm4b:s6+s3], $0x80, v3, vm0, $0xb8;
	[tilespmem:$0x1C100] =	vst v63  }
0x3f: {  	s5 =	simm.s32 $0x17100  }
0x40: {  	[tilespmem:s5], [sflag:$0x3] =	stream.indirect_vreg.gather [hbm4b:s7+s3], $0x80, v3, vm0, $0xb8;
	[tilespmem:$0x1C100] =	vst v63  }
0x41: {  	s31 =	simm.s32 $0x17900;
	s1 =	simm.s32 $0x2  }
0x42: {  	[tilespmem:s31], [sflag:$0x3] =	stream.indirect_vreg.gather [hbm4b:s8+s3], $0x80, v3, vm0, $0xb8;
	[tilespmem:$0x1C100] =	vst v63  }
0x43: {  	_ =	swait.ge [sflag:s1], $0x8000  }
0x44: {  	[sflag:s1] =	ssyncset.done $0x0  }
0x45: {  	s0 =	rddreg [dreg:$0x6];
	[sflag:s1] =	ssyncadd.s32 $0xFFFF8000  }
0x46: {  	[hbm4b:s0+s3] =	stream.linear.scatter [tilespmem:s4], [sflag:$0x5], $0x8000, $0x38;
	[tilespmem:$0x1C100] =	vst v63  }
0x47: {  	s4 =	simm.s32 $0x4  }
0x48: {  	_ =	swait.ge [sflag:s4], $0x8000  }
0x49: {  	[sflag:s4] =	ssyncset.done $0x0  }
0x4a: {  	[sflag:s4] =	ssyncadd.s32 $0xFFFF8000  }
0x4b: {  	v3 =	vld [tilespmem:$0x60];
	_ =	sdelay $0x4  }
0x4c: {  	v54 =	vshll.u32 v3, $0x3  }
0x4d: {  	v3 =	vand.u32 $0x7, v3;
	v4 =	vand.u32 $0xFFFFFFC0, v54  }
0x4e: {  	v3 =	vor.u32 v3, v4  }
0x4f: {  	v4 =	vperm.xlane v3, v0;
	_ =	sdelay $0x1  }
0x50: {  	v4 =	vadd.s32 v1, v4;
	_ =	sdelay $0x3  }
0x51: {  	s29 =	simm.s32 $0x100  }
0x52: {  	[tilespmem:s29], [sflag:$0x1] =	stream.indirect_vreg.gather [hbm4b:s2+s3], $0x80, v4, vm0, $0xb8;
	[tilespmem:$0x1C100] =	vst v63  }
0x53: {  	s18 =	simm.s32 $0x900;
	v3 =	vperm.xlane v3, v2  }
0x54: {  	[tilespmem:s18], [sflag:$0x1] =	stream.indirect_vreg.gather [hbm4b:s6+s3], $0x80, v4, vm0, $0xb8;
	[tilespmem:$0x1C100] =	vst v63  }
0x55: {  	s24 =	simm.s32 $0x1100;
	v3 =	vadd.s32 v1, v3  }
0x56: {  	[tilespmem:s24], [sflag:$0x1] =	stream.indirect_vreg.gather [hbm4b:s7+s3], $0x80, v4, vm0, $0xb8;
	[tilespmem:$0x1C100] =	vst v63  }
0x57: {  	s11 =	simm.s32 $0x1900  }
0x58: {  	[tilespmem:s11], [sflag:$0x1] =	stream.indirect_vreg.gather [hbm4b:s8+s3], $0x80, v4, vm0, $0xb8;
	[tilespmem:$0x1C100] =	vst v63  }
0x59: {  	s11 =	simm.s32 $0x2100  }
0x5a: {  	[tilespmem:s11], [sflag:$0x1] =	stream.indirect_vreg.gather [hbm4b:s2+s3], $0x80, v3, vm0, $0xb8;
	[tilespmem:$0x1C100] =	vst v63  }
0x5b: {  	s11 =	simm.s32 $0x2900  }
0x5c: {  	[tilespmem:s11], [sflag:$0x1] =	stream.indirect_vreg.gather [hbm4b:s6+s3], $0x80, v3, vm0, $0xb8;
	[tilespmem:$0x1C100] =	vst v63  }
0x5d: {  	s11 =	simm.s32 $0x3100  }
0x5e: {  	[tilespmem:s11], [sflag:$0x1] =	stream.indirect_vreg.gather [hbm4b:s7+s3], $0x80, v3, vm0, $0xb8;
	[tilespmem:$0x1C100] =	vst v63  }
0x5f: {  	_ = 	snop  }
0x60: {  	[tilespmem:s22], [sflag:$0x1] =	stream.indirect_vreg.gather [hbm4b:s8+s3], $0x80, v3, vm0, $0xb8;
	[tilespmem:$0x1C100] =	vst v63  }
0x61: {  	v3 =	vld [tilespmem:$0x70];
	_ =	sdelay $0x4  }
0x62: {  	v55 =	vshll.u32 v3, $0x3  }
0x63: {  	v3 =	vand.u32 $0x7, v3;
	v4 =	vand.u32 $0xFFFFFFC0, v55  }
0x64: {  	v3 =	vor.u32 v3, v4  }
0x65: {  	v4 =	vperm.xlane v3, v0;
	_ =	sdelay $0x1  }
0x66: {  	v4 =	vadd.s32 v1, v4;
	_ =	sdelay $0x3  }
0x67: {  	s22 =	simm.s32 $0x4100  }
0x68: {  	[tilespmem:s22], [sflag:$0x1] =	stream.indirect_vreg.gather [hbm4b:s2+s3], $0x80, v4, vm0, $0xb8;
	[tilespmem:$0x1C100] =	vst v63  }
0x69: {  	s11 =	simm.s32 $0x4900;
	v3 =	vperm.xlane v3, v2  }
0x6a: {  	[tilespmem:s11], [sflag:$0x1] =	stream.indirect_vreg.gather [hbm4b:s6+s3], $0x80, v4, vm0, $0xb8;
	[tilespmem:$0x1C100] =	vst v63  }
0x6b: {  	v3 =	vadd.s32 v1, v3;
	s22 =	simm.s32 $0x5100  }
0x6c: {  	[tilespmem:s22], [sflag:$0x1] =	stream.indirect_vreg.gather [hbm4b:s7+s3], $0x80, v4, vm0, $0xb8;
	[tilespmem:$0x1C100] =	vst v63  }
0x6d: {  	s11 =	simm.s32 $0x5900  }
0x6e: {  	[tilespmem:s11], [sflag:$0x1] =	stream.indirect_vreg.gather [hbm4b:s8+s3], $0x80, v4, vm0, $0xb8;
	[tilespmem:$0x1C100] =	vst v63  }
0x6f: {  	s22 =	simm.s32 $0x6100  }
0x70: {  	[tilespmem:s22], [sflag:$0x1] =	stream.indirect_vreg.gather [hbm4b:s2+s3], $0x80, v3, vm0, $0xb8;
	[tilespmem:$0x1C100] =	vst v63  }
0x71: {  	s11 =	simm.s32 $0x6900  }
0x72: {  	[tilespmem:s11], [sflag:$0x1] =	stream.indirect_vreg.gather [hbm4b:s6+s3], $0x80, v3, vm0, $0xb8;
	[tilespmem:$0x1C100] =	vst v63  }
0x73: {  	s22 =	simm.s32 $0x7100  }
0x74: {  	[tilespmem:s22], [sflag:$0x1] =	stream.indirect_vreg.gather [hbm4b:s7+s3], $0x80, v3, vm0, $0xb8;
	[tilespmem:$0x1C100] =	vst v63  }
0x75: {  	s22 =	simm.s32 $0x3  }
0x76: {  	[tilespmem:s13], [sflag:$0x1] =	stream.indirect_vreg.gather [hbm4b:s8+s3], $0x80, v3, vm0, $0xb8;
	[tilespmem:$0x1C100] =	vst v63  }
0x77: {  	_ =	swait.ge [sflag:s22], $0x8000  }
0x78: {  	[sflag:s22] =	ssyncset.done $0x0  }
0x79: {  	s13 =	simm.s32 $0x5;
	s0 =	rddreg [dreg:$0x7];
	[sflag:s22] =	ssyncadd.s32 $0xFFFF8000  }
0x7a: {  	[hbm4b:s0+s3] =	stream.linear.scatter [tilespmem:s30], [sflag:$0x6], $0x8000, $0x38;
	[tilespmem:$0x1C100] =	vst v63  }
0x7b: {  	_ =	swait.ge [sflag:s13], $0x8000  }
0x7c: {  	[sflag:s13] =	ssyncset.done $0x0  }
0x7d: {  	[sflag:s13] =	ssyncadd.s32 $0xFFFF8000  }
0x7e: {  	v3 =	vld [tilespmem:$0x80];
	_ =	sdelay $0x4  }
0x7f: {  	v56 =	vshll.u32 v3, $0x3  }
0x80: {  	v3 =	vand.u32 $0x7, v3;
	v4 =	vand.u32 $0xFFFFFFC0, v56  }
0x81: {  	v3 =	vor.u32 v3, v4  }
0x82: {  	v4 =	vperm.xlane v3, v0;
	_ =	sdelay $0x1  }
0x83: {  	v4 =	vadd.s32 v1, v4;
	_ =	sdelay $0x3  }
0x84: {  	s19 =	simm.s32 $0x8100  }
0x85: {  	[tilespmem:s19], [sflag:$0x2] =	stream.indirect_vreg.gather [hbm4b:s2+s3], $0x80, v4, vm0, $0xb8;
	[tilespmem:$0x1C100] =	vst v63  }
0x86: {  	s11 =	simm.s32 $0x8900;
	v3 =	vperm.xlane v3, v2  }
0x87: {  	[tilespmem:s11], [sflag:$0x2] =	stream.indirect_vreg.gather [hbm4b:s6+s3], $0x80, v4, vm0, $0xb8;
	[tilespmem:$0x1C100] =	vst v63  }
0x88: {  	v3 =	vadd.s32 v1, v3;
	s11 =	simm.s32 $0x9100  }
0x89: {  	[tilespmem:s11], [sflag:$0x2] =	stream.indirect_vreg.gather [hbm4b:s7+s3], $0x80, v4, vm0, $0xb8;
	[tilespmem:$0x1C100] =	vst v63  }
0x8a: {  	s11 =	simm.s32 $0x9900  }
0x8b: {  	[tilespmem:s11], [sflag:$0x2] =	stream.indirect_vreg.gather [hbm4b:s8+s3], $0x80, v4, vm0, $0xb8;
	[tilespmem:$0x1C100] =	vst v63  }
0x8c: {  	s11 =	simm.s32 $0xA100  }
0x8d: {  	[tilespmem:s11], [sflag:$0x2] =	stream.indirect_vreg.gather [hbm4b:s2+s3], $0x80, v3, vm0, $0xb8;
	[tilespmem:$0x1C100] =	vst v63  }
0x8e: {  	s11 =	simm.s32 $0xA900  }
0x8f: {  	[tilespmem:s11], [sflag:$0x2] =	stream.indirect_vreg.gather [hbm4b:s6+s3], $0x80, v3, vm0, $0xb8;
	[tilespmem:$0x1C100] =	vst v63  }
0x90: {  	s11 =	simm.s32 $0xB100  }
0x91: {  	[tilespmem:s11], [sflag:$0x2] =	stream.indirect_vreg.gather [hbm4b:s7+s3], $0x80, v3, vm0, $0xb8;
	[tilespmem:$0x1C100] =	vst v63  }
0x92: {  	s11 =	simm.s32 $0xB900  }
0x93: {  	[tilespmem:s11], [sflag:$0x2] =	stream.indirect_vreg.gather [hbm4b:s8+s3], $0x80, v3, vm0, $0xb8;
	[tilespmem:$0x1C100] =	vst v63  }
0x94: {  	v3 =	vld [tilespmem:$0x90];
	_ =	sdelay $0x4  }
0x95: {  	v57 =	vshll.u32 v3, $0x3  }
0x96: {  	v3 =	vand.u32 $0x7, v3;
	v4 =	vand.u32 $0xFFFFFFC0, v57  }
0x97: {  	v3 =	vor.u32 v3, v4  }
0x98: {  	v4 =	vperm.xlane v3, v0;
	_ =	sdelay $0x1  }
0x99: {  	v4 =	vadd.s32 v1, v4;
	_ =	sdelay $0x3  }
0x9a: {  	s11 =	simm.s32 $0xC100  }
0x9b: {  	[tilespmem:s11], [sflag:$0x2] =	stream.indirect_vreg.gather [hbm4b:s2+s3], $0x80, v4, vm0, $0xb8;
	[tilespmem:$0x1C100] =	vst v63  }
0x9c: {  	v3 =	vperm.xlane v3, v2;
	s11 =	simm.s32 $0xC900  }
0x9d: {  	[tilespmem:s11], [sflag:$0x2] =	stream.indirect_vreg.gather [hbm4b:s6+s3], $0x80, v4, vm0, $0xb8;
	[tilespmem:$0x1C100] =	vst v63  }
0x9e: {  	v3 =	vadd.s32 v1, v3;
	s11 =	simm.s32 $0xD100  }
0x9f: {  	[tilespmem:s11], [sflag:$0x2] =	stream.indirect_vreg.gather [hbm4b:s7+s3], $0x80, v4, vm0, $0xb8;
	[tilespmem:$0x1C100] =	vst v63  }
0xa0: {  	s11 =	simm.s32 $0xD900  }
0xa1: {  	[tilespmem:s11], [sflag:$0x2] =	stream.indirect_vreg.gather [hbm4b:s8+s3], $0x80, v4, vm0, $0xb8;
	[tilespmem:$0x1C100] =	vst v63  }
0xa2: {  	s11 =	simm.s32 $0xE100  }
0xa3: {  	[tilespmem:s11], [sflag:$0x2] =	stream.indirect_vreg.gather [hbm4b:s2+s3], $0x80, v3, vm0, $0xb8;
	[tilespmem:$0x1C100] =	vst v63  }
0xa4: {  	s11 =	simm.s32 $0xE900  }
0xa5: {  	[tilespmem:s11], [sflag:$0x2] =	stream.indirect_vreg.gather [hbm4b:s6+s3], $0x80, v3, vm0, $0xb8;
	[tilespmem:$0x1C100] =	vst v63  }
0xa6: {  	s11 =	simm.s32 $0xF100  }
0xa7: {  	[tilespmem:s11], [sflag:$0x2] =	stream.indirect_vreg.gather [hbm4b:s7+s3], $0x80, v3, vm0, $0xb8;
	[tilespmem:$0x1C100] =	vst v63  }
0xa8: {  	s0 =	simm.s32 $0x1;
	s11 =	simm.s32 $0xF900  }
0xa9: {  	[tilespmem:s11], [sflag:$0x2] =	stream.indirect_vreg.gather [hbm4b:s8+s3], $0x80, v3, vm0, $0xb8;
	[tilespmem:$0x1C100] =	vst v63  }
0xaa: {  	_ =	swait.ge [sflag:s0], $0x8000  }
0xab: {  	[sflag:s0] =	ssyncset.done $0x0  }
0xac: {  	s11 =	rddreg [dreg:$0x8];
	[sflag:s0] =	ssyncadd.s32 $0xFFFF8000  }
0xad: {  	[hbm4b:s11+s3] =	stream.linear.scatter [tilespmem:s29], [sflag:$0x4], $0x8000, $0x38;
	[tilespmem:$0x1C100] =	vst v63  }
0xae: {  	s29 =	simm.s32 $0x6  }
0xaf: {  	_ =	swait.ge [sflag:s29], $0x8000  }
0xb0: {  	[sflag:s29] =	ssyncset.done $0x0  }
0xb1: {  	[sflag:s29] =	ssyncadd.s32 $0xFFFF8000  }
0xb2: {  	v3 =	vld [tilespmem:$0xA0];
	_ =	sdelay $0x4  }
0xb3: {  	v58 =	vshll.u32 v3, $0x3  }
0xb4: {  	v3 =	vand.u32 $0x7, v3;
	v4 =	vand.u32 $0xFFFFFFC0, v58  }
0xb5: {  	v3 =	vor.u32 v3, v4  }
0xb6: {  	v4 =	vperm.xlane v3, v0;
	_ =	sdelay $0x1  }
0xb7: {  	v4 =	vadd.s32 v1, v4;
	_ =	sdelay $0x4  }
0xb8: {  	[tilespmem:s30], [sflag:$0x3] =	stream.indirect_vreg.gather [hbm4b:s2+s3], $0x80, v4, vm0, $0xb8;
	[tilespmem:$0x1C100] =	vst v63  }
0xb9: {  	v3 =	vperm.xlane v3, v2  }
0xba: {  	[tilespmem:s23], [sflag:$0x3] =	stream.indirect_vreg.gather [hbm4b:s6+s3], $0x80, v4, vm0, $0xb8;
	[tilespmem:$0x1C100] =	vst v63  }
0xbb: {  	v3 =	vadd.s32 v1, v3  }
0xbc: {  	[tilespmem:s28], [sflag:$0x3] =	stream.indirect_vreg.gather [hbm4b:s7+s3], $0x80, v4, vm0, $0xb8;
	[tilespmem:$0x1C100] =	vst v63  }
0xbd: {  	_ = 	snop  }
0xbe: {  	[tilespmem:s26], [sflag:$0x3] =	stream.indirect_vreg.gather [hbm4b:s8+s3], $0x80, v4, vm0, $0xb8;
	[tilespmem:$0x1C100] =	vst v63  }
0xbf: {  	_ = 	snop  }
0xc0: {  	[tilespmem:s25], [sflag:$0x3] =	stream.indirect_vreg.gather [hbm4b:s2+s3], $0x80, v3, vm0, $0xb8;
	[tilespmem:$0x1C100] =	vst v63  }
0xc1: {  	_ = 	snop  }
0xc2: {  	[tilespmem:s12], [sflag:$0x3] =	stream.indirect_vreg.gather [hbm4b:s6+s3], $0x80, v3, vm0, $0xb8;
	[tilespmem:$0x1C100] =	vst v63  }
0xc3: {  	_ = 	snop  }
0xc4: {  	[tilespmem:s21], [sflag:$0x3] =	stream.indirect_vreg.gather [hbm4b:s7+s3], $0x80, v3, vm0, $0xb8;
	[tilespmem:$0x1C100] =	vst v63  }
0xc5: {  	_ = 	snop  }
0xc6: {  	[tilespmem:s20], [sflag:$0x3] =	stream.indirect_vreg.gather [hbm4b:s8+s3], $0x80, v3, vm0, $0xb8;
	[tilespmem:$0x1C100] =	vst v63  }
0xc7: {  	v3 =	vld [tilespmem:$0xB0];
	_ =	sdelay $0x4  }
0xc8: {  	v59 =	vshll.u32 v3, $0x3  }
0xc9: {  	v3 =	vand.u32 $0x7, v3;
	v4 =	vand.u32 $0xFFFFFFC0, v59  }
0xca: {  	v3 =	vor.u32 v3, v4  }
0xcb: {  	v4 =	vperm.xlane v3, v0;
	_ =	sdelay $0x1  }
0xcc: {  	v4 =	vadd.s32 v1, v4;
	_ =	sdelay $0x4  }
0xcd: {  	[tilespmem:s9], [sflag:$0x3] =	stream.indirect_vreg.gather [hbm4b:s2+s3], $0x80, v4, vm0, $0xb8;
	[tilespmem:$0x1C100] =	vst v63  }
0xce: {  	v3 =	vperm.xlane v3, v2  }
0xcf: {  	[tilespmem:s15], [sflag:$0x3] =	stream.indirect_vreg.gather [hbm4b:s6+s3], $0x80, v4, vm0, $0xb8;
	[tilespmem:$0x1C100] =	vst v63  }
0xd0: {  	v3 =	vadd.s32 v1, v3  }
0xd1: {  	[tilespmem:s14], [sflag:$0x3] =	stream.indirect_vreg.gather [hbm4b:s7+s3], $0x80, v4, vm0, $0xb8;
	[tilespmem:$0x1C100] =	vst v63  }
0xd2: {  	_ = 	snop  }
0xd3: {  	[tilespmem:s17], [sflag:$0x3] =	stream.indirect_vreg.gather [hbm4b:s8+s3], $0x80, v4, vm0, $0xb8;
	[tilespmem:$0x1C100] =	vst v63  }
0xd4: {  	_ = 	snop  }
0xd5: {  	[tilespmem:s16], [sflag:$0x3] =	stream.indirect_vreg.gather [hbm4b:s2+s3], $0x80, v3, vm0, $0xb8;
	[tilespmem:$0x1C100] =	vst v63  }
0xd6: {  	_ = 	snop  }
0xd7: {  	[tilespmem:s10], [sflag:$0x3] =	stream.indirect_vreg.gather [hbm4b:s6+s3], $0x80, v3, vm0, $0xb8;
	[tilespmem:$0x1C100] =	vst v63  }
0xd8: {  	_ = 	snop  }
0xd9: {  	[tilespmem:s5], [sflag:$0x3] =	stream.indirect_vreg.gather [hbm4b:s7+s3], $0x80, v3, vm0, $0xb8;
	[tilespmem:$0x1C100] =	vst v63  }
0xda: {  	_ = 	snop  }
0xdb: {  	[tilespmem:s31], [sflag:$0x3] =	stream.indirect_vreg.gather [hbm4b:s8+s3], $0x80, v3, vm0, $0xb8;
	[tilespmem:$0x1C100] =	vst v63  }
0xdc: {  	_ =	swait.ge [sflag:s1], $0x8000  }
0xdd: {  	[sflag:s1] =	ssyncset.done $0x0  }
0xde: {  	s20 =	rddreg [dreg:$0x9];
	[sflag:s1] =	ssyncadd.s32 $0xFFFF8000  }
0xdf: {  	[hbm4b:s20+s3] =	stream.linear.scatter [tilespmem:s19], [sflag:$0x5], $0x8000, $0x38;
	[tilespmem:$0x1C100] =	vst v63  }
0xe0: {  	_ =	swait.ge [sflag:s4], $0x8000  }
0xe1: {  	[sflag:s4] =	ssyncset.done $0x0  }
0xe2: {  	[sflag:s4] =	ssyncadd.s32 $0xFFFF8000  }
0xe3: {  	v3 =	vld [tilespmem:$0xC0];
	_ =	sdelay $0x4  }
0xe4: {  	v60 =	vshll.u32 v3, $0x3  }
0xe5: {  	v3 =	vand.u32 $0x7, v3;
	v4 =	vand.u32 $0xFFFFFFC0, v60  }
0xe6: {  	v3 =	vor.u32 v3, v4  }
0xe7: {  	v4 =	vperm.xlane v3, v0;
	_ =	sdelay $0x1  }
0xe8: {  	v4 =	vadd.s32 v1, v4;
	_ =	sdelay $0x3  }
0xe9: {  	s12 =	simm.s32 $0x100  }
0xea: {  	[tilespmem:s12], [sflag:$0x1] =	stream.indirect_vreg.gather [hbm4b:s2+s3], $0x80, v4, vm0, $0xb8;
	[tilespmem:$0x1C100] =	vst v63  }
0xeb: {  	v3 =	vperm.xlane v3, v2  }
0xec: {  	[tilespmem:s18], [sflag:$0x1] =	stream.indirect_vreg.gather [hbm4b:s6+s3], $0x80, v4, vm0, $0xb8;
	[tilespmem:$0x1C100] =	vst v63  }
0xed: {  	v3 =	vadd.s32 v1, v3  }
0xee: {  	[tilespmem:s24], [sflag:$0x1] =	stream.indirect_vreg.gather [hbm4b:s7+s3], $0x80, v4, vm0, $0xb8;
	[tilespmem:$0x1C100] =	vst v63  }
0xef: {  	s21 =	simm.s32 $0x1900  }
0xf0: {  	[tilespmem:s21], [sflag:$0x1] =	stream.indirect_vreg.gather [hbm4b:s8+s3], $0x80, v4, vm0, $0xb8;
	[tilespmem:$0x1C100] =	vst v63  }
0xf1: {  	s24 =	simm.s32 $0x2100  }
0xf2: {  	[tilespmem:s24], [sflag:$0x1] =	stream.indirect_vreg.gather [hbm4b:s2+s3], $0x80, v3, vm0, $0xb8;
	[tilespmem:$0x1C100] =	vst v63  }
0xf3: {  	s25 =	simm.s32 $0x2900  }
0xf4: {  	[tilespmem:s25], [sflag:$0x1] =	stream.indirect_vreg.gather [hbm4b:s6+s3], $0x80, v3, vm0, $0xb8;
	[tilespmem:$0x1C100] =	vst v63  }
0xf5: {  	s26 =	simm.s32 $0x3100  }
0xf6: {  	[tilespmem:s26], [sflag:$0x1] =	stream.indirect_vreg.gather [hbm4b:s7+s3], $0x80, v3, vm0, $0xb8;
	[tilespmem:$0x1C100] =	vst v63  }
0xf7: {  	s31 =	simm.s32 $0x3900  }
0xf8: {  	[tilespmem:s31], [sflag:$0x1] =	stream.indirect_vreg.gather [hbm4b:s8+s3], $0x80, v3, vm0, $0xb8;
	[tilespmem:$0x1C100] =	vst v63  }
0xf9: {  	v3 =	vld [tilespmem:$0xD0];
	_ =	sdelay $0x4  }
0xfa: {  	v61 =	vshll.u32 v3, $0x3  }
0xfb: {  	v3 =	vand.u32 $0x7, v3;
	v4 =	vand.u32 $0xFFFFFFC0, v61  }
0xfc: {  	v3 =	vor.u32 v3, v4  }
0xfd: {  	v4 =	vperm.xlane v3, v0;
	_ =	sdelay $0x1  }
0xfe: {  	v4 =	vadd.s32 v1, v4;
	_ =	sdelay $0x3  }
0xff: {  	s11 =	simm.s32 $0x4100  }
0x100: {  	[tilespmem:s11], [sflag:$0x1] =	stream.indirect_vreg.gather [hbm4b:s2+s3], $0x80, v4, vm0, $0xb8;
	[tilespmem:$0x1C100] =	vst v63  }
0x101: {  	s9 =	simm.s32 $0x4900;
	v3 =	vperm.xlane v3, v2  }
0x102: {  	[tilespmem:s9], [sflag:$0x1] =	stream.indirect_vreg.gather [hbm4b:s6+s3], $0x80, v4, vm0, $0xb8;
	[tilespmem:$0x1C100] =	vst v63  }
0x103: {  	s10 =	simm.s32 $0x5100;
	v3 =	vadd.s32 v1, v3  }
0x104: {  	[tilespmem:s10], [sflag:$0x1] =	stream.indirect_vreg.gather [hbm4b:s7+s3], $0x80, v4, vm0, $0xb8;
	[tilespmem:$0x1C100] =	vst v63  }
0x105: {  	s14 =	simm.s32 $0x5900  }
0x106: {  	[tilespmem:s14], [sflag:$0x1] =	stream.indirect_vreg.gather [hbm4b:s8+s3], $0x80, v4, vm0, $0xb8;
	[tilespmem:$0x1C100] =	vst v63  }
0x107: {  	s15 =	simm.s32 $0x6100  }
0x108: {  	[tilespmem:s15], [sflag:$0x1] =	stream.indirect_vreg.gather [hbm4b:s2+s3], $0x80, v3, vm0, $0xb8;
	[tilespmem:$0x1C100] =	vst v63  }
0x109: {  	s16 =	simm.s32 $0x6900  }
0x10a: {  	[tilespmem:s16], [sflag:$0x1] =	stream.indirect_vreg.gather [hbm4b:s6+s3], $0x80, v3, vm0, $0xb8;
	[tilespmem:$0x1C100] =	vst v63  }
0x10b: {  	s17 =	simm.s32 $0x7100  }
0x10c: {  	[tilespmem:s17], [sflag:$0x1] =	stream.indirect_vreg.gather [hbm4b:s7+s3], $0x80, v3, vm0, $0xb8;
	[tilespmem:$0x1C100] =	vst v63  }
0x10d: {  	s18 =	simm.s32 $0x7900  }
0x10e: {  	[tilespmem:s18], [sflag:$0x1] =	stream.indirect_vreg.gather [hbm4b:s8+s3], $0x80, v3, vm0, $0xb8;
	[tilespmem:$0x1C100] =	vst v63  }
0x10f: {  	_ =	swait.ge [sflag:s22], $0x8000  }
0x110: {  	[sflag:s22] =	ssyncset.done $0x0  }
0x111: {  	s21 =	rddreg [dreg:$0xa];
	[sflag:s22] =	ssyncadd.s32 $0xFFFF8000  }
0x112: {  	[hbm4b:s21+s3] =	stream.linear.scatter [tilespmem:s30], [sflag:$0x6], $0x8000, $0x38;
	[tilespmem:$0x1C100] =	vst v63  }
0x113: {  	_ =	swait.ge [sflag:s13], $0x8000  }
0x114: {  	[sflag:s13] =	ssyncset.done $0x0  }
0x115: {  	[sflag:s13] =	ssyncadd.s32 $0xFFFF8000  }
0x116: {  	v3 =	vld [tilespmem:$0xE0];
	_ =	sdelay $0x4  }
0x117: {  	v62 =	vshll.u32 v3, $0x3  }
0x118: {  	v3 =	vand.u32 $0x7, v3;
	v4 =	vand.u32 $0xFFFFFFC0, v62  }
0x119: {  	v3 =	vor.u32 v3, v4  }
0x11a: {  	v4 =	vperm.xlane v3, v0;
	_ =	sdelay $0x1  }
0x11b: {  	v4 =	vadd.s32 v1, v4;
	_ =	sdelay $0x4  }
0x11c: {  	[tilespmem:s19], [sflag:$0x2] =	stream.indirect_vreg.gather [hbm4b:s2+s3], $0x80, v4, vm0, $0xb8;
	[tilespmem:$0x1C100] =	vst v63  }
0x11d: {  	s22 =	simm.s32 $0x8900;
	v3 =	vperm.xlane v3, v2  }
0x11e: {  	[tilespmem:s22], [sflag:$0x2] =	stream.indirect_vreg.gather [hbm4b:s6+s3], $0x80, v4, vm0, $0xb8;
	[tilespmem:$0x1C100] =	vst v63  }
0x11f: {  	s24 =	simm.s32 $0x9100;
	v3 =	vadd.s32 v1, v3  }
0x120: {  	[tilespmem:s24], [sflag:$0x2] =	stream.indirect_vreg.gather [hbm4b:s7+s3], $0x80, v4, vm0, $0xb8;
	[tilespmem:$0x1C100] =	vst v63  }
0x121: {  	s25 =	simm.s32 $0x9900  }
0x122: {  	[tilespmem:s25], [sflag:$0x2] =	stream.indirect_vreg.gather [hbm4b:s8+s3], $0x80, v4, vm0, $0xb8;
	[tilespmem:$0x1C100] =	vst v63  }
0x123: {  	s26 =	simm.s32 $0xA100  }
0x124: {  	[tilespmem:s26], [sflag:$0x2] =	stream.indirect_vreg.gather [hbm4b:s2+s3], $0x80, v3, vm0, $0xb8;
	[tilespmem:$0x1C100] =	vst v63  }
0x125: {  	s31 =	simm.s32 $0xA900  }
0x126: {  	[tilespmem:s31], [sflag:$0x2] =	stream.indirect_vreg.gather [hbm4b:s6+s3], $0x80, v3, vm0, $0xb8;
	[tilespmem:$0x1C100] =	vst v63  }
0x127: {  	s9 =	simm.s32 $0xB100  }
0x128: {  	[tilespmem:s9], [sflag:$0x2] =	stream.indirect_vreg.gather [hbm4b:s7+s3], $0x80, v3, vm0, $0xb8;
	[tilespmem:$0x1C100] =	vst v63  }
0x129: {  	s10 =	simm.s32 $0xB900  }
0x12a: {  	[tilespmem:s10], [sflag:$0x2] =	stream.indirect_vreg.gather [hbm4b:s8+s3], $0x80, v3, vm0, $0xb8;
	[tilespmem:$0x1C100] =	vst v63  }
0x12b: {  	v3 =	vld [tilespmem:$0xF0];
	_ =	sdelay $0x4  }
0x12c: {  	v63 =	vshll.u32 v3, $0x3  }
0x12d: {  	v3 =	vand.u32 $0x7, v3;
	v4 =	vand.u32 $0xFFFFFFC0, v63  }
0x12e: {  	v3 =	vor.u32 v3, v4  }
0x12f: {  	v4 =	vperm.xlane v3, v0;
	_ =	sdelay $0x1  }
0x130: {  	v4 =	vadd.s32 v1, v4;
	_ =	sdelay $0x3  }
0x131: {  	s14 =	simm.s32 $0xC100  }
0x132: {  	[tilespmem:s14], [sflag:$0x2] =	stream.indirect_vreg.gather [hbm4b:s2+s3], $0x80, v4, vm0, $0xb8;
	[tilespmem:$0x1C100] =	vst v63  }
0x133: {  	s15 =	simm.s32 $0xC900;
	v3 =	vperm.xlane v3, v2  }
0x134: {  	[tilespmem:s15], [sflag:$0x2] =	stream.indirect_vreg.gather [hbm4b:s6+s3], $0x80, v4, vm0, $0xb8;
	[tilespmem:$0x1C100] =	vst v63  }
0x135: {  	s16 =	simm.s32 $0xD100;
	v3 =	vadd.s32 v1, v3  }
0x136: {  	[tilespmem:s16], [sflag:$0x2] =	stream.indirect_vreg.gather [hbm4b:s7+s3], $0x80, v4, vm0, $0xb8;
	[tilespmem:$0x1C100] =	vst v63  }
0x137: {  	s17 =	simm.s32 $0xD900  }
0x138: {  	[tilespmem:s17], [sflag:$0x2] =	stream.indirect_vreg.gather [hbm4b:s8+s3], $0x80, v4, vm0, $0xb8;
	[tilespmem:$0x1C100] =	vst v63  }
0x139: {  	s18 =	simm.s32 $0xE100  }
0x13a: {  	[tilespmem:s18], [sflag:$0x2] =	stream.indirect_vreg.gather [hbm4b:s2+s3], $0x80, v3, vm0, $0xb8;
	[tilespmem:$0x1C100] =	vst v63  }
0x13b: {  	s21 =	simm.s32 $0xE900  }
0x13c: {  	[tilespmem:s21], [sflag:$0x2] =	stream.indirect_vreg.gather [hbm4b:s6+s3], $0x80, v3, vm0, $0xb8;
	[tilespmem:$0x1C100] =	vst v63  }
0x13d: {  	s22 =	simm.s32 $0xF100  }
0x13e: {  	[tilespmem:s22], [sflag:$0x2] =	stream.indirect_vreg.gather [hbm4b:s7+s3], $0x80, v3, vm0, $0xb8;
	[tilespmem:$0x1C100] =	vst v63  }
0x13f: {  	s24 =	simm.s32 $0xF900  }
0x140: {  	[tilespmem:s24], [sflag:$0x2] =	stream.indirect_vreg.gather [hbm4b:s8+s3], $0x80, v3, vm0, $0xb8;
	[tilespmem:$0x1C100] =	vst v63  }
0x141: {  	_ =	swait.ge [sflag:s0], $0x8000  }
0x142: {  	[sflag:s0] =	ssyncset.done $0x0  }
0x143: {  	s25 =	rddreg [dreg:$0xb];
	[sflag:s0] =	ssyncadd.s32 $0xFFFF8000  }
0x144: {  	[hbm4b:s25+s3] =	stream.linear.scatter [tilespmem:s12], [sflag:$0x4], $0x8000, $0x38;
	[tilespmem:$0x1C100] =	vst v63  }
0x145: {  	_ =	swait.ge [sflag:s1], $0x8000  }
0x146: {  	[sflag:s1] =	ssyncset.done $0x0  }
0x147: {  	s26 =	rddreg [dreg:$0xc];
	[sflag:s1] =	ssyncadd.s32 $0xFFFF8000  }
0x148: {  	[hbm4b:s26+s3] =	stream.linear.scatter [tilespmem:s19], [sflag:$0x5], $0x8000, $0x38;
	[tilespmem:$0x1C100] =	vst v63  }
0x149: {  	_ =	swait.ge [sflag:s29], $0x8000  }
0x14a: {  	[sflag:s29] =	ssyncset.done $0x0  }
0x14b: {  	[sflag:s29] =	ssyncadd.s32 $0xFFFF8000  }
0x14c: {  	_ =	swait.ge [sflag:s4], $0x8000  }
0x14d: {  	[sflag:s4] =	ssyncset.done $0x0  }
0x14e: {  	[sflag:s4] =	ssyncadd.s32 $0xFFFF8000  }
0x14f: {  	_ =	swait.ge [sflag:s13], $0x8000  }
0x150: {  	s31 =	rddreg [dreg:$0xe]  }
0x151: {  	s0 =	sadd.s32 $0xFFFFFFFF, s31  }
0x152: {  	p1 =	sne.s32 s0, $0x0  }
.Ltmp1:
0x153: {  	_ = 	snop;
	(pc) =	sbr.rel @!p1 .LBB2_4-.Ltmp1, $4  }
0x154: {  	s23 =	simm.s32 $0x1100;
	s28 =	simm.s32 $0x3100  }
0x155: {  	s5 =	simm.s32 $0x1;
	s20 =	simm.s32 $0x900;
	s30 =	simm.s32 $0x3900  }
0x156: {  	s10 =	simm.s32 $0x8100;
	s24 =	simm.s32 $0x1900;
	[sflag:s13] =	ssyncset.done $0x0  }
0x157: {  	s25 =	simm.s32 $0x2100;
	s26 =	simm.s32 $0x2900;
	[sflag:s13] =	ssyncadd.s32 $0xFFFF8000  }
.LBB2_1:
0x158: {  	[dreg:$0xe] =	wrdreg s0  }
0x159: {  	s13 =	rddreg [dreg:$0x5];
	s9 =	simm.s32 $0x7  }
0x15a: {  	[tilespmem:s3], [sflag:$0x7] =	stream.linear.gather [hbm4b:s13+s3], $0x100, $0x38;
	[tilespmem:$0x1C100] =	vst v63  }
0x15b: {  	_ =	swait.ge [sflag:s9], $0x100  }
0x15c: {  	[sflag:s9] =	ssyncset.done $0x0  }
0x15d: {  	[sflag:s9] =	ssyncadd.s32 $0xFFFFFF00  }
0x15e: {  	v3 =	vld [tilespmem:$0x0];
	_ =	sdelay $0x4  }
0x15f: {  	v4 =	vshll.u32 v3, $0x3  }
0x160: {  	v3 =	vand.u32 $0x7, v3;
	v4 =	vand.u32 $0xFFFFFFC0, v4  }
0x161: {  	v3 =	vor.u32 v3, v4  }
0x162: {  	v4 =	vperm.xlane v3, v0;
	_ =	sdelay $0x1  }
0x163: {  	v4 =	vadd.s32 v1, v4;
	_ =	sdelay $0x3  }
0x164: {  	s9 =	simm.s32 $0x100  }
0x165: {  	[tilespmem:s9], [sflag:$0x1] =	stream.indirect_vreg.gather [hbm4b:s2+s3], $0x80, v4, vm0, $0xb8;
	[tilespmem:$0x1C100] =	vst v63  }
0x166: {  	v3 =	vperm.xlane v3, v2  }
0x167: {  	[tilespmem:s20], [sflag:$0x1] =	stream.indirect_vreg.gather [hbm4b:s6+s3], $0x80, v4, vm0, $0xb8;
	[tilespmem:$0x1C100] =	vst v63  }
0x168: {  	v3 =	vadd.s32 v1, v3  }
0x169: {  	[tilespmem:s23], [sflag:$0x1] =	stream.indirect_vreg.gather [hbm4b:s7+s3], $0x80, v4, vm0, $0xb8;
	[tilespmem:$0x1C100] =	vst v63  }
0x16a: {  	_ = 	snop  }
0x16b: {  	[tilespmem:s24], [sflag:$0x1] =	stream.indirect_vreg.gather [hbm4b:s8+s3], $0x80, v4, vm0, $0xb8;
	[tilespmem:$0x1C100] =	vst v63  }
0x16c: {  	_ = 	snop  }
0x16d: {  	[tilespmem:s25], [sflag:$0x1] =	stream.indirect_vreg.gather [hbm4b:s2+s3], $0x80, v3, vm0, $0xb8;
	[tilespmem:$0x1C100] =	vst v63  }
0x16e: {  	_ = 	snop  }
0x16f: {  	[tilespmem:s26], [sflag:$0x1] =	stream.indirect_vreg.gather [hbm4b:s6+s3], $0x80, v3, vm0, $0xb8;
	[tilespmem:$0x1C100] =	vst v63  }
0x170: {  	_ = 	snop  }
0x171: {  	[tilespmem:s28], [sflag:$0x1] =	stream.indirect_vreg.gather [hbm4b:s7+s3], $0x80, v3, vm0, $0xb8;
	[tilespmem:$0x1C100] =	vst v63  }
0x172: {  	_ = 	snop  }
0x173: {  	[tilespmem:s30], [sflag:$0x1] =	stream.indirect_vreg.gather [hbm4b:s8+s3], $0x80, v3, vm0, $0xb8;
	[tilespmem:$0x1C100] =	vst v63  }
0x174: {  	v3 =	vld [tilespmem:$0x10];
	_ =	sdelay $0x4  }
0x175: {  	v61 =	vshll.u32 v3, $0x3  }
0x176: {  	v3 =	vand.u32 $0x7, v3;
	v4 =	vand.u32 $0xFFFFFFC0, v61  }
0x177: {  	v3 =	vor.u32 v3, v4  }
0x178: {  	v4 =	vperm.xlane v3, v0;
	_ =	sdelay $0x1  }
0x179: {  	v4 =	vadd.s32 v1, v4;
	_ =	sdelay $0x4  }
0x17a: {  	[tilespmem:s11], [sflag:$0x1] =	stream.indirect_vreg.gather [hbm4b:s2+s3], $0x80, v4, vm0, $0xb8;
	[tilespmem:$0x1C100] =	vst v63  }
0x17b: {  	s13 =	simm.s32 $0x4900;
	v3 =	vperm.xlane v3, v2  }
0x17c: {  	[tilespmem:s13], [sflag:$0x1] =	stream.indirect_vreg.gather [hbm4b:s6+s3], $0x80, v4, vm0, $0xb8;
	[tilespmem:$0x1C100] =	vst v63  }
0x17d: {  	s18 =	simm.s32 $0x5100;
	v3 =	vadd.s32 v1, v3  }
0x17e: {  	[tilespmem:s18], [sflag:$0x1] =	stream.indirect_vreg.gather [hbm4b:s7+s3], $0x80, v4, vm0, $0xb8;
	[tilespmem:$0x1C100] =	vst v63  }
0x17f: {  	s16 =	simm.s32 $0x5900  }
0x180: {  	[tilespmem:s16], [sflag:$0x1] =	stream.indirect_vreg.gather [hbm4b:s8+s3], $0x80, v4, vm0, $0xb8;
	[tilespmem:$0x1C100] =	vst v63  }
0x181: {  	s15 =	simm.s32 $0x6100  }
0x182: {  	[tilespmem:s15], [sflag:$0x1] =	stream.indirect_vreg.gather [hbm4b:s2+s3], $0x80, v3, vm0, $0xb8;
	[tilespmem:$0x1C100] =	vst v63  }
0x183: {  	s14 =	simm.s32 $0x6900  }
0x184: {  	[tilespmem:s14], [sflag:$0x1] =	stream.indirect_vreg.gather [hbm4b:s6+s3], $0x80, v3, vm0, $0xb8;
	[tilespmem:$0x1C100] =	vst v63  }
0x185: {  	s17 =	simm.s32 $0x7100  }
0x186: {  	[tilespmem:s17], [sflag:$0x1] =	stream.indirect_vreg.gather [hbm4b:s7+s3], $0x80, v3, vm0, $0xb8;
	[tilespmem:$0x1C100] =	vst v63  }
0x187: {  	s19 =	simm.s32 $0x7900  }
0x188: {  	[tilespmem:s19], [sflag:$0x1] =	stream.indirect_vreg.gather [hbm4b:s8+s3], $0x80, v3, vm0, $0xb8;
	[tilespmem:$0x1C100] =	vst v63  }
0x189: {  	v3 =	vld [tilespmem:$0x20];
	_ =	sdelay $0x4  }
0x18a: {  	v62 =	vshll.u32 v3, $0x3  }
0x18b: {  	v3 =	vand.u32 $0x7, v3;
	v4 =	vand.u32 $0xFFFFFFC0, v62  }
0x18c: {  	v3 =	vor.u32 v3, v4  }
0x18d: {  	v4 =	vperm.xlane v3, v0;
	_ =	sdelay $0x1  }
0x18e: {  	v4 =	vadd.s32 v1, v4;
	_ =	sdelay $0x4  }
0x18f: {  	[tilespmem:s10], [sflag:$0x2] =	stream.indirect_vreg.gather [hbm4b:s2+s3], $0x80, v4, vm0, $0xb8;
	[tilespmem:$0x1C100] =	vst v63  }
0x190: {  	s12 =	simm.s32 $0x8900;
	v3 =	vperm.xlane v3, v2  }
0x191: {  	[tilespmem:s12], [sflag:$0x2] =	stream.indirect_vreg.gather [hbm4b:s6+s3], $0x80, v4, vm0, $0xb8;
	[tilespmem:$0x1C100] =	vst v63  }
0x192: {  	s0 =	simm.s32 $0x9100;
	v3 =	vadd.s32 v1, v3  }
0x193: {  	[tilespmem:s0], [sflag:$0x2] =	stream.indirect_vreg.gather [hbm4b:s7+s3], $0x80, v4, vm0, $0xb8;
	[tilespmem:$0x1C100] =	vst v63  }
0x194: {  	s29 =	simm.s32 $0x9900  }
0x195: {  	[tilespmem:s29], [sflag:$0x2] =	stream.indirect_vreg.gather [hbm4b:s8+s3], $0x80, v4, vm0, $0xb8;
	[tilespmem:$0x1C100] =	vst v63  }
0x196: {  	s31 =	simm.s32 $0xA100  }
0x197: {  	[tilespmem:s31], [sflag:$0x2] =	stream.indirect_vreg.gather [hbm4b:s2+s3], $0x80, v3, vm0, $0xb8;
	[tilespmem:$0x1C100] =	vst v63  }
0x198: {  	s22 =	simm.s32 $0xA900  }
0x199: {  	[tilespmem:s22], [sflag:$0x2] =	stream.indirect_vreg.gather [hbm4b:s6+s3], $0x80, v3, vm0, $0xb8;
	[tilespmem:$0x1C100] =	vst v63  }
0x19a: {  	s21 =	simm.s32 $0xB100  }
0x19b: {  	[tilespmem:s21], [sflag:$0x2] =	stream.indirect_vreg.gather [hbm4b:s7+s3], $0x80, v3, vm0, $0xb8;
	[tilespmem:$0x1C100] =	vst v63  }
0x19c: {  	s1 =	simm.s32 $0xB900  }
0x19d: {  	[tilespmem:s1], [sflag:$0x2] =	stream.indirect_vreg.gather [hbm4b:s8+s3], $0x80, v3, vm0, $0xb8;
	[tilespmem:$0x1C100] =	vst v63  }
0x19e: {  	v3 =	vld [tilespmem:$0x30];
	_ =	sdelay $0x4  }
0x19f: {  	v63 =	vshll.u32 v3, $0x3  }
0x1a0: {  	v3 =	vand.u32 $0x7, v3;
	v4 =	vand.u32 $0xFFFFFFC0, v63  }
0x1a1: {  	v3 =	vor.u32 v3, v4  }
0x1a2: {  	v4 =	vperm.xlane v3, v0;
	_ =	sdelay $0x1  }
0x1a3: {  	v4 =	vadd.s32 v1, v4;
	_ =	sdelay $0x3  }
0x1a4: {  	s4 =	simm.s32 $0xC100  }
0x1a5: {  	[tilespmem:s4], [sflag:$0x2] =	stream.indirect_vreg.gather [hbm4b:s2+s3], $0x80, v4, vm0, $0xb8;
	[tilespmem:$0x1C100] =	vst v63  }
0x1a6: {  	s24 =	simm.s32 $0xC900;
	v3 =	vperm.xlane v3, v2  }
0x1a7: {  	[tilespmem:s24], [sflag:$0x2] =	stream.indirect_vreg.gather [hbm4b:s6+s3], $0x80, v4, vm0, $0xb8;
	[tilespmem:$0x1C100] =	vst v63  }
0x1a8: {  	s25 =	simm.s32 $0xD100;
	v3 =	vadd.s32 v1, v3  }
0x1a9: {  	[tilespmem:s25], [sflag:$0x2] =	stream.indirect_vreg.gather [hbm4b:s7+s3], $0x80, v4, vm0, $0xb8;
	[tilespmem:$0x1C100] =	vst v63  }
0x1aa: {  	s26 =	simm.s32 $0xD900  }
0x1ab: {  	[tilespmem:s26], [sflag:$0x2] =	stream.indirect_vreg.gather [hbm4b:s8+s3], $0x80, v4, vm0, $0xb8;
	[tilespmem:$0x1C100] =	vst v63  }
0x1ac: {  	s28 =	simm.s32 $0xE100  }
0x1ad: {  	[tilespmem:s28], [sflag:$0x2] =	stream.indirect_vreg.gather [hbm4b:s2+s3], $0x80, v3, vm0, $0xb8;
	[tilespmem:$0x1C100] =	vst v63  }
0x1ae: {  	s29 =	simm.s32 $0xE900  }
0x1af: {  	[tilespmem:s29], [sflag:$0x2] =	stream.indirect_vreg.gather [hbm4b:s6+s3], $0x80, v3, vm0, $0xb8;
	[tilespmem:$0x1C100] =	vst v63  }
0x1b0: {  	s30 =	simm.s32 $0xF100  }
0x1b1: {  	[tilespmem:s30], [sflag:$0x2] =	stream.indirect_vreg.gather [hbm4b:s7+s3], $0x80, v3, vm0, $0xb8;
	[tilespmem:$0x1C100] =	vst v63  }
.Ltmp2:
0x1b2: {  	s31 =	simm.s32 $0xF900;
	(pc) =	sbr.rel @p0 .LBB2_3-.Ltmp2, $4  }
0x1b3: {  	[tilespmem:s31], [sflag:$0x2] =	stream.indirect_vreg.gather [hbm4b:s8+s3], $0x80, v3, vm0, $0xb8;
	[tilespmem:$0x1C100] =	vst v63  }
0x1b4: {  	_ =	swait.ge [sflag:s5], $0x8000  }
0x1b5: {  	s13 =	simm.s32 $0x7900;
	[sflag:s5] =	ssyncset.done $0x0  }
0x1b6: {  	s22 =	simm.s32 $0x3900;
	s4 =	simm.s32 $0x8100;
	[sflag:s5] =	ssyncadd.s32 $0xFFFF8000  }
0x1b7: {  	s11 =	rddreg [dreg:$0x4];
	s0 =	simm.s32 $0x100;
	s9 =	simm.s32 $0x7  }
0x1b8: {  	[tilespmem:s0], [sflag:$0x7] =	stream.linear.gather [hbm4b:s11+s3], $0x2000, $0x38;
	[tilespmem:$0x1C100] =	vst v63  }
0x1b9: {  	_ =	swait.ge [sflag:s9], $0x2000  }
0x1ba: {  	[sflag:s9] =	ssyncset.done $0x0  }
0x1bb: {  	s13 =	simm.s32 $0x18100;
	[sflag:s9] =	ssyncadd.s32 $0xFFFFE000  }
0x1bc: {  	[tilespmem:s13], [sflag:$0x7] =	stream.linear.gather [hbm4b:s11+s3], $0x4000, $0x38;
	[tilespmem:$0x1C100] =	vst v63  }
0x1bd: {  	_ =	swait.ge [sflag:s9], $0x4000  }
0x1be: {  	[sflag:s9] =	ssyncset.done $0x0  }
0x1bf: {  	[sflag:s9] =	ssyncadd.s32 $0xFFFFC000  }
0x1c0: {  	v3 =	vld [tilespmem:$0x1A100]  }
0x1c1: {  	v4 =	vld [tilespmem:$0x1A110]  }
0x1c2: {  	v5 =	vld [tilespmem:$0x1A120]  }
0x1c3: {  	v6 =	vld [tilespmem:$0x1A130]  }
0x1c4: {  	v7 =	vld [tilespmem:$0x1A140]  }
0x1c5: {  	v21 =	vld [tilespmem:$0x1A160];
	[tilespmem:$0x2100] =	vst v3  }
0x1c6: {  	v22 =	vld [tilespmem:$0x1A170];
	[tilespmem:$0x2110] =	vst v4  }
0x1c7: {  	v3 =	vld [tilespmem:$0x1A150];
	[tilespmem:$0x2120] =	vst v5  }
0x1c8: {  	v23 =	vld [tilespmem:$0x1A500];
	[tilespmem:$0x2130] =	vst v6  }
0x1c9: {  	v24 =	vld [tilespmem:$0x1A510];
	[tilespmem:$0x2140] =	vst v7  }
0x1ca: {  	v25 =	vld [tilespmem:$0x1A530];
	[tilespmem:$0x2160] =	vst v21  }
0x1cb: {  	v26 =	vld [tilespmem:$0x1A540];
	[tilespmem:$0x2170] =	vst v22  }
0x1cc: {  	[tilespmem:$0x2150] =	vst v3;
	v3 =	vld [tilespmem:$0x1A520]  }
0x1cd: {  	v27 =	vld [tilespmem:$0x1A550];
	[tilespmem:$0x2500] =	vst v23  }
0x1ce: {  	v28 =	vld [tilespmem:$0x1A560];
	[tilespmem:$0x2510] =	vst v24  }
0x1cf: {  	v29 =	vld [tilespmem:$0x1A900];
	[tilespmem:$0x2530] =	vst v25  }
0x1d0: {  	v30 =	vld [tilespmem:$0x1A910];
	[tilespmem:$0x2540] =	vst v26  }
0x1d1: {  	[tilespmem:$0x2520] =	vst v3;
	v3 =	vld [tilespmem:$0x1A570]  }
0x1d2: {  	v31 =	vld [tilespmem:$0x1A920];
	[tilespmem:$0x2550] =	vst v27  }
0x1d3: {  	v32 =	vld [tilespmem:$0x1A930];
	[tilespmem:$0x2560] =	vst v28  }
0x1d4: {  	v33 =	vld [tilespmem:$0x1A950];
	[tilespmem:$0x2900] =	vst v29  }
0x1d5: {  	v34 =	vld [tilespmem:$0x1A960];
	[tilespmem:$0x2910] =	vst v30  }
0x1d6: {  	[tilespmem:$0x2570] =	vst v3;
	v3 =	vld [tilespmem:$0x1A940]  }
0x1d7: {  	v35 =	vld [tilespmem:$0x1A970];
	[tilespmem:$0x2920] =	vst v31  }
0x1d8: {  	v36 =	vld [tilespmem:$0x1AD00];
	[tilespmem:$0x2930] =	vst v32  }
0x1d9: {  	v37 =	vld [tilespmem:$0x1AD20];
	[tilespmem:$0x2950] =	vst v33  }
0x1da: {  	v38 =	vld [tilespmem:$0x1AD30];
	[tilespmem:$0x2960] =	vst v34  }
0x1db: {  	[tilespmem:$0x2940] =	vst v3;
	v3 =	vld [tilespmem:$0x1AD10]  }
0x1dc: {  	v39 =	vld [tilespmem:$0x1AD40];
	[tilespmem:$0x2970] =	vst v35  }
0x1dd: {  	v40 =	vld [tilespmem:$0x1AD50];
	[tilespmem:$0x2D00] =	vst v36  }
0x1de: {  	v41 =	vld [tilespmem:$0x1AD70];
	[tilespmem:$0x2D20] =	vst v37  }
0x1df: {  	v42 =	vld [tilespmem:$0x1B100];
	[tilespmem:$0x2D30] =	vst v38  }
0x1e0: {  	[tilespmem:$0x2D10] =	vst v3;
	v3 =	vld [tilespmem:$0x1AD60]  }
0x1e1: {  	v43 =	vld [tilespmem:$0x1B110];
	[tilespmem:$0x2D40] =	vst v39  }
0x1e2: {  	v44 =	vld [tilespmem:$0x1B120];
	[tilespmem:$0x2D50] =	vst v40  }
0x1e3: {  	v45 =	vld [tilespmem:$0x1B140];
	[tilespmem:$0x2D70] =	vst v41  }
0x1e4: {  	v46 =	vld [tilespmem:$0x1B150];
	[tilespmem:$0x3100] =	vst v42  }
0x1e5: {  	[tilespmem:$0x2D60] =	vst v3;
	v3 =	vld [tilespmem:$0x1B130]  }
0x1e6: {  	v47 =	vld [tilespmem:$0x1B160];
	[tilespmem:$0x3110] =	vst v43  }
0x1e7: {  	v48 =	vld [tilespmem:$0x1B170];
	[tilespmem:$0x3120] =	vst v44  }
0x1e8: {  	v49 =	vld [tilespmem:$0x1B510];
	[tilespmem:$0x3140] =	vst v45  }
0x1e9: {  	v50 =	vld [tilespmem:$0x1B520];
	[tilespmem:$0x3150] =	vst v46  }
0x1ea: {  	[tilespmem:$0x3130] =	vst v3;
	v3 =	vld [tilespmem:$0x1B500]  }
0x1eb: {  	v51 =	vld [tilespmem:$0x1B530];
	[tilespmem:$0x3160] =	vst v47  }
0x1ec: {  	v52 =	vld [tilespmem:$0x1B540];
	[tilespmem:$0x3170] =	vst v48  }
0x1ed: {  	v53 =	vld [tilespmem:$0x1B560];
	[tilespmem:$0x3510] =	vst v49  }
0x1ee: {  	v54 =	vld [tilespmem:$0x1B570];
	[tilespmem:$0x3520] =	vst v50  }
0x1ef: {  	[tilespmem:$0x3500] =	vst v3;
	v3 =	vld [tilespmem:$0x1B550]  }
0x1f0: {  	v55 =	vld [tilespmem:$0x1B900];
	[tilespmem:$0x3530] =	vst v51  }
0x1f1: {  	v56 =	vld [tilespmem:$0x1B910];
	[tilespmem:$0x3540] =	vst v52  }
0x1f2: {  	v57 =	vld [tilespmem:$0x1B930];
	[tilespmem:$0x3560] =	vst v53  }
0x1f3: {  	v58 =	vld [tilespmem:$0x1B940];
	[tilespmem:$0x3570] =	vst v54  }
0x1f4: {  	[tilespmem:$0x3550] =	vst v3;
	v3 =	vld [tilespmem:$0x1B920]  }
0x1f5: {  	v59 =	vld [tilespmem:$0x1B950];
	[tilespmem:$0x3900] =	vst v55  }
0x1f6: {  	v60 =	vld [tilespmem:$0x1B960];
	[tilespmem:$0x3910] =	vst v56  }
0x1f7: {  	v61 =	vld [tilespmem:$0x1BD00];
	[tilespmem:$0x3930] =	vst v57  }
0x1f8: {  	v62 =	vld [tilespmem:$0x1BD10];
	[tilespmem:$0x3940] =	vst v58  }
0x1f9: {  	[tilespmem:$0x3920] =	vst v3;
	v3 =	vld [tilespmem:$0x1B970]  }
0x1fa: {  	v63 =	vld [tilespmem:$0x1BD20];
	[tilespmem:$0x3950] =	vst v59  }
0x1fb: {  	v9 =	vld [tilespmem:$0x1BD30];
	[tilespmem:$0x3960] =	vst v60  }
0x1fc: {  	v10 =	vld [tilespmem:$0x1BD50];
	[tilespmem:$0x3D00] =	vst v61  }
0x1fd: {  	v11 =	vld [tilespmem:$0x1BD60];
	[tilespmem:$0x3D10] =	vst v62  }
0x1fe: {  	[tilespmem:$0x3970] =	vst v3;
	v3 =	vld [tilespmem:$0x1BD40]  }
0x1ff: {  	v12 =	vld [tilespmem:$0x1BD70];
	[tilespmem:$0x3D20] =	vst v63  }
0x200: {  	v13 =	vld [tilespmem:$0x1A180];
	[tilespmem:$0x3D30] =	vst v9  }
0x201: {  	v14 =	vld [tilespmem:$0x1A1A0];
	[tilespmem:$0x3D50] =	vst v10  }
0x202: {  	v15 =	vld [tilespmem:$0x1A1B0];
	[tilespmem:$0x3D60] =	vst v11  }
0x203: {  	[tilespmem:$0x3D40] =	vst v3;
	v3 =	vld [tilespmem:$0x1A190]  }
0x204: {  	v16 =	vld [tilespmem:$0x1A1C0];
	[tilespmem:$0x3D70] =	vst v12  }
0x205: {  	v17 =	vld [tilespmem:$0x1A1D0];
	[tilespmem:$0x2180] =	vst v13  }
0x206: {  	v18 =	vld [tilespmem:$0x1A1F0];
	[tilespmem:$0x21A0] =	vst v14  }
0x207: {  	v19 =	vld [tilespmem:$0x1A580];
	[tilespmem:$0x21B0] =	vst v15  }
0x208: {  	[tilespmem:$0x2190] =	vst v3;
	v3 =	vld [tilespmem:$0x1A1E0]  }
0x209: {  	v20 =	vld [tilespmem:$0x1A590];
	[tilespmem:$0x21C0] =	vst v16  }
0x20a: {  	[tilespmem:$0x21D0] =	vst v17;
	v21 =	vld [tilespmem:$0x1A5A0]  }
0x20b: {  	[tilespmem:$0x21F0] =	vst v18;
	v22 =	vld [tilespmem:$0x1A5C0]  }
0x20c: {  	[tilespmem:$0x2580] =	vst v19;
	v23 =	vld [tilespmem:$0x1A5D0]  }
0x20d: {  	[tilespmem:$0x21E0] =	vst v3;
	v3 =	vld [tilespmem:$0x1A5B0]  }
0x20e: {  	[tilespmem:$0x2590] =	vst v20;
	v24 =	vld [tilespmem:$0x1A5E0]  }
0x20f: {  	v25 =	vld [tilespmem:$0x1A5F0];
	[tilespmem:$0x25A0] =	vst v21  }
0x210: {  	v26 =	vld [tilespmem:$0x1A990];
	[tilespmem:$0x25C0] =	vst v22  }
0x211: {  	v27 =	vld [tilespmem:$0x1A9A0];
	[tilespmem:$0x25D0] =	vst v23  }
0x212: {  	[tilespmem:$0x25B0] =	vst v3;
	v3 =	vld [tilespmem:$0x1A980]  }
0x213: {  	v28 =	vld [tilespmem:$0x1A9B0];
	[tilespmem:$0x25E0] =	vst v24  }
0x214: {  	v29 =	vld [tilespmem:$0x1A9C0];
	[tilespmem:$0x25F0] =	vst v25  }
0x215: {  	v30 =	vld [tilespmem:$0x1A9E0];
	[tilespmem:$0x2990] =	vst v26  }
0x216: {  	v31 =	vld [tilespmem:$0x1A9F0];
	[tilespmem:$0x29A0] =	vst v27  }
0x217: {  	[tilespmem:$0x2980] =	vst v3;
	v3 =	vld [tilespmem:$0x1A9D0]  }
0x218: {  	v32 =	vld [tilespmem:$0x1AD80];
	[tilespmem:$0x29B0] =	vst v28  }
0x219: {  	v33 =	vld [tilespmem:$0x1AD90];
	[tilespmem:$0x29C0] =	vst v29  }
0x21a: {  	v34 =	vld [tilespmem:$0x1ADB0];
	[tilespmem:$0x29E0] =	vst v30  }
0x21b: {  	v35 =	vld [tilespmem:$0x1ADC0];
	[tilespmem:$0x29F0] =	vst v31  }
0x21c: {  	[tilespmem:$0x29D0] =	vst v3;
	v3 =	vld [tilespmem:$0x1ADA0]  }
0x21d: {  	v36 =	vld [tilespmem:$0x1ADD0];
	[tilespmem:$0x2D80] =	vst v32  }
0x21e: {  	v37 =	vld [tilespmem:$0x1ADE0];
	[tilespmem:$0x2D90] =	vst v33  }
0x21f: {  	v38 =	vld [tilespmem:$0x1B180];
	[tilespmem:$0x2DB0] =	vst v34  }
0x220: {  	v39 =	vld [tilespmem:$0x1B190];
	[tilespmem:$0x2DC0] =	vst v35  }
0x221: {  	[tilespmem:$0x2DA0] =	vst v3;
	v3 =	vld [tilespmem:$0x1ADF0]  }
0x222: {  	v40 =	vld [tilespmem:$0x1B1A0];
	[tilespmem:$0x2DD0] =	vst v36  }
0x223: {  	v41 =	vld [tilespmem:$0x1B1B0];
	[tilespmem:$0x2DE0] =	vst v37  }
0x224: {  	v42 =	vld [tilespmem:$0x1B1D0];
	[tilespmem:$0x3180] =	vst v38  }
0x225: {  	v43 =	vld [tilespmem:$0x1B1E0];
	[tilespmem:$0x3190] =	vst v39  }
0x226: {  	[tilespmem:$0x2DF0] =	vst v3;
	v3 =	vld [tilespmem:$0x1B1C0]  }
0x227: {  	v44 =	vld [tilespmem:$0x1B1F0];
	[tilespmem:$0x31A0] =	vst v40  }
0x228: {  	v45 =	vld [tilespmem:$0x1B580];
	[tilespmem:$0x31B0] =	vst v41  }
0x229: {  	v46 =	vld [tilespmem:$0x1B5A0];
	[tilespmem:$0x31D0] =	vst v42  }
0x22a: {  	v47 =	vld [tilespmem:$0x1B5B0];
	[tilespmem:$0x31E0] =	vst v43  }
0x22b: {  	[tilespmem:$0x31C0] =	vst v3;
	v3 =	vld [tilespmem:$0x1B590]  }
0x22c: {  	v48 =	vld [tilespmem:$0x1B5C0];
	[tilespmem:$0x31F0] =	vst v44  }
0x22d: {  	v49 =	vld [tilespmem:$0x1B5D0];
	[tilespmem:$0x3580] =	vst v45  }
0x22e: {  	v50 =	vld [tilespmem:$0x1B5F0];
	[tilespmem:$0x35A0] =	vst v46  }
0x22f: {  	v51 =	vld [tilespmem:$0x1B980];
	[tilespmem:$0x35B0] =	vst v47  }
0x230: {  	[tilespmem:$0x3590] =	vst v3;
	v3 =	vld [tilespmem:$0x1B5E0]  }
0x231: {  	v52 =	vld [tilespmem:$0x1B990];
	[tilespmem:$0x35C0] =	vst v48  }
0x232: {  	v53 =	vld [tilespmem:$0x1B9A0];
	[tilespmem:$0x35D0] =	vst v49  }
0x233: {  	v54 =	vld [tilespmem:$0x1B9C0];
	[tilespmem:$0x35F0] =	vst v50  }
0x234: {  	v55 =	vld [tilespmem:$0x1B9D0];
	[tilespmem:$0x3980] =	vst v51  }
0x235: {  	[tilespmem:$0x35E0] =	vst v3;
	v3 =	vld [tilespmem:$0x1B9B0]  }
0x236: {  	v56 =	vld [tilespmem:$0x1B9E0];
	[tilespmem:$0x3990] =	vst v52  }
0x237: {  	v57 =	vld [tilespmem:$0x1B9F0];
	[tilespmem:$0x39A0] =	vst v53  }
0x238: {  	v58 =	vld [tilespmem:$0x1BD90];
	[tilespmem:$0x39C0] =	vst v54  }
0x239: {  	v59 =	vld [tilespmem:$0x1BDA0];
	[tilespmem:$0x39D0] =	vst v55  }
0x23a: {  	[tilespmem:$0x39B0] =	vst v3;
	v3 =	vld [tilespmem:$0x1BD80]  }
0x23b: {  	v60 =	vld [tilespmem:$0x1BDB0];
	[tilespmem:$0x39E0] =	vst v56  }
0x23c: {  	v61 =	vld [tilespmem:$0x1BDC0];
	[tilespmem:$0x39F0] =	vst v57  }
0x23d: {  	v62 =	vld [tilespmem:$0x1BDE0];
	[tilespmem:$0x3D90] =	vst v58  }
0x23e: {  	v63 =	vld [tilespmem:$0x1BDF0];
	[tilespmem:$0x3DA0] =	vst v59  }
0x23f: {  	[tilespmem:$0x3D80] =	vst v3;
	v3 =	vld [tilespmem:$0x1BDD0]  }
.Ltmp3:
0x240: {  	[tilespmem:$0x3DB0] =	vst v60;
	(pc) =	sbr.rel .LBB2_3-.Ltmp3, $4  }
0x241: {  	[tilespmem:$0x3DC0] =	vst v61  }
0x242: {  	[tilespmem:$0x3DE0] =	vst v62  }
0x243: {  	[tilespmem:$0x3DF0] =	vst v63  }
0x244: {  	s13 =	simm.s32 $0x7900;
	[tilespmem:$0x3DD0] =	vst v3  }
.LBB2_4:
0x245: {  	_ =	sfence.sel $0x180000  }
0x246: {  	[bflag:$0x0] =	sbarrier.arrive $0xFFFF  }
0x247: {  	_ =	strace $0x90000047  }
0x248: {  	s0 =	stileid.u32;
	[bflag:$0x2] =	sbarrier.arrive $0xFFFF  }
0x249: {  	p0 =	sne.s32 s0, $0x0;
	s0 =	rddreg [dreg:$0x3]  }
0x24a: {  	s0 =	sadd.s32 @!p0 $0x100000, s0  }
0x24b: {  	[sflag:s0] =	ssyncadd.tile.s32 @!p0 $0x1;
	_ =	shalt  }
.Lfunc_end2:
_tile_overlayer_lowered:
.L_overlay_start_2:
0x24c: {  	(tag) =	ssettag $0x2  }
0x24d: {  	s0 =	rddreg [dreg:$0x0];
	s2 =	stileid.u32  }
0x24e: {  	s1 =	rddreg [dreg:$0x1];
	p0 =	sne.s32 s2, $0x0  }
0x24f: {  	s3 =	rddreg [dreg:$0x2];
	[bflag:$0x3] =	sbarrier.arrive $0xFFFF;
	s2 =	simm.s32 @!p0 $0x1C07  }
0x250: {  	[timem:s3], [sflag:s2] =	dma.local @!p0 [hbm:s0], s1  }
0x251: {  	s0 =	simm.s32 @!p0 $0x7  }
0x252: {  	_ =	swait.ge @!p0 [sflag:s0], s1  }
0x253: {  	s1 =	ssub.s32 @!p0 $0x0, s1;
	[sflag:s0] =	ssyncset.done @!p0 $0x0  }
0x254: {  	[sflag:s0] =	ssyncadd.s32 @!p0 s1  }
0x255: {  	[bflag:$0x3] =	sbarrier.arrive $0xFFFF  }
0x256: {  	_ =	shalt  }

</sc_bundles>
